<compile_context>
chip_gen: v7x
topology: tpu7x:2x2x1
jax: 0.10.2.dev20260603
libtpu: 0.0.44.dev20260713+nightly
codegen_flags: <defaults>
</compile_context>

<pallas_src>
import functools

import jax
import jax.numpy as jnp
from jax import lax
from jax.experimental import pallas as pl
from jax.experimental.pallas import tpu as pltpu
from jax.experimental.pallas import tpu_sc as plsc

B = 4
R = 8192
C = 4096
TOTAL = B * C
LANES = 16

_info = plsc.get_sparse_core_info()
NC = _info.num_cores
NS = _info.num_subcores
NW = NC * NS
PER_W = TOTAL // NW
WIN = 128
GRP = 64
NGROUP = PER_W // GRP

_mesh = plsc.VectorSubcoreMesh(core_axis_name="c", subcore_axis_name="s")


@functools.partial(
    pl.kernel,
    mesh=_mesh,
    out_type=jax.ShapeDtypeStruct((B, 1, C), jnp.float32),
    scratch_types=[
        pltpu.VMEM((PER_W,), jnp.int32),
        pltpu.VMEM((NGROUP, GRP, WIN), jnp.float32),
        pltpu.VMEM((PER_W,), jnp.float32),
    ]
    + [pltpu.SemaphoreType.DMA] * NGROUP,
    compiler_params=pltpu.CompilerParams(needs_layout_passes=False),
)
def _gather_kernel(x_hbm, idx_hbm, out_hbm, idx_v, vals_v, res_v, *sems):
    wid = lax.axis_index("s") * NC + lax.axis_index("c")
    base = wid * PER_W
    b = base // C
    c0 = base - b * C

    pltpu.sync_copy(idx_hbm.at[b, 0, pl.ds(c0, PER_W)], idx_v)

    for j in range(PER_W // LANES):
        sl = pl.ds(j * LANES, LANES)
        idx_v[sl] = idx_v[sl] + (b * R)

    copies = []
    for g in range(NGROUP):
        rows = idx_v.at[pl.ds(g * GRP, GRP)]
        cw = c0 + (g // 2) * WIN
        copies.append(
            pltpu.async_copy(
                x_hbm.at[rows, pl.ds(cw, WIN)], vals_v.at[g], sems[g]
            )
        )

    lane = lax.iota(jnp.int32, LANES)
    for g in range(NGROUP):
        copies[g].wait()
        for j in range(GRP // LANES):
            rowsel = lane + (j * LANES)
            colsel = rowsel + ((g % 2) * GRP)
            res_v[pl.ds(g * GRP + j * LANES, LANES)] = plsc.load_gather(
                vals_v.at[g], [rowsel, colsel]
            )

    pltpu.sync_copy(res_v, out_hbm.at[b, 0, pl.ds(c0, PER_W)])


def kernel(x, index):
    x2d = x.reshape(B * R, C)
    return _gather_kernel(x2d, index)

# --- scband reference (transcript-rebuilt; emitter-appended) ---
"""Pipeline reference for scband-variable-index-pool-31413390803515 (READ-ONLY COPY).

The authoritative reference and input builder live on the scoring server;
editing this copy changes nothing except your own understanding.
"""

import jax, jax.numpy as jnp
import numpy as np


def setup_inputs(seed: int = 0) -> dict:
    key = jax.random.key(seed)
    k1, k2 = jax.random.split(key)
    x = jax.random.normal(k1, (4, 8192, 4096), dtype=jnp.float32)
    index = jax.random.randint(k2, (4, 1, 4096), 0, 8192, dtype=jnp.int32)
    return {"x": x, "index": index}


def reference(x, index):
    # torch: x.gather(dim=1, index=index)  ->  jnp.take_along_axis(x, index, axis=1)
    return jnp.take_along_axis(x, index, axis=1)

if __name__ == "__main__":
    import jax
    _d = setup_inputs()
    print(jax.jit(kernel)(*tuple(_d.values())))

</pallas_src>

<mosaic_0001>
#map = affine_map<(d0, d1) -> (0, 0)>
#map1 = affine_map<(d0, d1) -> (0, 0, 0)>
module attributes {stable_mosaic.version = 14 : i64} {
  func.func @_gather_kernel(%arg0: i32, %arg1: i32, %arg2: memref<32768x4096xf32, #tpu.memory_space<hbm>>, %arg3: memref<4x1x4096xi32, #tpu.memory_space<hbm>>, %arg4: memref<4x1x4096xf32, #tpu.memory_space<hbm>>, %arg5: memref<512xi32, #tpu.memory_space<vmem>>, %arg6: memref<8x64x128xf32, #tpu.memory_space<vmem>>, %arg7: memref<512xf32, #tpu.memory_space<vmem>>, %arg8: memref<!tpu.dma_semaphore, #tpu.memory_space<semaphore_mem>>, %arg9: memref<!tpu.dma_semaphore, #tpu.memory_space<semaphore_mem>>, %arg10: memref<!tpu.dma_semaphore, #tpu.memory_space<semaphore_mem>>, %arg11: memref<!tpu.dma_semaphore, #tpu.memory_space<semaphore_mem>>, %arg12: memref<!tpu.dma_semaphore, #tpu.memory_space<semaphore_mem>>, %arg13: memref<!tpu.dma_semaphore, #tpu.memory_space<semaphore_mem>>, %arg14: memref<!tpu.dma_semaphore, #tpu.memory_space<semaphore_mem>>, %arg15: memref<!tpu.dma_semaphore, #tpu.memory_space<semaphore_mem>>) attributes {dimension_semantics = [#tpu.dimension_semantics<core_parallel>, #tpu.dimension_semantics<subcore_parallel>], iteration_bounds = array<i64: 2, 16>, scalar_prefetch = 0 : i64, scratch_operands = 11 : i64, tpu.core_type = #tpu.core_type<sc_vector_subcore>, window_params = [{transform_indices = #map}, {transform_indices = #map1}, {transform_indices = #map1}]} {
    %mul3A = arith.constant 2 : i32
    %mul3A_0 = arith.muli %arg1, %mul3A : i32
    %add3A = arith.addi %mul3A_0, %arg0 : i32
    %mul3A_1 = arith.constant 512 : i32
    %mul3A_2 = arith.muli %add3A, %mul3A_1 : i32
    %jit3A = arith.constant 4096 : i32
    %div3A = arith.divsi %mul3A_2, %jit3A : i32
    %sign3A = arith.constant 0 : i32
    %sign3A_3 = arith.cmpi sgt, %mul3A_2, %sign3A : i32
    %sign3A_4 = arith.extui %sign3A_3 : i1 to i32
    %sign3A_5 = arith.constant 0 : i32
    %sign3A_6 = arith.cmpi slt, %mul3A_2, %sign3A_5 : i32
    %sign3A_7 = arith.extui %sign3A_6 : i1 to i32
    %sign3A_8 = arith.subi %sign3A_4, %sign3A_7 : i32
    %sign3A_9 = arith.constant 0 : i32
    %sign3A_10 = arith.cmpi sgt, %jit3A, %sign3A_9 : i32
    %sign3A_11 = arith.extui %sign3A_10 : i1 to i32
    %sign3A_12 = arith.constant 0 : i32
    %sign3A_13 = arith.cmpi slt, %jit3A, %sign3A_12 : i32
    %sign3A_14 = arith.extui %sign3A_13 : i1 to i32
    %sign3A_15 = arith.subi %sign3A_11, %sign3A_14 : i32
    %ne3A = arith.cmpi ne, %sign3A_8, %sign3A_15 : i32
    %rem3A = arith.remsi %mul3A_2, %jit3A : i32
    %ne3A_16 = arith.constant 0 : i32
    %ne3A_17 = arith.cmpi ne, %rem3A, %ne3A_16 : i32
    %and3A = arith.andi %ne3A, %ne3A_17 : i1
    %sub3A = arith.constant 1 : i32
    %sub3A_18 = arith.subi %div3A, %sub3A : i32
    %select_n3A = arith.select %and3A, %sub3A_18, %div3A : i32
    %mul3A_19 = arith.constant 4096 : i32
    %mul3A_20 = arith.muli %select_n3A, %mul3A_19 : i32
    %sub3A_21 = arith.subi %mul3A_2, %mul3A_20 : i32
    %run_scoped3A = arith.constant 0 : i32
    "tpu.region"() ({
      %run_scoped3A_882 = tpu.sem_alloc : memref<!tpu.dma_semaphore, #tpu.memory_space<semaphore_mem>>
      %dma_start3A_883 = tpu.memref_slice %arg3[%select_n3A, %run_scoped3A, %sub3A_21] : memref<4x1x4096xi32, #tpu.memory_space<hbm>> -> memref<1x1x512xi32, #tpu.memory_space<hbm>>
      %dma_start3A_884 = tpu.memref_squeeze %dma_start3A_883 : memref<1x1x512xi32, #tpu.memory_space<hbm>> -> memref<512xi32, #tpu.memory_space<hbm>>
      %dma_start3A_885 = tpu.memref_slice %arg3[%select_n3A, %run_scoped3A, %sub3A_21] : memref<4x1x4096xi32, #tpu.memory_space<hbm>> -> memref<1x1x512xi32, #tpu.memory_space<hbm>>
      %dma_start3A_886 = tpu.memref_squeeze %dma_start3A_885 : memref<1x1x512xi32, #tpu.memory_space<hbm>> -> memref<512xi32, #tpu.memory_space<hbm>>
      tpu.enqueue_dma source(%dma_start3A_886 : memref<512xi32, #tpu.memory_space<hbm>>) target(%arg5 : memref<512xi32, #tpu.memory_space<vmem>>) target_semaphore(%run_scoped3A_882 : memref<!tpu.dma_semaphore, #tpu.memory_space<semaphore_mem>>)
      %dma_wait3A_887 = tpu.memref_slice %arg3[%select_n3A, %run_scoped3A, %sub3A_21] : memref<4x1x4096xi32, #tpu.memory_space<hbm>> -> memref<1x1x512xi32, #tpu.memory_space<hbm>>
      %dma_wait3A_888 = tpu.memref_squeeze %dma_wait3A_887 : memref<1x1x512xi32, #tpu.memory_space<hbm>> -> memref<512xi32, #tpu.memory_space<hbm>>
      %dma_wait3A_889 = tpu.memref_slice %arg3[%select_n3A, %run_scoped3A, %sub3A_21] : memref<4x1x4096xi32, #tpu.memory_space<hbm>> -> memref<1x1x512xi32, #tpu.memory_space<hbm>>
      %dma_wait3A_890 = tpu.memref_squeeze %dma_wait3A_889 : memref<1x1x512xi32, #tpu.memory_space<hbm>> -> memref<512xi32, #tpu.memory_space<hbm>>
      tpu.wait_dma2 semaphore(%run_scoped3A_882 : memref<!tpu.dma_semaphore, #tpu.memory_space<semaphore_mem>>) src(%dma_wait3A_890 : memref<512xi32, #tpu.memory_space<hbm>>) dst(%arg5 : memref<512xi32, #tpu.memory_space<vmem>>)
      tpu.yield
    }) : () -> ()
    %get3A = arith.constant 0 : index
    %get3A_22 = tpu.vector_load %arg5[%get3A] {strides = array<i32>} : memref<512xi32, #tpu.memory_space<vmem>>, vector<16xi32>,
    %mul3A_23 = arith.constant 8192 : i32
    %mul3A_24 = arith.muli %select_n3A, %mul3A_23 : i32
    %add3A_25 = vector.broadcast %mul3A_24 : i32 to vector<16xi32>
    %add3A_26 = arith.addi %get3A_22, %add3A_25 : vector<16xi32>
    %swap3A = arith.constant 0 : index
    %swap3A_27 = tpu.vector_load %arg5[%swap3A] {strides = array<i32>} : memref<512xi32, #tpu.memory_space<vmem>>, vector<16xi32>,
    tpu.vector_store %arg5[%swap3A], %add3A_26 {strides = array<i32>} : memref<512xi32, #tpu.memory_space<vmem>>, vector<16xi32>,
    %get3A_28 = arith.constant 16 : index
    %get3A_29 = tpu.vector_load %arg5[%get3A_28] {strides = array<i32>} : memref<512xi32, #tpu.memory_space<vmem>>, vector<16xi32>,
    %mul3A_30 = arith.constant 8192 : i32
    %mul3A_31 = arith.muli %select_n3A, %mul3A_30 : i32
    %add3A_32 = vector.broadcast %mul3A_31 : i32 to vector<16xi32>
    %add3A_33 = arith.addi %get3A_29, %add3A_32 : vector<16xi32>
    %swap3A_34 = arith.constant 16 : index
    %swap3A_35 = tpu.vector_load %arg5[%swap3A_34] {strides = array<i32>} : memref<512xi32, #tpu.memory_space<vmem>>, vector<16xi32>,
    tpu.vector_store %arg5[%swap3A_34], %add3A_33 {strides = array<i32>} : memref<512xi32, #tpu.memory_space<vmem>>, vector<16xi32>,
    %get3A_36 = arith.constant 32 : index
    %get3A_37 = tpu.vector_load %arg5[%get3A_36] {strides = array<i32>} : memref<512xi32, #tpu.memory_space<vmem>>, vector<16xi32>,
    %mul3A_38 = arith.constant 8192 : i32
    %mul3A_39 = arith.muli %select_n3A, %mul3A_38 : i32
    %add3A_40 = vector.broadcast %mul3A_39 : i32 to vector<16xi32>
    %add3A_41 = arith.addi %get3A_37, %add3A_40 : vector<16xi32>
    %swap3A_42 = arith.constant 32 : index
    %swap3A_43 = tpu.vector_load %arg5[%swap3A_42] {strides = array<i32>} : memref<512xi32, #tpu.memory_space<vmem>>, vector<16xi32>,
    tpu.vector_store %arg5[%swap3A_42], %add3A_41 {strides = array<i32>} : memref<512xi32, #tpu.memory_space<vmem>>, vector<16xi32>,
    %get3A_44 = arith.constant 48 : index
    %get3A_45 = tpu.vector_load %arg5[%get3A_44] {strides = array<i32>} : memref<512xi32, #tpu.memory_space<vmem>>, vector<16xi32>,
    %mul3A_46 = arith.constant 8192 : i32
    %mul3A_47 = arith.muli %select_n3A, %mul3A_46 : i32
    %add3A_48 = vector.broadcast %mul3A_47 : i32 to vector<16xi32>
    %add3A_49 = arith.addi %get3A_45, %add3A_48 : vector<16xi32>
    %swap3A_50 = arith.constant 48 : index
    %swap3A_51 = tpu.vector_load %arg5[%swap3A_50] {strides = array<i32>} : memref<512xi32, #tpu.memory_space<vmem>>, vector<16xi32>,
    tpu.vector_store %arg5[%swap3A_50], %add3A_49 {strides = array<i32>} : memref<512xi32, #tpu.memory_space<vmem>>, vector<16xi32>,
    %get3A_52 = arith.constant 64 : index
    %get3A_53 = tpu.vector_load %arg5[%get3A_52] {strides = array<i32>} : memref<512xi32, #tpu.memory_space<vmem>>, vector<16xi32>,
    %mul3A_54 = arith.constant 8192 : i32
    %mul3A_55 = arith.muli %select_n3A, %mul3A_54 : i32
    %add3A_56 = vector.broadcast %mul3A_55 : i32 to vector<16xi32>
    %add3A_57 = arith.addi %get3A_53, %add3A_56 : vector<16xi32>
    %swap3A_58 = arith.constant 64 : index
    %swap3A_59 = tpu.vector_load %arg5[%swap3A_58] {strides = array<i32>} : memref<512xi32, #tpu.memory_space<vmem>>, vector<16xi32>,
    tpu.vector_store %arg5[%swap3A_58], %add3A_57 {strides = array<i32>} : memref<512xi32, #tpu.memory_space<vmem>>, vector<16xi32>,
    %get3A_60 = arith.constant 80 : index
    %get3A_61 = tpu.vector_load %arg5[%get3A_60] {strides = array<i32>} : memref<512xi32, #tpu.memory_space<vmem>>, vector<16xi32>,
    %mul3A_62 = arith.constant 8192 : i32
    %mul3A_63 = arith.muli %select_n3A, %mul3A_62 : i32
    %add3A_64 = vector.broadcast %mul3A_63 : i32 to vector<16xi32>
    %add3A_65 = arith.addi %get3A_61, %add3A_64 : vector<16xi32>
    %swap3A_66 = arith.constant 80 : index
    %swap3A_67 = tpu.vector_load %arg5[%swap3A_66] {strides = array<i32>} : memref<512xi32, #tpu.memory_space<vmem>>, vector<16xi32>,
    tpu.vector_store %arg5[%swap3A_66], %add3A_65 {strides = array<i32>} : memref<512xi32, #tpu.memory_space<vmem>>, vector<16xi32>,
    %get3A_68 = arith.constant 96 : index
    %get3A_69 = tpu.vector_load %arg5[%get3A_68] {strides = array<i32>} : memref<512xi32, #tpu.memory_space<vmem>>, vector<16xi32>,
    %mul3A_70 = arith.constant 8192 : i32
    %mul3A_71 = arith.muli %select_n3A, %mul3A_70 : i32
    %add3A_72 = vector.broadcast %mul3A_71 : i32 to vector<16xi32>
    %add3A_73 = arith.addi %get3A_69, %add3A_72 : vector<16xi32>
    %swap3A_74 = arith.constant 96 : index
    %swap3A_75 = tpu.vector_load %arg5[%swap3A_74] {strides = array<i32>} : memref<512xi32, #tpu.memory_space<vmem>>, vector<16xi32>,
    tpu.vector_store %arg5[%swap3A_74], %add3A_73 {strides = array<i32>} : memref<512xi32, #tpu.memory_space<vmem>>, vector<16xi32>,
    %get3A_76 = arith.constant 112 : index
    %get3A_77 = tpu.vector_load %arg5[%get3A_76] {strides = array<i32>} : memref<512xi32, #tpu.memory_space<vmem>>, vector<16xi32>,
    %mul3A_78 = arith.constant 8192 : i32
    %mul3A_79 = arith.muli %select_n3A, %mul3A_78 : i32
    %add3A_80 = vector.broadcast %mul3A_79 : i32 to vector<16xi32>
    %add3A_81 = arith.addi %get3A_77, %add3A_80 : vector<16xi32>
    %swap3A_82 = arith.constant 112 : index
    %swap3A_83 = tpu.vector_load %arg5[%swap3A_82] {strides = array<i32>} : memref<512xi32, #tpu.memory_space<vmem>>, vector<16xi32>,
    tpu.vector_store %arg5[%swap3A_82], %add3A_81 {strides = array<i32>} : memref<512xi32, #tpu.memory_space<vmem>>, vector<16xi32>,
    %get3A_84 = arith.constant 128 : index
    %get3A_85 = tpu.vector_load %arg5[%get3A_84] {strides = array<i32>} : memref<512xi32, #tpu.memory_space<vmem>>, vector<16xi32>,
    %mul3A_86 = arith.constant 8192 : i32
    %mul3A_87 = arith.muli %select_n3A, %mul3A_86 : i32
    %add3A_88 = vector.broadcast %mul3A_87 : i32 to vector<16xi32>
    %add3A_89 = arith.addi %get3A_85, %add3A_88 : vector<16xi32>
    %swap3A_90 = arith.constant 128 : index
    %swap3A_91 = tpu.vector_load %arg5[%swap3A_90] {strides = array<i32>} : memref<512xi32, #tpu.memory_space<vmem>>, vector<16xi32>,
    tpu.vector_store %arg5[%swap3A_90], %add3A_89 {strides = array<i32>} : memref<512xi32, #tpu.memory_space<vmem>>, vector<16xi32>,
    %get3A_92 = arith.constant 144 : index
    %get3A_93 = tpu.vector_load %arg5[%get3A_92] {strides = array<i32>} : memref<512xi32, #tpu.memory_space<vmem>>, vector<16xi32>,
    %mul3A_94 = arith.constant 8192 : i32
    %mul3A_95 = arith.muli %select_n3A, %mul3A_94 : i32
    %add3A_96 = vector.broadcast %mul3A_95 : i32 to vector<16xi32>
    %add3A_97 = arith.addi %get3A_93, %add3A_96 : vector<16xi32>
    %swap3A_98 = arith.constant 144 : index
    %swap3A_99 = tpu.vector_load %arg5[%swap3A_98] {strides = array<i32>} : memref<512xi32, #tpu.memory_space<vmem>>, vector<16xi32>,
    tpu.vector_store %arg5[%swap3A_98], %add3A_97 {strides = array<i32>} : memref<512xi32, #tpu.memory_space<vmem>>, vector<16xi32>,
    %get3A_100 = arith.constant 160 : index
    %get3A_101 = tpu.vector_load %arg5[%get3A_100] {strides = array<i32>} : memref<512xi32, #tpu.memory_space<vmem>>, vector<16xi32>,
    %mul3A_102 = arith.constant 8192 : i32
    %mul3A_103 = arith.muli %select_n3A, %mul3A_102 : i32
    %add3A_104 = vector.broadcast %mul3A_103 : i32 to vector<16xi32>
    %add3A_105 = arith.addi %get3A_101, %add3A_104 : vector<16xi32>
    %swap3A_106 = arith.constant 160 : index
    %swap3A_107 = tpu.vector_load %arg5[%swap3A_106] {strides = array<i32>} : memref<512xi32, #tpu.memory_space<vmem>>, vector<16xi32>,
    tpu.vector_store %arg5[%swap3A_106], %add3A_105 {strides = array<i32>} : memref<512xi32, #tpu.memory_space<vmem>>, vector<16xi32>,
    %get3A_108 = arith.constant 176 : index
    %get3A_109 = tpu.vector_load %arg5[%get3A_108] {strides = array<i32>} : memref<512xi32, #tpu.memory_space<vmem>>, vector<16xi32>,
    %mul3A_110 = arith.constant 8192 : i32
    %mul3A_111 = arith.muli %select_n3A, %mul3A_110 : i32
    %add3A_112 = vector.broadcast %mul3A_111 : i32 to vector<16xi32>
    %add3A_113 = arith.addi %get3A_109, %add3A_112 : vector<16xi32>
    %swap3A_114 = arith.constant 176 : index
    %swap3A_115 = tpu.vector_load %arg5[%swap3A_114] {strides = array<i32>} : memref<512xi32, #tpu.memory_space<vmem>>, vector<16xi32>,
    tpu.vector_store %arg5[%swap3A_114], %add3A_113 {strides = array<i32>} : memref<512xi32, #tpu.memory_space<vmem>>, vector<16xi32>,
    %get3A_116 = arith.constant 192 : index
    %get3A_117 = tpu.vector_load %arg5[%get3A_116] {strides = array<i32>} : memref<512xi32, #tpu.memory_space<vmem>>, vector<16xi32>,
    %mul3A_118 = arith.constant 8192 : i32
    %mul3A_119 = arith.muli %select_n3A, %mul3A_118 : i32
    %add3A_120 = vector.broadcast %mul3A_119 : i32 to vector<16xi32>
    %add3A_121 = arith.addi %get3A_117, %add3A_120 : vector<16xi32>
    %swap3A_122 = arith.constant 192 : index
    %swap3A_123 = tpu.vector_load %arg5[%swap3A_122] {strides = array<i32>} : memref<512xi32, #tpu.memory_space<vmem>>, vector<16xi32>,
    tpu.vector_store %arg5[%swap3A_122], %add3A_121 {strides = array<i32>} : memref<512xi32, #tpu.memory_space<vmem>>, vector<16xi32>,
    %get3A_124 = arith.constant 208 : index
    %get3A_125 = tpu.vector_load %arg5[%get3A_124] {strides = array<i32>} : memref<512xi32, #tpu.memory_space<vmem>>, vector<16xi32>,
    %mul3A_126 = arith.constant 8192 : i32
    %mul3A_127 = arith.muli %select_n3A, %mul3A_126 : i32
    %add3A_128 = vector.broadcast %mul3A_127 : i32 to vector<16xi32>
    %add3A_129 = arith.addi %get3A_125, %add3A_128 : vector<16xi32>
    %swap3A_130 = arith.constant 208 : index
    %swap3A_131 = tpu.vector_load %arg5[%swap3A_130] {strides = array<i32>} : memref<512xi32, #tpu.memory_space<vmem>>, vector<16xi32>,
    tpu.vector_store %arg5[%swap3A_130], %add3A_129 {strides = array<i32>} : memref<512xi32, #tpu.memory_space<vmem>>, vector<16xi32>,
    %get3A_132 = arith.constant 224 : index
    %get3A_133 = tpu.vector_load %arg5[%get3A_132] {strides = array<i32>} : memref<512xi32, #tpu.memory_space<vmem>>, vector<16xi32>,
    %mul3A_134 = arith.constant 8192 : i32
    %mul3A_135 = arith.muli %select_n3A, %mul3A_134 : i32
    %add3A_136 = vector.broadcast %mul3A_135 : i32 to vector<16xi32>
    %add3A_137 = arith.addi %get3A_133, %add3A_136 : vector<16xi32>
    %swap3A_138 = arith.constant 224 : index
    %swap3A_139 = tpu.vector_load %arg5[%swap3A_138] {strides = array<i32>} : memref<512xi32, #tpu.memory_space<vmem>>, vector<16xi32>,
    tpu.vector_store %arg5[%swap3A_138], %add3A_137 {strides = array<i32>} : memref<512xi32, #tpu.memory_space<vmem>>, vector<16xi32>,
    %get3A_140 = arith.constant 240 : index
    %get3A_141 = tpu.vector_load %arg5[%get3A_140] {strides = array<i32>} : memref<512xi32, #tpu.memory_space<vmem>>, vector<16xi32>,
    %mul3A_142 = arith.constant 8192 : i32
    %mul3A_143 = arith.muli %select_n3A, %mul3A_142 : i32
    %add3A_144 = vector.broadcast %mul3A_143 : i32 to vector<16xi32>
    %add3A_145 = arith.addi %get3A_141, %add3A_144 : vector<16xi32>
    %swap3A_146 = arith.constant 240 : index
    %swap3A_147 = tpu.vector_load %arg5[%swap3A_146] {strides = array<i32>} : memref<512xi32, #tpu.memory_space<vmem>>, vector<16xi32>,
    tpu.vector_store %arg5[%swap3A_146], %add3A_145 {strides = array<i32>} : memref<512xi32, #tpu.memory_space<vmem>>, vector<16xi32>,
    %get3A_148 = arith.constant 256 : index
    %get3A_149 = tpu.vector_load %arg5[%get3A_148] {strides = array<i32>} : memref<512xi32, #tpu.memory_space<vmem>>, vector<16xi32>,
    %mul3A_150 = arith.constant 8192 : i32
    %mul3A_151 = arith.muli %select_n3A, %mul3A_150 : i32
    %add3A_152 = vector.broadcast %mul3A_151 : i32 to vector<16xi32>
    %add3A_153 = arith.addi %get3A_149, %add3A_152 : vector<16xi32>
    %swap3A_154 = arith.constant 256 : index
    %swap3A_155 = tpu.vector_load %arg5[%swap3A_154] {strides = array<i32>} : memref<512xi32, #tpu.memory_space<vmem>>, vector<16xi32>,
    tpu.vector_store %arg5[%swap3A_154], %add3A_153 {strides = array<i32>} : memref<512xi32, #tpu.memory_space<vmem>>, vector<16xi32>,
    %get3A_156 = arith.constant 272 : index
    %get3A_157 = tpu.vector_load %arg5[%get3A_156] {strides = array<i32>} : memref<512xi32, #tpu.memory_space<vmem>>, vector<16xi32>,
    %mul3A_158 = arith.constant 8192 : i32
    %mul3A_159 = arith.muli %select_n3A, %mul3A_158 : i32
    %add3A_160 = vector.broadcast %mul3A_159 : i32 to vector<16xi32>
    %add3A_161 = arith.addi %get3A_157, %add3A_160 : vector<16xi32>
    %swap3A_162 = arith.constant 272 : index
    %swap3A_163 = tpu.vector_load %arg5[%swap3A_162] {strides = array<i32>} : memref<512xi32, #tpu.memory_space<vmem>>, vector<16xi32>,
    tpu.vector_store %arg5[%swap3A_162], %add3A_161 {strides = array<i32>} : memref<512xi32, #tpu.memory_space<vmem>>, vector<16xi32>,
    %get3A_164 = arith.constant 288 : index
    %get3A_165 = tpu.vector_load %arg5[%get3A_164] {strides = array<i32>} : memref<512xi32, #tpu.memory_space<vmem>>, vector<16xi32>,
    %mul3A_166 = arith.constant 8192 : i32
    %mul3A_167 = arith.muli %select_n3A, %mul3A_166 : i32
    %add3A_168 = vector.broadcast %mul3A_167 : i32 to vector<16xi32>
    %add3A_169 = arith.addi %get3A_165, %add3A_168 : vector<16xi32>
    %swap3A_170 = arith.constant 288 : index
    %swap3A_171 = tpu.vector_load %arg5[%swap3A_170] {strides = array<i32>} : memref<512xi32, #tpu.memory_space<vmem>>, vector<16xi32>,
    tpu.vector_store %arg5[%swap3A_170], %add3A_169 {strides = array<i32>} : memref<512xi32, #tpu.memory_space<vmem>>, vector<16xi32>,
    %get3A_172 = arith.constant 304 : index
    %get3A_173 = tpu.vector_load %arg5[%get3A_172] {strides = array<i32>} : memref<512xi32, #tpu.memory_space<vmem>>, vector<16xi32>,
    %mul3A_174 = arith.constant 8192 : i32
    %mul3A_175 = arith.muli %select_n3A, %mul3A_174 : i32
    %add3A_176 = vector.broadcast %mul3A_175 : i32 to vector<16xi32>
    %add3A_177 = arith.addi %get3A_173, %add3A_176 : vector<16xi32>
    %swap3A_178 = arith.constant 304 : index
    %swap3A_179 = tpu.vector_load %arg5[%swap3A_178] {strides = array<i32>} : memref<512xi32, #tpu.memory_space<vmem>>, vector<16xi32>,
    tpu.vector_store %arg5[%swap3A_178], %add3A_177 {strides = array<i32>} : memref<512xi32, #tpu.memory_space<vmem>>, vector<16xi32>,
    %get3A_180 = arith.constant 320 : index
    %get3A_181 = tpu.vector_load %arg5[%get3A_180] {strides = array<i32>} : memref<512xi32, #tpu.memory_space<vmem>>, vector<16xi32>,
    %mul3A_182 = arith.constant 8192 : i32
    %mul3A_183 = arith.muli %select_n3A, %mul3A_182 : i32
    %add3A_184 = vector.broadcast %mul3A_183 : i32 to vector<16xi32>
    %add3A_185 = arith.addi %get3A_181, %add3A_184 : vector<16xi32>
    %swap3A_186 = arith.constant 320 : index
    %swap3A_187 = tpu.vector_load %arg5[%swap3A_186] {strides = array<i32>} : memref<512xi32, #tpu.memory_space<vmem>>, vector<16xi32>,
    tpu.vector_store %arg5[%swap3A_186], %add3A_185 {strides = array<i32>} : memref<512xi32, #tpu.memory_space<vmem>>, vector<16xi32>,
    %get3A_188 = arith.constant 336 : index
    %get3A_189 = tpu.vector_load %arg5[%get3A_188] {strides = array<i32>} : memref<512xi32, #tpu.memory_space<vmem>>, vector<16xi32>,
    %mul3A_190 = arith.constant 8192 : i32
    %mul3A_191 = arith.muli %select_n3A, %mul3A_190 : i32
    %add3A_192 = vector.broadcast %mul3A_191 : i32 to vector<16xi32>
    %add3A_193 = arith.addi %get3A_189, %add3A_192 : vector<16xi32>
    %swap3A_194 = arith.constant 336 : index
    %swap3A_195 = tpu.vector_load %arg5[%swap3A_194] {strides = array<i32>} : memref<512xi32, #tpu.memory_space<vmem>>, vector<16xi32>,
    tpu.vector_store %arg5[%swap3A_194], %add3A_193 {strides = array<i32>} : memref<512xi32, #tpu.memory_space<vmem>>, vector<16xi32>,
    %get3A_196 = arith.constant 352 : index
    %get3A_197 = tpu.vector_load %arg5[%get3A_196] {strides = array<i32>} : memref<512xi32, #tpu.memory_space<vmem>>, vector<16xi32>,
    %mul3A_198 = arith.constant 8192 : i32
    %mul3A_199 = arith.muli %select_n3A, %mul3A_198 : i32
    %add3A_200 = vector.broadcast %mul3A_199 : i32 to vector<16xi32>
    %add3A_201 = arith.addi %get3A_197, %add3A_200 : vector<16xi32>
    %swap3A_202 = arith.constant 352 : index
    %swap3A_203 = tpu.vector_load %arg5[%swap3A_202] {strides = array<i32>} : memref<512xi32, #tpu.memory_space<vmem>>, vector<16xi32>,
    tpu.vector_store %arg5[%swap3A_202], %add3A_201 {strides = array<i32>} : memref<512xi32, #tpu.memory_space<vmem>>, vector<16xi32>,
    %get3A_204 = arith.constant 368 : index
    %get3A_205 = tpu.vector_load %arg5[%get3A_204] {strides = array<i32>} : memref<512xi32, #tpu.memory_space<vmem>>, vector<16xi32>,
    %mul3A_206 = arith.constant 8192 : i32
    %mul3A_207 = arith.muli %select_n3A, %mul3A_206 : i32
    %add3A_208 = vector.broadcast %mul3A_207 : i32 to vector<16xi32>
    %add3A_209 = arith.addi %get3A_205, %add3A_208 : vector<16xi32>
    %swap3A_210 = arith.constant 368 : index
    %swap3A_211 = tpu.vector_load %arg5[%swap3A_210] {strides = array<i32>} : memref<512xi32, #tpu.memory_space<vmem>>, vector<16xi32>,
    tpu.vector_store %arg5[%swap3A_210], %add3A_209 {strides = array<i32>} : memref<512xi32, #tpu.memory_space<vmem>>, vector<16xi32>,
    %get3A_212 = arith.constant 384 : index
    %get3A_213 = tpu.vector_load %arg5[%get3A_212] {strides = array<i32>} : memref<512xi32, #tpu.memory_space<vmem>>, vector<16xi32>,
    %mul3A_214 = arith.constant 8192 : i32
    %mul3A_215 = arith.muli %select_n3A, %mul3A_214 : i32
    %add3A_216 = vector.broadcast %mul3A_215 : i32 to vector<16xi32>
    %add3A_217 = arith.addi %get3A_213, %add3A_216 : vector<16xi32>
    %swap3A_218 = arith.constant 384 : index
    %swap3A_219 = tpu.vector_load %arg5[%swap3A_218] {strides = array<i32>} : memref<512xi32, #tpu.memory_space<vmem>>, vector<16xi32>,
    tpu.vector_store %arg5[%swap3A_218], %add3A_217 {strides = array<i32>} : memref<512xi32, #tpu.memory_space<vmem>>, vector<16xi32>,
    %get3A_220 = arith.constant 400 : index
    %get3A_221 = tpu.vector_load %arg5[%get3A_220] {strides = array<i32>} : memref<512xi32, #tpu.memory_space<vmem>>, vector<16xi32>,
    %mul3A_222 = arith.constant 8192 : i32
    %mul3A_223 = arith.muli %select_n3A, %mul3A_222 : i32
    %add3A_224 = vector.broadcast %mul3A_223 : i32 to vector<16xi32>
    %add3A_225 = arith.addi %get3A_221, %add3A_224 : vector<16xi32>
    %swap3A_226 = arith.constant 400 : index
    %swap3A_227 = tpu.vector_load %arg5[%swap3A_226] {strides = array<i32>} : memref<512xi32, #tpu.memory_space<vmem>>, vector<16xi32>,
    tpu.vector_store %arg5[%swap3A_226], %add3A_225 {strides = array<i32>} : memref<512xi32, #tpu.memory_space<vmem>>, vector<16xi32>,
    %get3A_228 = arith.constant 416 : index
    %get3A_229 = tpu.vector_load %arg5[%get3A_228] {strides = array<i32>} : memref<512xi32, #tpu.memory_space<vmem>>, vector<16xi32>,
    %mul3A_230 = arith.constant 8192 : i32
    %mul3A_231 = arith.muli %select_n3A, %mul3A_230 : i32
    %add3A_232 = vector.broadcast %mul3A_231 : i32 to vector<16xi32>
    %add3A_233 = arith.addi %get3A_229, %add3A_232 : vector<16xi32>
    %swap3A_234 = arith.constant 416 : index
    %swap3A_235 = tpu.vector_load %arg5[%swap3A_234] {strides = array<i32>} : memref<512xi32, #tpu.memory_space<vmem>>, vector<16xi32>,
    tpu.vector_store %arg5[%swap3A_234], %add3A_233 {strides = array<i32>} : memref<512xi32, #tpu.memory_space<vmem>>, vector<16xi32>,
    %get3A_236 = arith.constant 432 : index
    %get3A_237 = tpu.vector_load %arg5[%get3A_236] {strides = array<i32>} : memref<512xi32, #tpu.memory_space<vmem>>, vector<16xi32>,
    %mul3A_238 = arith.constant 8192 : i32
    %mul3A_239 = arith.muli %select_n3A, %mul3A_238 : i32
    %add3A_240 = vector.broadcast %mul3A_239 : i32 to vector<16xi32>
    %add3A_241 = arith.addi %get3A_237, %add3A_240 : vector<16xi32>
    %swap3A_242 = arith.constant 432 : index
    %swap3A_243 = tpu.vector_load %arg5[%swap3A_242] {strides = array<i32>} : memref<512xi32, #tpu.memory_space<vmem>>, vector<16xi32>,
    tpu.vector_store %arg5[%swap3A_242], %add3A_241 {strides = array<i32>} : memref<512xi32, #tpu.memory_space<vmem>>, vector<16xi32>,
    %get3A_244 = arith.constant 448 : index
    %get3A_245 = tpu.vector_load %arg5[%get3A_244] {strides = array<i32>} : memref<512xi32, #tpu.memory_space<vmem>>, vector<16xi32>,
    %mul3A_246 = arith.constant 8192 : i32
    %mul3A_247 = arith.muli %select_n3A, %mul3A_246 : i32
    %add3A_248 = vector.broadcast %mul3A_247 : i32 to vector<16xi32>
    %add3A_249 = arith.addi %get3A_245, %add3A_248 : vector<16xi32>
    %swap3A_250 = arith.constant 448 : index
    %swap3A_251 = tpu.vector_load %arg5[%swap3A_250] {strides = array<i32>} : memref<512xi32, #tpu.memory_space<vmem>>, vector<16xi32>,
    tpu.vector_store %arg5[%swap3A_250], %add3A_249 {strides = array<i32>} : memref<512xi32, #tpu.memory_space<vmem>>, vector<16xi32>,
    %get3A_252 = arith.constant 464 : index
    %get3A_253 = tpu.vector_load %arg5[%get3A_252] {strides = array<i32>} : memref<512xi32, #tpu.memory_space<vmem>>, vector<16xi32>,
    %mul3A_254 = arith.constant 8192 : i32
    %mul3A_255 = arith.muli %select_n3A, %mul3A_254 : i32
    %add3A_256 = vector.broadcast %mul3A_255 : i32 to vector<16xi32>
    %add3A_257 = arith.addi %get3A_253, %add3A_256 : vector<16xi32>
    %swap3A_258 = arith.constant 464 : index
    %swap3A_259 = tpu.vector_load %arg5[%swap3A_258] {strides = array<i32>} : memref<512xi32, #tpu.memory_space<vmem>>, vector<16xi32>,
    tpu.vector_store %arg5[%swap3A_258], %add3A_257 {strides = array<i32>} : memref<512xi32, #tpu.memory_space<vmem>>, vector<16xi32>,
    %get3A_260 = arith.constant 480 : index
    %get3A_261 = tpu.vector_load %arg5[%get3A_260] {strides = array<i32>} : memref<512xi32, #tpu.memory_space<vmem>>, vector<16xi32>,
    %mul3A_262 = arith.constant 8192 : i32
    %mul3A_263 = arith.muli %select_n3A, %mul3A_262 : i32
    %add3A_264 = vector.broadcast %mul3A_263 : i32 to vector<16xi32>
    %add3A_265 = arith.addi %get3A_261, %add3A_264 : vector<16xi32>
    %swap3A_266 = arith.constant 480 : index
    %swap3A_267 = tpu.vector_load %arg5[%swap3A_266] {strides = array<i32>} : memref<512xi32, #tpu.memory_space<vmem>>, vector<16xi32>,
    tpu.vector_store %arg5[%swap3A_266], %add3A_265 {strides = array<i32>} : memref<512xi32, #tpu.memory_space<vmem>>, vector<16xi32>,
    %get3A_268 = arith.constant 496 : index
    %get3A_269 = tpu.vector_load %arg5[%get3A_268] {strides = array<i32>} : memref<512xi32, #tpu.memory_space<vmem>>, vector<16xi32>,
    %mul3A_270 = arith.constant 8192 : i32
    %mul3A_271 = arith.muli %select_n3A, %mul3A_270 : i32
    %add3A_272 = vector.broadcast %mul3A_271 : i32 to vector<16xi32>
    %add3A_273 = arith.addi %get3A_269, %add3A_272 : vector<16xi32>
    %swap3A_274 = arith.constant 496 : index
    %swap3A_275 = tpu.vector_load %arg5[%swap3A_274] {strides = array<i32>} : memref<512xi32, #tpu.memory_space<vmem>>, vector<16xi32>,
    tpu.vector_store %arg5[%swap3A_274], %add3A_273 {strides = array<i32>} : memref<512xi32, #tpu.memory_space<vmem>>, vector<16xi32>,
    %add3A_276 = arith.constant 0 : i32
    %add3A_277 = arith.addi %sub3A_21, %add3A_276 : i32
    %dma_start3A = arith.constant 0 : i32
    %dma_start3A_278 = arith.constant 0 : i32
    %dma_start3A_279 = arith.constant 0 : i32
    %dma_start3A_280 = tpu.memref_slice %arg6[%dma_start3A, %dma_start3A_278, %dma_start3A_279] : memref<8x64x128xf32, #tpu.memory_space<vmem>> -> memref<1x64x128xf32, #tpu.memory_space<vmem>>
    %dma_start3A_281 = tpu.memref_squeeze %dma_start3A_280 : memref<1x64x128xf32, #tpu.memory_space<vmem>> -> memref<64x128xf32, #tpu.memory_space<vmem>>
    %dma_start3A_282 = arith.constant 0 : i32
    %dma_start3A_283 = tpu.memref_slice %arg5[%dma_start3A_282] : memref<512xi32, #tpu.memory_space<vmem>> -> memref<64xi32, #tpu.memory_space<vmem>>
    %dma_start3A_284 = arith.constant 0 : i32
    %dma_start3A_285 = tpu.memref_slice %arg2[%dma_start3A_284, %add3A_277] : memref<32768x4096xf32, #tpu.memory_space<hbm>> -> memref<32768x128xf32, #tpu.memory_space<hbm>>
    tpu.enqueue_indirect_dma source(%dma_start3A_285 : memref<32768x128xf32, #tpu.memory_space<hbm>>) target(%dma_start3A_281 : memref<64x128xf32, #tpu.memory_space<vmem>>) offsets(%dma_start3A_283 : memref<64xi32, #tpu.memory_space<vmem>>) semaphore(%arg8 : memref<!tpu.dma_semaphore, #tpu.memory_space<semaphore_mem>>)
    %add3A_286 = arith.constant 0 : i32
    %add3A_287 = arith.addi %sub3A_21, %add3A_286 : i32
    %dma_start3A_288 = arith.constant 1 : i32
    %dma_start3A_289 = arith.constant 0 : i32
    %dma_start3A_290 = arith.constant 0 : i32
    %dma_start3A_291 = tpu.memref_slice %arg6[%dma_start3A_288, %dma_start3A_289, %dma_start3A_290] : memref<8x64x128xf32, #tpu.memory_space<vmem>> -> memref<1x64x128xf32, #tpu.memory_space<vmem>>
    %dma_start3A_292 = tpu.memref_squeeze %dma_start3A_291 : memref<1x64x128xf32, #tpu.memory_space<vmem>> -> memref<64x128xf32, #tpu.memory_space<vmem>>
    %dma_start3A_293 = arith.constant 64 : i32
    %dma_start3A_294 = tpu.memref_slice %arg5[%dma_start3A_293] : memref<512xi32, #tpu.memory_space<vmem>> -> memref<64xi32, #tpu.memory_space<vmem>>
    %dma_start3A_295 = arith.constant 0 : i32
    %dma_start3A_296 = tpu.memref_slice %arg2[%dma_start3A_295, %add3A_287] : memref<32768x4096xf32, #tpu.memory_space<hbm>> -> memref<32768x128xf32, #tpu.memory_space<hbm>>
    tpu.enqueue_indirect_dma source(%dma_start3A_296 : memref<32768x128xf32, #tpu.memory_space<hbm>>) target(%dma_start3A_292 : memref<64x128xf32, #tpu.memory_space<vmem>>) offsets(%dma_start3A_294 : memref<64xi32, #tpu.memory_space<vmem>>) semaphore(%arg9 : memref<!tpu.dma_semaphore, #tpu.memory_space<semaphore_mem>>)
    %add3A_297 = arith.constant 128 : i32
    %add3A_298 = arith.addi %sub3A_21, %add3A_297 : i32
    %dma_start3A_299 = arith.constant 2 : i32
    %dma_start3A_300 = arith.constant 0 : i32
    %dma_start3A_301 = arith.constant 0 : i32
    %dma_start3A_302 = tpu.memref_slice %arg6[%dma_start3A_299, %dma_start3A_300, %dma_start3A_301] : memref<8x64x128xf32, #tpu.memory_space<vmem>> -> memref<1x64x128xf32, #tpu.memory_space<vmem>>
    %dma_start3A_303 = tpu.memref_squeeze %dma_start3A_302 : memref<1x64x128xf32, #tpu.memory_space<vmem>> -> memref<64x128xf32, #tpu.memory_space<vmem>>
    %dma_start3A_304 = arith.constant 128 : i32
    %dma_start3A_305 = tpu.memref_slice %arg5[%dma_start3A_304] : memref<512xi32, #tpu.memory_space<vmem>> -> memref<64xi32, #tpu.memory_space<vmem>>
    %dma_start3A_306 = arith.constant 0 : i32
    %dma_start3A_307 = tpu.memref_slice %arg2[%dma_start3A_306, %add3A_298] : memref<32768x4096xf32, #tpu.memory_space<hbm>> -> memref<32768x128xf32, #tpu.memory_space<hbm>>
    tpu.enqueue_indirect_dma source(%dma_start3A_307 : memref<32768x128xf32, #tpu.memory_space<hbm>>) target(%dma_start3A_303 : memref<64x128xf32, #tpu.memory_space<vmem>>) offsets(%dma_start3A_305 : memref<64xi32, #tpu.memory_space<vmem>>) semaphore(%arg10 : memref<!tpu.dma_semaphore, #tpu.memory_space<semaphore_mem>>)
    %add3A_308 = arith.constant 128 : i32
    %add3A_309 = arith.addi %sub3A_21, %add3A_308 : i32
    %dma_start3A_310 = arith.constant 3 : i32
    %dma_start3A_311 = arith.constant 0 : i32
    %dma_start3A_312 = arith.constant 0 : i32
    %dma_start3A_313 = tpu.memref_slice %arg6[%dma_start3A_310, %dma_start3A_311, %dma_start3A_312] : memref<8x64x128xf32, #tpu.memory_space<vmem>> -> memref<1x64x128xf32, #tpu.memory_space<vmem>>
    %dma_start3A_314 = tpu.memref_squeeze %dma_start3A_313 : memref<1x64x128xf32, #tpu.memory_space<vmem>> -> memref<64x128xf32, #tpu.memory_space<vmem>>
    %dma_start3A_315 = arith.constant 192 : i32
    %dma_start3A_316 = tpu.memref_slice %arg5[%dma_start3A_315] : memref<512xi32, #tpu.memory_space<vmem>> -> memref<64xi32, #tpu.memory_space<vmem>>
    %dma_start3A_317 = arith.constant 0 : i32
    %dma_start3A_318 = tpu.memref_slice %arg2[%dma_start3A_317, %add3A_309] : memref<32768x4096xf32, #tpu.memory_space<hbm>> -> memref<32768x128xf32, #tpu.memory_space<hbm>>
    tpu.enqueue_indirect_dma source(%dma_start3A_318 : memref<32768x128xf32, #tpu.memory_space<hbm>>) target(%dma_start3A_314 : memref<64x128xf32, #tpu.memory_space<vmem>>) offsets(%dma_start3A_316 : memref<64xi32, #tpu.memory_space<vmem>>) semaphore(%arg11 : memref<!tpu.dma_semaphore, #tpu.memory_space<semaphore_mem>>)
    %add3A_319 = arith.constant 256 : i32
    %add3A_320 = arith.addi %sub3A_21, %add3A_319 : i32
    %dma_start3A_321 = arith.constant 4 : i32
    %dma_start3A_322 = arith.constant 0 : i32
    %dma_start3A_323 = arith.constant 0 : i32
    %dma_start3A_324 = tpu.memref_slice %arg6[%dma_start3A_321, %dma_start3A_322, %dma_start3A_323] : memref<8x64x128xf32, #tpu.memory_space<vmem>> -> memref<1x64x128xf32, #tpu.memory_space<vmem>>
    %dma_start3A_325 = tpu.memref_squeeze %dma_start3A_324 : memref<1x64x128xf32, #tpu.memory_space<vmem>> -> memref<64x128xf32, #tpu.memory_space<vmem>>
    %dma_start3A_326 = arith.constant 256 : i32
    %dma_start3A_327 = tpu.memref_slice %arg5[%dma_start3A_326] : memref<512xi32, #tpu.memory_space<vmem>> -> memref<64xi32, #tpu.memory_space<vmem>>
    %dma_start3A_328 = arith.constant 0 : i32
    %dma_start3A_329 = tpu.memref_slice %arg2[%dma_start3A_328, %add3A_320] : memref<32768x4096xf32, #tpu.memory_space<hbm>> -> memref<32768x128xf32, #tpu.memory_space<hbm>>
    tpu.enqueue_indirect_dma source(%dma_start3A_329 : memref<32768x128xf32, #tpu.memory_space<hbm>>) target(%dma_start3A_325 : memref<64x128xf32, #tpu.memory_space<vmem>>) offsets(%dma_start3A_327 : memref<64xi32, #tpu.memory_space<vmem>>) semaphore(%arg12 : memref<!tpu.dma_semaphore, #tpu.memory_space<semaphore_mem>>)
    %add3A_330 = arith.constant 256 : i32
    %add3A_331 = arith.addi %sub3A_21, %add3A_330 : i32
    %dma_start3A_332 = arith.constant 5 : i32
    %dma_start3A_333 = arith.constant 0 : i32
    %dma_start3A_334 = arith.constant 0 : i32
    %dma_start3A_335 = tpu.memref_slice %arg6[%dma_start3A_332, %dma_start3A_333, %dma_start3A_334] : memref<8x64x128xf32, #tpu.memory_space<vmem>> -> memref<1x64x128xf32, #tpu.memory_space<vmem>>
    %dma_start3A_336 = tpu.memref_squeeze %dma_start3A_335 : memref<1x64x128xf32, #tpu.memory_space<vmem>> -> memref<64x128xf32, #tpu.memory_space<vmem>>
    %dma_start3A_337 = arith.constant 320 : i32
    %dma_start3A_338 = tpu.memref_slice %arg5[%dma_start3A_337] : memref<512xi32, #tpu.memory_space<vmem>> -> memref<64xi32, #tpu.memory_space<vmem>>
    %dma_start3A_339 = arith.constant 0 : i32
    %dma_start3A_340 = tpu.memref_slice %arg2[%dma_start3A_339, %add3A_331] : memref<32768x4096xf32, #tpu.memory_space<hbm>> -> memref<32768x128xf32, #tpu.memory_space<hbm>>
    tpu.enqueue_indirect_dma source(%dma_start3A_340 : memref<32768x128xf32, #tpu.memory_space<hbm>>) target(%dma_start3A_336 : memref<64x128xf32, #tpu.memory_space<vmem>>) offsets(%dma_start3A_338 : memref<64xi32, #tpu.memory_space<vmem>>) semaphore(%arg13 : memref<!tpu.dma_semaphore, #tpu.memory_space<semaphore_mem>>)
    %add3A_341 = arith.constant 384 : i32
    %add3A_342 = arith.addi %sub3A_21, %add3A_341 : i32
    %dma_start3A_343 = arith.constant 6 : i32
    %dma_start3A_344 = arith.constant 0 : i32
    %dma_start3A_345 = arith.constant 0 : i32
    %dma_start3A_346 = tpu.memref_slice %arg6[%dma_start3A_343, %dma_start3A_344, %dma_start3A_345] : memref<8x64x128xf32, #tpu.memory_space<vmem>> -> memref<1x64x128xf32, #tpu.memory_space<vmem>>
    %dma_start3A_347 = tpu.memref_squeeze %dma_start3A_346 : memref<1x64x128xf32, #tpu.memory_space<vmem>> -> memref<64x128xf32, #tpu.memory_space<vmem>>
    %dma_start3A_348 = arith.constant 384 : i32
    %dma_start3A_349 = tpu.memref_slice %arg5[%dma_start3A_348] : memref<512xi32, #tpu.memory_space<vmem>> -> memref<64xi32, #tpu.memory_space<vmem>>
    %dma_start3A_350 = arith.constant 0 : i32
    %dma_start3A_351 = tpu.memref_slice %arg2[%dma_start3A_350, %add3A_342] : memref<32768x4096xf32, #tpu.memory_space<hbm>> -> memref<32768x128xf32, #tpu.memory_space<hbm>>
    tpu.enqueue_indirect_dma source(%dma_start3A_351 : memref<32768x128xf32, #tpu.memory_space<hbm>>) target(%dma_start3A_347 : memref<64x128xf32, #tpu.memory_space<vmem>>) offsets(%dma_start3A_349 : memref<64xi32, #tpu.memory_space<vmem>>) semaphore(%arg14 : memref<!tpu.dma_semaphore, #tpu.memory_space<semaphore_mem>>)
    %add3A_352 = arith.constant 384 : i32
    %add3A_353 = arith.addi %sub3A_21, %add3A_352 : i32
    %dma_start3A_354 = arith.constant 7 : i32
    %dma_start3A_355 = arith.constant 0 : i32
    %dma_start3A_356 = arith.constant 0 : i32
    %dma_start3A_357 = tpu.memref_slice %arg6[%dma_start3A_354, %dma_start3A_355, %dma_start3A_356] : memref<8x64x128xf32, #tpu.memory_space<vmem>> -> memref<1x64x128xf32, #tpu.memory_space<vmem>>
    %dma_start3A_358 = tpu.memref_squeeze %dma_start3A_357 : memref<1x64x128xf32, #tpu.memory_space<vmem>> -> memref<64x128xf32, #tpu.memory_space<vmem>>
    %dma_start3A_359 = arith.constant 448 : i32
    %dma_start3A_360 = tpu.memref_slice %arg5[%dma_start3A_359] : memref<512xi32, #tpu.memory_space<vmem>> -> memref<64xi32, #tpu.memory_space<vmem>>
    %dma_start3A_361 = arith.constant 0 : i32
    %dma_start3A_362 = tpu.memref_slice %arg2[%dma_start3A_361, %add3A_353] : memref<32768x4096xf32, #tpu.memory_space<hbm>> -> memref<32768x128xf32, #tpu.memory_space<hbm>>
    tpu.enqueue_indirect_dma source(%dma_start3A_362 : memref<32768x128xf32, #tpu.memory_space<hbm>>) target(%dma_start3A_358 : memref<64x128xf32, #tpu.memory_space<vmem>>) offsets(%dma_start3A_360 : memref<64xi32, #tpu.memory_space<vmem>>) semaphore(%arg15 : memref<!tpu.dma_semaphore, #tpu.memory_space<semaphore_mem>>)
    %iota3A = tpu.iota {dimensions = array<i32: 0>} : vector<16xi32>
    %dma_wait3A = arith.constant 0 : i32
    %dma_wait3A_363 = arith.constant 0 : i32
    %dma_wait3A_364 = arith.constant 0 : i32
    %dma_wait3A_365 = tpu.memref_slice %arg6[%dma_wait3A, %dma_wait3A_363, %dma_wait3A_364] : memref<8x64x128xf32, #tpu.memory_space<vmem>> -> memref<1x64x128xf32, #tpu.memory_space<vmem>>
    %dma_wait3A_366 = tpu.memref_squeeze %dma_wait3A_365 : memref<1x64x128xf32, #tpu.memory_space<vmem>> -> memref<64x128xf32, #tpu.memory_space<vmem>>
    %dma_wait3A_367 = arith.constant 0 : i32
    %dma_wait3A_368 = tpu.memref_slice %arg5[%dma_wait3A_367] : memref<512xi32, #tpu.memory_space<vmem>> -> memref<64xi32, #tpu.memory_space<vmem>>
    %dma_wait3A_369 = arith.constant 0 : i32
    %dma_wait3A_370 = tpu.memref_slice %arg2[%dma_wait3A_369, %add3A_277] : memref<32768x4096xf32, #tpu.memory_space<hbm>> -> memref<32768x128xf32, #tpu.memory_space<hbm>>
    tpu.wait_indirect_dma semaphore(%arg8 : memref<!tpu.dma_semaphore, #tpu.memory_space<semaphore_mem>>) src(%dma_wait3A_370 : memref<32768x128xf32, #tpu.memory_space<hbm>>) dst(%dma_wait3A_366 : memref<64x128xf32, #tpu.memory_space<vmem>>)
    %add3A_371 = arith.constant 0 : i32
    %add3A_372 = vector.broadcast %add3A_371 : i32 to vector<16xi32>
    %add3A_373 = arith.addi %iota3A, %add3A_372 : vector<16xi32>
    %add3A_374 = arith.constant 0 : i32
    %add3A_375 = vector.broadcast %add3A_374 : i32 to vector<16xi32>
    %add3A_376 = arith.addi %add3A_373, %add3A_375 : vector<16xi32>
    %gather3A = arith.constant 0 : i32
    %gather3A_377 = arith.constant 0 : i32
    %gather3A_378 = arith.constant 0 : i32
    %gather3A_379 = tpu.memref_slice %arg6[%gather3A, %gather3A_377, %gather3A_378] : memref<8x64x128xf32, #tpu.memory_space<vmem>> -> memref<1x64x128xf32, #tpu.memory_space<vmem>>
    %gather3A_380 = tpu.memref_squeeze %gather3A_379 : memref<1x64x128xf32, #tpu.memory_space<vmem>> -> memref<64x128xf32, #tpu.memory_space<vmem>>
    %gather3A_381 = tpu.vector_load_idx %gather3A_380[%add3A_373, %add3A_376] : memref<64x128xf32, #tpu.memory_space<vmem>>[vector<16xi32>, vector<16xi32>], vector<16xf32>,
    %swap3A_382 = arith.constant 0 : index
    %swap3A_383 = tpu.vector_load %arg7[%swap3A_382] {strides = array<i32>} : memref<512xf32, #tpu.memory_space<vmem>>, vector<16xf32>,
    tpu.vector_store %arg7[%swap3A_382], %gather3A_381 {strides = array<i32>} : memref<512xf32, #tpu.memory_space<vmem>>, vector<16xf32>,
    %add3A_384 = arith.constant 16 : i32
    %add3A_385 = vector.broadcast %add3A_384 : i32 to vector<16xi32>
    %add3A_386 = arith.addi %iota3A, %add3A_385 : vector<16xi32>
    %add3A_387 = arith.constant 0 : i32
    %add3A_388 = vector.broadcast %add3A_387 : i32 to vector<16xi32>
    %add3A_389 = arith.addi %add3A_386, %add3A_388 : vector<16xi32>
    %gather3A_390 = arith.constant 0 : i32
    %gather3A_391 = arith.constant 0 : i32
    %gather3A_392 = arith.constant 0 : i32
    %gather3A_393 = tpu.memref_slice %arg6[%gather3A_390, %gather3A_391, %gather3A_392] : memref<8x64x128xf32, #tpu.memory_space<vmem>> -> memref<1x64x128xf32, #tpu.memory_space<vmem>>
    %gather3A_394 = tpu.memref_squeeze %gather3A_393 : memref<1x64x128xf32, #tpu.memory_space<vmem>> -> memref<64x128xf32, #tpu.memory_space<vmem>>
    %gather3A_395 = tpu.vector_load_idx %gather3A_394[%add3A_386, %add3A_389] : memref<64x128xf32, #tpu.memory_space<vmem>>[vector<16xi32>, vector<16xi32>], vector<16xf32>,
    %swap3A_396 = arith.constant 16 : index
    %swap3A_397 = tpu.vector_load %arg7[%swap3A_396] {strides = array<i32>} : memref<512xf32, #tpu.memory_space<vmem>>, vector<16xf32>,
    tpu.vector_store %arg7[%swap3A_396], %gather3A_395 {strides = array<i32>} : memref<512xf32, #tpu.memory_space<vmem>>, vector<16xf32>,
    %add3A_398 = arith.constant 32 : i32
    %add3A_399 = vector.broadcast %add3A_398 : i32 to vector<16xi32>
    %add3A_400 = arith.addi %iota3A, %add3A_399 : vector<16xi32>
    %add3A_401 = arith.constant 0 : i32
    %add3A_402 = vector.broadcast %add3A_401 : i32 to vector<16xi32>
    %add3A_403 = arith.addi %add3A_400, %add3A_402 : vector<16xi32>
    %gather3A_404 = arith.constant 0 : i32
    %gather3A_405 = arith.constant 0 : i32
    %gather3A_406 = arith.constant 0 : i32
    %gather3A_407 = tpu.memref_slice %arg6[%gather3A_404, %gather3A_405, %gather3A_406] : memref<8x64x128xf32, #tpu.memory_space<vmem>> -> memref<1x64x128xf32, #tpu.memory_space<vmem>>
    %gather3A_408 = tpu.memref_squeeze %gather3A_407 : memref<1x64x128xf32, #tpu.memory_space<vmem>> -> memref<64x128xf32, #tpu.memory_space<vmem>>
    %gather3A_409 = tpu.vector_load_idx %gather3A_408[%add3A_400, %add3A_403] : memref<64x128xf32, #tpu.memory_space<vmem>>[vector<16xi32>, vector<16xi32>], vector<16xf32>,
    %swap3A_410 = arith.constant 32 : index
    %swap3A_411 = tpu.vector_load %arg7[%swap3A_410] {strides = array<i32>} : memref<512xf32, #tpu.memory_space<vmem>>, vector<16xf32>,
    tpu.vector_store %arg7[%swap3A_410], %gather3A_409 {strides = array<i32>} : memref<512xf32, #tpu.memory_space<vmem>>, vector<16xf32>,
    %add3A_412 = arith.constant 48 : i32
    %add3A_413 = vector.broadcast %add3A_412 : i32 to vector<16xi32>
    %add3A_414 = arith.addi %iota3A, %add3A_413 : vector<16xi32>
    %add3A_415 = arith.constant 0 : i32
    %add3A_416 = vector.broadcast %add3A_415 : i32 to vector<16xi32>
    %add3A_417 = arith.addi %add3A_414, %add3A_416 : vector<16xi32>
    %gather3A_418 = arith.constant 0 : i32
    %gather3A_419 = arith.constant 0 : i32
    %gather3A_420 = arith.constant 0 : i32
    %gather3A_421 = tpu.memref_slice %arg6[%gather3A_418, %gather3A_419, %gather3A_420] : memref<8x64x128xf32, #tpu.memory_space<vmem>> -> memref<1x64x128xf32, #tpu.memory_space<vmem>>
    %gather3A_422 = tpu.memref_squeeze %gather3A_421 : memref<1x64x128xf32, #tpu.memory_space<vmem>> -> memref<64x128xf32, #tpu.memory_space<vmem>>
    %gather3A_423 = tpu.vector_load_idx %gather3A_422[%add3A_414, %add3A_417] : memref<64x128xf32, #tpu.memory_space<vmem>>[vector<16xi32>, vector<16xi32>], vector<16xf32>,
    %swap3A_424 = arith.constant 48 : index
    %swap3A_425 = tpu.vector_load %arg7[%swap3A_424] {strides = array<i32>} : memref<512xf32, #tpu.memory_space<vmem>>, vector<16xf32>,
    tpu.vector_store %arg7[%swap3A_424], %gather3A_423 {strides = array<i32>} : memref<512xf32, #tpu.memory_space<vmem>>, vector<16xf32>,
    %dma_wait3A_426 = arith.constant 1 : i32
    %dma_wait3A_427 = arith.constant 0 : i32
    %dma_wait3A_428 = arith.constant 0 : i32
    %dma_wait3A_429 = tpu.memref_slice %arg6[%dma_wait3A_426, %dma_wait3A_427, %dma_wait3A_428] : memref<8x64x128xf32, #tpu.memory_space<vmem>> -> memref<1x64x128xf32, #tpu.memory_space<vmem>>
    %dma_wait3A_430 = tpu.memref_squeeze %dma_wait3A_429 : memref<1x64x128xf32, #tpu.memory_space<vmem>> -> memref<64x128xf32, #tpu.memory_space<vmem>>
    %dma_wait3A_431 = arith.constant 64 : i32
    %dma_wait3A_432 = tpu.memref_slice %arg5[%dma_wait3A_431] : memref<512xi32, #tpu.memory_space<vmem>> -> memref<64xi32, #tpu.memory_space<vmem>>
    %dma_wait3A_433 = arith.constant 0 : i32
    %dma_wait3A_434 = tpu.memref_slice %arg2[%dma_wait3A_433, %add3A_287] : memref<32768x4096xf32, #tpu.memory_space<hbm>> -> memref<32768x128xf32, #tpu.memory_space<hbm>>
    tpu.wait_indirect_dma semaphore(%arg9 : memref<!tpu.dma_semaphore, #tpu.memory_space<semaphore_mem>>) src(%dma_wait3A_434 : memref<32768x128xf32, #tpu.memory_space<hbm>>) dst(%dma_wait3A_430 : memref<64x128xf32, #tpu.memory_space<vmem>>)
    %add3A_435 = arith.constant 0 : i32
    %add3A_436 = vector.broadcast %add3A_435 : i32 to vector<16xi32>
    %add3A_437 = arith.addi %iota3A, %add3A_436 : vector<16xi32>
    %add3A_438 = arith.constant 64 : i32
    %add3A_439 = vector.broadcast %add3A_438 : i32 to vector<16xi32>
    %add3A_440 = arith.addi %add3A_437, %add3A_439 : vector<16xi32>
    %gather3A_441 = arith.constant 1 : i32
    %gather3A_442 = arith.constant 0 : i32
    %gather3A_443 = arith.constant 0 : i32
    %gather3A_444 = tpu.memref_slice %arg6[%gather3A_441, %gather3A_442, %gather3A_443] : memref<8x64x128xf32, #tpu.memory_space<vmem>> -> memref<1x64x128xf32, #tpu.memory_space<vmem>>
    %gather3A_445 = tpu.memref_squeeze %gather3A_444 : memref<1x64x128xf32, #tpu.memory_space<vmem>> -> memref<64x128xf32, #tpu.memory_space<vmem>>
    %gather3A_446 = tpu.vector_load_idx %gather3A_445[%add3A_437, %add3A_440] : memref<64x128xf32, #tpu.memory_space<vmem>>[vector<16xi32>, vector<16xi32>], vector<16xf32>,
    %swap3A_447 = arith.constant 64 : index
    %swap3A_448 = tpu.vector_load %arg7[%swap3A_447] {strides = array<i32>} : memref<512xf32, #tpu.memory_space<vmem>>, vector<16xf32>,
    tpu.vector_store %arg7[%swap3A_447], %gather3A_446 {strides = array<i32>} : memref<512xf32, #tpu.memory_space<vmem>>, vector<16xf32>,
    %add3A_449 = arith.constant 16 : i32
    %add3A_450 = vector.broadcast %add3A_449 : i32 to vector<16xi32>
    %add3A_451 = arith.addi %iota3A, %add3A_450 : vector<16xi32>
    %add3A_452 = arith.constant 64 : i32
    %add3A_453 = vector.broadcast %add3A_452 : i32 to vector<16xi32>
    %add3A_454 = arith.addi %add3A_451, %add3A_453 : vector<16xi32>
    %gather3A_455 = arith.constant 1 : i32
    %gather3A_456 = arith.constant 0 : i32
    %gather3A_457 = arith.constant 0 : i32
    %gather3A_458 = tpu.memref_slice %arg6[%gather3A_455, %gather3A_456, %gather3A_457] : memref<8x64x128xf32, #tpu.memory_space<vmem>> -> memref<1x64x128xf32, #tpu.memory_space<vmem>>
    %gather3A_459 = tpu.memref_squeeze %gather3A_458 : memref<1x64x128xf32, #tpu.memory_space<vmem>> -> memref<64x128xf32, #tpu.memory_space<vmem>>
    %gather3A_460 = tpu.vector_load_idx %gather3A_459[%add3A_451, %add3A_454] : memref<64x128xf32, #tpu.memory_space<vmem>>[vector<16xi32>, vector<16xi32>], vector<16xf32>,
    %swap3A_461 = arith.constant 80 : index
    %swap3A_462 = tpu.vector_load %arg7[%swap3A_461] {strides = array<i32>} : memref<512xf32, #tpu.memory_space<vmem>>, vector<16xf32>,
    tpu.vector_store %arg7[%swap3A_461], %gather3A_460 {strides = array<i32>} : memref<512xf32, #tpu.memory_space<vmem>>, vector<16xf32>,
    %add3A_463 = arith.constant 32 : i32
    %add3A_464 = vector.broadcast %add3A_463 : i32 to vector<16xi32>
    %add3A_465 = arith.addi %iota3A, %add3A_464 : vector<16xi32>
    %add3A_466 = arith.constant 64 : i32
    %add3A_467 = vector.broadcast %add3A_466 : i32 to vector<16xi32>
    %add3A_468 = arith.addi %add3A_465, %add3A_467 : vector<16xi32>
    %gather3A_469 = arith.constant 1 : i32
    %gather3A_470 = arith.constant 0 : i32
    %gather3A_471 = arith.constant 0 : i32
    %gather3A_472 = tpu.memref_slice %arg6[%gather3A_469, %gather3A_470, %gather3A_471] : memref<8x64x128xf32, #tpu.memory_space<vmem>> -> memref<1x64x128xf32, #tpu.memory_space<vmem>>
    %gather3A_473 = tpu.memref_squeeze %gather3A_472 : memref<1x64x128xf32, #tpu.memory_space<vmem>> -> memref<64x128xf32, #tpu.memory_space<vmem>>
    %gather3A_474 = tpu.vector_load_idx %gather3A_473[%add3A_465, %add3A_468] : memref<64x128xf32, #tpu.memory_space<vmem>>[vector<16xi32>, vector<16xi32>], vector<16xf32>,
    %swap3A_475 = arith.constant 96 : index
    %swap3A_476 = tpu.vector_load %arg7[%swap3A_475] {strides = array<i32>} : memref<512xf32, #tpu.memory_space<vmem>>, vector<16xf32>,
    tpu.vector_store %arg7[%swap3A_475], %gather3A_474 {strides = array<i32>} : memref<512xf32, #tpu.memory_space<vmem>>, vector<16xf32>,
    %add3A_477 = arith.constant 48 : i32
    %add3A_478 = vector.broadcast %add3A_477 : i32 to vector<16xi32>
    %add3A_479 = arith.addi %iota3A, %add3A_478 : vector<16xi32>
    %add3A_480 = arith.constant 64 : i32
    %add3A_481 = vector.broadcast %add3A_480 : i32 to vector<16xi32>
    %add3A_482 = arith.addi %add3A_479, %add3A_481 : vector<16xi32>
    %gather3A_483 = arith.constant 1 : i32
    %gather3A_484 = arith.constant 0 : i32
    %gather3A_485 = arith.constant 0 : i32
    %gather3A_486 = tpu.memref_slice %arg6[%gather3A_483, %gather3A_484, %gather3A_485] : memref<8x64x128xf32, #tpu.memory_space<vmem>> -> memref<1x64x128xf32, #tpu.memory_space<vmem>>
    %gather3A_487 = tpu.memref_squeeze %gather3A_486 : memref<1x64x128xf32, #tpu.memory_space<vmem>> -> memref<64x128xf32, #tpu.memory_space<vmem>>
    %gather3A_488 = tpu.vector_load_idx %gather3A_487[%add3A_479, %add3A_482] : memref<64x128xf32, #tpu.memory_space<vmem>>[vector<16xi32>, vector<16xi32>], vector<16xf32>,
    %swap3A_489 = arith.constant 112 : index
    %swap3A_490 = tpu.vector_load %arg7[%swap3A_489] {strides = array<i32>} : memref<512xf32, #tpu.memory_space<vmem>>, vector<16xf32>,
    tpu.vector_store %arg7[%swap3A_489], %gather3A_488 {strides = array<i32>} : memref<512xf32, #tpu.memory_space<vmem>>, vector<16xf32>,
    %dma_wait3A_491 = arith.constant 2 : i32
    %dma_wait3A_492 = arith.constant 0 : i32
    %dma_wait3A_493 = arith.constant 0 : i32
    %dma_wait3A_494 = tpu.memref_slice %arg6[%dma_wait3A_491, %dma_wait3A_492, %dma_wait3A_493] : memref<8x64x128xf32, #tpu.memory_space<vmem>> -> memref<1x64x128xf32, #tpu.memory_space<vmem>>
    %dma_wait3A_495 = tpu.memref_squeeze %dma_wait3A_494 : memref<1x64x128xf32, #tpu.memory_space<vmem>> -> memref<64x128xf32, #tpu.memory_space<vmem>>
    %dma_wait3A_496 = arith.constant 128 : i32
    %dma_wait3A_497 = tpu.memref_slice %arg5[%dma_wait3A_496] : memref<512xi32, #tpu.memory_space<vmem>> -> memref<64xi32, #tpu.memory_space<vmem>>
    %dma_wait3A_498 = arith.constant 0 : i32
    %dma_wait3A_499 = tpu.memref_slice %arg2[%dma_wait3A_498, %add3A_298] : memref<32768x4096xf32, #tpu.memory_space<hbm>> -> memref<32768x128xf32, #tpu.memory_space<hbm>>
    tpu.wait_indirect_dma semaphore(%arg10 : memref<!tpu.dma_semaphore, #tpu.memory_space<semaphore_mem>>) src(%dma_wait3A_499 : memref<32768x128xf32, #tpu.memory_space<hbm>>) dst(%dma_wait3A_495 : memref<64x128xf32, #tpu.memory_space<vmem>>)
    %add3A_500 = arith.constant 0 : i32
    %add3A_501 = vector.broadcast %add3A_500 : i32 to vector<16xi32>
    %add3A_502 = arith.addi %iota3A, %add3A_501 : vector<16xi32>
    %add3A_503 = arith.constant 0 : i32
    %add3A_504 = vector.broadcast %add3A_503 : i32 to vector<16xi32>
    %add3A_505 = arith.addi %add3A_502, %add3A_504 : vector<16xi32>
    %gather3A_506 = arith.constant 2 : i32
    %gather3A_507 = arith.constant 0 : i32
    %gather3A_508 = arith.constant 0 : i32
    %gather3A_509 = tpu.memref_slice %arg6[%gather3A_506, %gather3A_507, %gather3A_508] : memref<8x64x128xf32, #tpu.memory_space<vmem>> -> memref<1x64x128xf32, #tpu.memory_space<vmem>>
    %gather3A_510 = tpu.memref_squeeze %gather3A_509 : memref<1x64x128xf32, #tpu.memory_space<vmem>> -> memref<64x128xf32, #tpu.memory_space<vmem>>
    %gather3A_511 = tpu.vector_load_idx %gather3A_510[%add3A_502, %add3A_505] : memref<64x128xf32, #tpu.memory_space<vmem>>[vector<16xi32>, vector<16xi32>], vector<16xf32>,
    %swap3A_512 = arith.constant 128 : index
    %swap3A_513 = tpu.vector_load %arg7[%swap3A_512] {strides = array<i32>} : memref<512xf32, #tpu.memory_space<vmem>>, vector<16xf32>,
    tpu.vector_store %arg7[%swap3A_512], %gather3A_511 {strides = array<i32>} : memref<512xf32, #tpu.memory_space<vmem>>, vector<16xf32>,
    %add3A_514 = arith.constant 16 : i32
    %add3A_515 = vector.broadcast %add3A_514 : i32 to vector<16xi32>
    %add3A_516 = arith.addi %iota3A, %add3A_515 : vector<16xi32>
    %add3A_517 = arith.constant 0 : i32
    %add3A_518 = vector.broadcast %add3A_517 : i32 to vector<16xi32>
    %add3A_519 = arith.addi %add3A_516, %add3A_518 : vector<16xi32>
    %gather3A_520 = arith.constant 2 : i32
    %gather3A_521 = arith.constant 0 : i32
    %gather3A_522 = arith.constant 0 : i32
    %gather3A_523 = tpu.memref_slice %arg6[%gather3A_520, %gather3A_521, %gather3A_522] : memref<8x64x128xf32, #tpu.memory_space<vmem>> -> memref<1x64x128xf32, #tpu.memory_space<vmem>>
    %gather3A_524 = tpu.memref_squeeze %gather3A_523 : memref<1x64x128xf32, #tpu.memory_space<vmem>> -> memref<64x128xf32, #tpu.memory_space<vmem>>
    %gather3A_525 = tpu.vector_load_idx %gather3A_524[%add3A_516, %add3A_519] : memref<64x128xf32, #tpu.memory_space<vmem>>[vector<16xi32>, vector<16xi32>], vector<16xf32>,
    %swap3A_526 = arith.constant 144 : index
    %swap3A_527 = tpu.vector_load %arg7[%swap3A_526] {strides = array<i32>} : memref<512xf32, #tpu.memory_space<vmem>>, vector<16xf32>,
    tpu.vector_store %arg7[%swap3A_526], %gather3A_525 {strides = array<i32>} : memref<512xf32, #tpu.memory_space<vmem>>, vector<16xf32>,
    %add3A_528 = arith.constant 32 : i32
    %add3A_529 = vector.broadcast %add3A_528 : i32 to vector<16xi32>
    %add3A_530 = arith.addi %iota3A, %add3A_529 : vector<16xi32>
    %add3A_531 = arith.constant 0 : i32
    %add3A_532 = vector.broadcast %add3A_531 : i32 to vector<16xi32>
    %add3A_533 = arith.addi %add3A_530, %add3A_532 : vector<16xi32>
    %gather3A_534 = arith.constant 2 : i32
    %gather3A_535 = arith.constant 0 : i32
    %gather3A_536 = arith.constant 0 : i32
    %gather3A_537 = tpu.memref_slice %arg6[%gather3A_534, %gather3A_535, %gather3A_536] : memref<8x64x128xf32, #tpu.memory_space<vmem>> -> memref<1x64x128xf32, #tpu.memory_space<vmem>>
    %gather3A_538 = tpu.memref_squeeze %gather3A_537 : memref<1x64x128xf32, #tpu.memory_space<vmem>> -> memref<64x128xf32, #tpu.memory_space<vmem>>
    %gather3A_539 = tpu.vector_load_idx %gather3A_538[%add3A_530, %add3A_533] : memref<64x128xf32, #tpu.memory_space<vmem>>[vector<16xi32>, vector<16xi32>], vector<16xf32>,
    %swap3A_540 = arith.constant 160 : index
    %swap3A_541 = tpu.vector_load %arg7[%swap3A_540] {strides = array<i32>} : memref<512xf32, #tpu.memory_space<vmem>>, vector<16xf32>,
    tpu.vector_store %arg7[%swap3A_540], %gather3A_539 {strides = array<i32>} : memref<512xf32, #tpu.memory_space<vmem>>, vector<16xf32>,
    %add3A_542 = arith.constant 48 : i32
    %add3A_543 = vector.broadcast %add3A_542 : i32 to vector<16xi32>
    %add3A_544 = arith.addi %iota3A, %add3A_543 : vector<16xi32>
    %add3A_545 = arith.constant 0 : i32
    %add3A_546 = vector.broadcast %add3A_545 : i32 to vector<16xi32>
    %add3A_547 = arith.addi %add3A_544, %add3A_546 : vector<16xi32>
    %gather3A_548 = arith.constant 2 : i32
    %gather3A_549 = arith.constant 0 : i32
    %gather3A_550 = arith.constant 0 : i32
    %gather3A_551 = tpu.memref_slice %arg6[%gather3A_548, %gather3A_549, %gather3A_550] : memref<8x64x128xf32, #tpu.memory_space<vmem>> -> memref<1x64x128xf32, #tpu.memory_space<vmem>>
    %gather3A_552 = tpu.memref_squeeze %gather3A_551 : memref<1x64x128xf32, #tpu.memory_space<vmem>> -> memref<64x128xf32, #tpu.memory_space<vmem>>
    %gather3A_553 = tpu.vector_load_idx %gather3A_552[%add3A_544, %add3A_547] : memref<64x128xf32, #tpu.memory_space<vmem>>[vector<16xi32>, vector<16xi32>], vector<16xf32>,
    %swap3A_554 = arith.constant 176 : index
    %swap3A_555 = tpu.vector_load %arg7[%swap3A_554] {strides = array<i32>} : memref<512xf32, #tpu.memory_space<vmem>>, vector<16xf32>,
    tpu.vector_store %arg7[%swap3A_554], %gather3A_553 {strides = array<i32>} : memref<512xf32, #tpu.memory_space<vmem>>, vector<16xf32>,
    %dma_wait3A_556 = arith.constant 3 : i32
    %dma_wait3A_557 = arith.constant 0 : i32
    %dma_wait3A_558 = arith.constant 0 : i32
    %dma_wait3A_559 = tpu.memref_slice %arg6[%dma_wait3A_556, %dma_wait3A_557, %dma_wait3A_558] : memref<8x64x128xf32, #tpu.memory_space<vmem>> -> memref<1x64x128xf32, #tpu.memory_space<vmem>>
    %dma_wait3A_560 = tpu.memref_squeeze %dma_wait3A_559 : memref<1x64x128xf32, #tpu.memory_space<vmem>> -> memref<64x128xf32, #tpu.memory_space<vmem>>
    %dma_wait3A_561 = arith.constant 192 : i32
    %dma_wait3A_562 = tpu.memref_slice %arg5[%dma_wait3A_561] : memref<512xi32, #tpu.memory_space<vmem>> -> memref<64xi32, #tpu.memory_space<vmem>>
    %dma_wait3A_563 = arith.constant 0 : i32
    %dma_wait3A_564 = tpu.memref_slice %arg2[%dma_wait3A_563, %add3A_309] : memref<32768x4096xf32, #tpu.memory_space<hbm>> -> memref<32768x128xf32, #tpu.memory_space<hbm>>
    tpu.wait_indirect_dma semaphore(%arg11 : memref<!tpu.dma_semaphore, #tpu.memory_space<semaphore_mem>>) src(%dma_wait3A_564 : memref<32768x128xf32, #tpu.memory_space<hbm>>) dst(%dma_wait3A_560 : memref<64x128xf32, #tpu.memory_space<vmem>>)
    %add3A_565 = arith.constant 0 : i32
    %add3A_566 = vector.broadcast %add3A_565 : i32 to vector<16xi32>
    %add3A_567 = arith.addi %iota3A, %add3A_566 : vector<16xi32>
    %add3A_568 = arith.constant 64 : i32
    %add3A_569 = vector.broadcast %add3A_568 : i32 to vector<16xi32>
    %add3A_570 = arith.addi %add3A_567, %add3A_569 : vector<16xi32>
    %gather3A_571 = arith.constant 3 : i32
    %gather3A_572 = arith.constant 0 : i32
    %gather3A_573 = arith.constant 0 : i32
    %gather3A_574 = tpu.memref_slice %arg6[%gather3A_571, %gather3A_572, %gather3A_573] : memref<8x64x128xf32, #tpu.memory_space<vmem>> -> memref<1x64x128xf32, #tpu.memory_space<vmem>>
    %gather3A_575 = tpu.memref_squeeze %gather3A_574 : memref<1x64x128xf32, #tpu.memory_space<vmem>> -> memref<64x128xf32, #tpu.memory_space<vmem>>
    %gather3A_576 = tpu.vector_load_idx %gather3A_575[%add3A_567, %add3A_570] : memref<64x128xf32, #tpu.memory_space<vmem>>[vector<16xi32>, vector<16xi32>], vector<16xf32>,
    %swap3A_577 = arith.constant 192 : index
    %swap3A_578 = tpu.vector_load %arg7[%swap3A_577] {strides = array<i32>} : memref<512xf32, #tpu.memory_space<vmem>>, vector<16xf32>,
    tpu.vector_store %arg7[%swap3A_577], %gather3A_576 {strides = array<i32>} : memref<512xf32, #tpu.memory_space<vmem>>, vector<16xf32>,
    %add3A_579 = arith.constant 16 : i32
    %add3A_580 = vector.broadcast %add3A_579 : i32 to vector<16xi32>
    %add3A_581 = arith.addi %iota3A, %add3A_580 : vector<16xi32>
    %add3A_582 = arith.constant 64 : i32
    %add3A_583 = vector.broadcast %add3A_582 : i32 to vector<16xi32>
    %add3A_584 = arith.addi %add3A_581, %add3A_583 : vector<16xi32>
    %gather3A_585 = arith.constant 3 : i32
    %gather3A_586 = arith.constant 0 : i32
    %gather3A_587 = arith.constant 0 : i32
    %gather3A_588 = tpu.memref_slice %arg6[%gather3A_585, %gather3A_586, %gather3A_587] : memref<8x64x128xf32, #tpu.memory_space<vmem>> -> memref<1x64x128xf32, #tpu.memory_space<vmem>>
    %gather3A_589 = tpu.memref_squeeze %gather3A_588 : memref<1x64x128xf32, #tpu.memory_space<vmem>> -> memref<64x128xf32, #tpu.memory_space<vmem>>
    %gather3A_590 = tpu.vector_load_idx %gather3A_589[%add3A_581, %add3A_584] : memref<64x128xf32, #tpu.memory_space<vmem>>[vector<16xi32>, vector<16xi32>], vector<16xf32>,
    %swap3A_591 = arith.constant 208 : index
    %swap3A_592 = tpu.vector_load %arg7[%swap3A_591] {strides = array<i32>} : memref<512xf32, #tpu.memory_space<vmem>>, vector<16xf32>,
    tpu.vector_store %arg7[%swap3A_591], %gather3A_590 {strides = array<i32>} : memref<512xf32, #tpu.memory_space<vmem>>, vector<16xf32>,
    %add3A_593 = arith.constant 32 : i32
    %add3A_594 = vector.broadcast %add3A_593 : i32 to vector<16xi32>
    %add3A_595 = arith.addi %iota3A, %add3A_594 : vector<16xi32>
    %add3A_596 = arith.constant 64 : i32
    %add3A_597 = vector.broadcast %add3A_596 : i32 to vector<16xi32>
    %add3A_598 = arith.addi %add3A_595, %add3A_597 : vector<16xi32>
    %gather3A_599 = arith.constant 3 : i32
    %gather3A_600 = arith.constant 0 : i32
    %gather3A_601 = arith.constant 0 : i32
    %gather3A_602 = tpu.memref_slice %arg6[%gather3A_599, %gather3A_600, %gather3A_601] : memref<8x64x128xf32, #tpu.memory_space<vmem>> -> memref<1x64x128xf32, #tpu.memory_space<vmem>>
    %gather3A_603 = tpu.memref_squeeze %gather3A_602 : memref<1x64x128xf32, #tpu.memory_space<vmem>> -> memref<64x128xf32, #tpu.memory_space<vmem>>
    %gather3A_604 = tpu.vector_load_idx %gather3A_603[%add3A_595, %add3A_598] : memref<64x128xf32, #tpu.memory_space<vmem>>[vector<16xi32>, vector<16xi32>], vector<16xf32>,
    %swap3A_605 = arith.constant 224 : index
    %swap3A_606 = tpu.vector_load %arg7[%swap3A_605] {strides = array<i32>} : memref<512xf32, #tpu.memory_space<vmem>>, vector<16xf32>,
    tpu.vector_store %arg7[%swap3A_605], %gather3A_604 {strides = array<i32>} : memref<512xf32, #tpu.memory_space<vmem>>, vector<16xf32>,
    %add3A_607 = arith.constant 48 : i32
    %add3A_608 = vector.broadcast %add3A_607 : i32 to vector<16xi32>
    %add3A_609 = arith.addi %iota3A, %add3A_608 : vector<16xi32>
    %add3A_610 = arith.constant 64 : i32
    %add3A_611 = vector.broadcast %add3A_610 : i32 to vector<16xi32>
    %add3A_612 = arith.addi %add3A_609, %add3A_611 : vector<16xi32>
    %gather3A_613 = arith.constant 3 : i32
    %gather3A_614 = arith.constant 0 : i32
    %gather3A_615 = arith.constant 0 : i32
    %gather3A_616 = tpu.memref_slice %arg6[%gather3A_613, %gather3A_614, %gather3A_615] : memref<8x64x128xf32, #tpu.memory_space<vmem>> -> memref<1x64x128xf32, #tpu.memory_space<vmem>>
    %gather3A_617 = tpu.memref_squeeze %gather3A_616 : memref<1x64x128xf32, #tpu.memory_space<vmem>> -> memref<64x128xf32, #tpu.memory_space<vmem>>
    %gather3A_618 = tpu.vector_load_idx %gather3A_617[%add3A_609, %add3A_612] : memref<64x128xf32, #tpu.memory_space<vmem>>[vector<16xi32>, vector<16xi32>], vector<16xf32>,
    %swap3A_619 = arith.constant 240 : index
    %swap3A_620 = tpu.vector_load %arg7[%swap3A_619] {strides = array<i32>} : memref<512xf32, #tpu.memory_space<vmem>>, vector<16xf32>,
    tpu.vector_store %arg7[%swap3A_619], %gather3A_618 {strides = array<i32>} : memref<512xf32, #tpu.memory_space<vmem>>, vector<16xf32>,
    %dma_wait3A_621 = arith.constant 4 : i32
    %dma_wait3A_622 = arith.constant 0 : i32
    %dma_wait3A_623 = arith.constant 0 : i32
    %dma_wait3A_624 = tpu.memref_slice %arg6[%dma_wait3A_621, %dma_wait3A_622, %dma_wait3A_623] : memref<8x64x128xf32, #tpu.memory_space<vmem>> -> memref<1x64x128xf32, #tpu.memory_space<vmem>>
    %dma_wait3A_625 = tpu.memref_squeeze %dma_wait3A_624 : memref<1x64x128xf32, #tpu.memory_space<vmem>> -> memref<64x128xf32, #tpu.memory_space<vmem>>
    %dma_wait3A_626 = arith.constant 256 : i32
    %dma_wait3A_627 = tpu.memref_slice %arg5[%dma_wait3A_626] : memref<512xi32, #tpu.memory_space<vmem>> -> memref<64xi32, #tpu.memory_space<vmem>>
    %dma_wait3A_628 = arith.constant 0 : i32
    %dma_wait3A_629 = tpu.memref_slice %arg2[%dma_wait3A_628, %add3A_320] : memref<32768x4096xf32, #tpu.memory_space<hbm>> -> memref<32768x128xf32, #tpu.memory_space<hbm>>
    tpu.wait_indirect_dma semaphore(%arg12 : memref<!tpu.dma_semaphore, #tpu.memory_space<semaphore_mem>>) src(%dma_wait3A_629 : memref<32768x128xf32, #tpu.memory_space<hbm>>) dst(%dma_wait3A_625 : memref<64x128xf32, #tpu.memory_space<vmem>>)
    %add3A_630 = arith.constant 0 : i32
    %add3A_631 = vector.broadcast %add3A_630 : i32 to vector<16xi32>
    %add3A_632 = arith.addi %iota3A, %add3A_631 : vector<16xi32>
    %add3A_633 = arith.constant 0 : i32
    %add3A_634 = vector.broadcast %add3A_633 : i32 to vector<16xi32>
    %add3A_635 = arith.addi %add3A_632, %add3A_634 : vector<16xi32>
    %gather3A_636 = arith.constant 4 : i32
    %gather3A_637 = arith.constant 0 : i32
    %gather3A_638 = arith.constant 0 : i32
    %gather3A_639 = tpu.memref_slice %arg6[%gather3A_636, %gather3A_637, %gather3A_638] : memref<8x64x128xf32, #tpu.memory_space<vmem>> -> memref<1x64x128xf32, #tpu.memory_space<vmem>>
    %gather3A_640 = tpu.memref_squeeze %gather3A_639 : memref<1x64x128xf32, #tpu.memory_space<vmem>> -> memref<64x128xf32, #tpu.memory_space<vmem>>
    %gather3A_641 = tpu.vector_load_idx %gather3A_640[%add3A_632, %add3A_635] : memref<64x128xf32, #tpu.memory_space<vmem>>[vector<16xi32>, vector<16xi32>], vector<16xf32>,
    %swap3A_642 = arith.constant 256 : index
    %swap3A_643 = tpu.vector_load %arg7[%swap3A_642] {strides = array<i32>} : memref<512xf32, #tpu.memory_space<vmem>>, vector<16xf32>,
    tpu.vector_store %arg7[%swap3A_642], %gather3A_641 {strides = array<i32>} : memref<512xf32, #tpu.memory_space<vmem>>, vector<16xf32>,
    %add3A_644 = arith.constant 16 : i32
    %add3A_645 = vector.broadcast %add3A_644 : i32 to vector<16xi32>
    %add3A_646 = arith.addi %iota3A, %add3A_645 : vector<16xi32>
    %add3A_647 = arith.constant 0 : i32
    %add3A_648 = vector.broadcast %add3A_647 : i32 to vector<16xi32>
    %add3A_649 = arith.addi %add3A_646, %add3A_648 : vector<16xi32>
    %gather3A_650 = arith.constant 4 : i32
    %gather3A_651 = arith.constant 0 : i32
    %gather3A_652 = arith.constant 0 : i32
    %gather3A_653 = tpu.memref_slice %arg6[%gather3A_650, %gather3A_651, %gather3A_652] : memref<8x64x128xf32, #tpu.memory_space<vmem>> -> memref<1x64x128xf32, #tpu.memory_space<vmem>>
    %gather3A_654 = tpu.memref_squeeze %gather3A_653 : memref<1x64x128xf32, #tpu.memory_space<vmem>> -> memref<64x128xf32, #tpu.memory_space<vmem>>
    %gather3A_655 = tpu.vector_load_idx %gather3A_654[%add3A_646, %add3A_649] : memref<64x128xf32, #tpu.memory_space<vmem>>[vector<16xi32>, vector<16xi32>], vector<16xf32>,
    %swap3A_656 = arith.constant 272 : index
    %swap3A_657 = tpu.vector_load %arg7[%swap3A_656] {strides = array<i32>} : memref<512xf32, #tpu.memory_space<vmem>>, vector<16xf32>,
    tpu.vector_store %arg7[%swap3A_656], %gather3A_655 {strides = array<i32>} : memref<512xf32, #tpu.memory_space<vmem>>, vector<16xf32>,
    %add3A_658 = arith.constant 32 : i32
    %add3A_659 = vector.broadcast %add3A_658 : i32 to vector<16xi32>
    %add3A_660 = arith.addi %iota3A, %add3A_659 : vector<16xi32>
    %add3A_661 = arith.constant 0 : i32
    %add3A_662 = vector.broadcast %add3A_661 : i32 to vector<16xi32>
    %add3A_663 = arith.addi %add3A_660, %add3A_662 : vector<16xi32>
    %gather3A_664 = arith.constant 4 : i32
    %gather3A_665 = arith.constant 0 : i32
    %gather3A_666 = arith.constant 0 : i32
    %gather3A_667 = tpu.memref_slice %arg6[%gather3A_664, %gather3A_665, %gather3A_666] : memref<8x64x128xf32, #tpu.memory_space<vmem>> -> memref<1x64x128xf32, #tpu.memory_space<vmem>>
    %gather3A_668 = tpu.memref_squeeze %gather3A_667 : memref<1x64x128xf32, #tpu.memory_space<vmem>> -> memref<64x128xf32, #tpu.memory_space<vmem>>
    %gather3A_669 = tpu.vector_load_idx %gather3A_668[%add3A_660, %add3A_663] : memref<64x128xf32, #tpu.memory_space<vmem>>[vector<16xi32>, vector<16xi32>], vector<16xf32>,
    %swap3A_670 = arith.constant 288 : index
    %swap3A_671 = tpu.vector_load %arg7[%swap3A_670] {strides = array<i32>} : memref<512xf32, #tpu.memory_space<vmem>>, vector<16xf32>,
    tpu.vector_store %arg7[%swap3A_670], %gather3A_669 {strides = array<i32>} : memref<512xf32, #tpu.memory_space<vmem>>, vector<16xf32>,
    %add3A_672 = arith.constant 48 : i32
    %add3A_673 = vector.broadcast %add3A_672 : i32 to vector<16xi32>
    %add3A_674 = arith.addi %iota3A, %add3A_673 : vector<16xi32>
    %add3A_675 = arith.constant 0 : i32
    %add3A_676 = vector.broadcast %add3A_675 : i32 to vector<16xi32>
    %add3A_677 = arith.addi %add3A_674, %add3A_676 : vector<16xi32>
    %gather3A_678 = arith.constant 4 : i32
    %gather3A_679 = arith.constant 0 : i32
    %gather3A_680 = arith.constant 0 : i32
    %gather3A_681 = tpu.memref_slice %arg6[%gather3A_678, %gather3A_679, %gather3A_680] : memref<8x64x128xf32, #tpu.memory_space<vmem>> -> memref<1x64x128xf32, #tpu.memory_space<vmem>>
    %gather3A_682 = tpu.memref_squeeze %gather3A_681 : memref<1x64x128xf32, #tpu.memory_space<vmem>> -> memref<64x128xf32, #tpu.memory_space<vmem>>
    %gather3A_683 = tpu.vector_load_idx %gather3A_682[%add3A_674, %add3A_677] : memref<64x128xf32, #tpu.memory_space<vmem>>[vector<16xi32>, vector<16xi32>], vector<16xf32>,
    %swap3A_684 = arith.constant 304 : index
    %swap3A_685 = tpu.vector_load %arg7[%swap3A_684] {strides = array<i32>} : memref<512xf32, #tpu.memory_space<vmem>>, vector<16xf32>,
    tpu.vector_store %arg7[%swap3A_684], %gather3A_683 {strides = array<i32>} : memref<512xf32, #tpu.memory_space<vmem>>, vector<16xf32>,
    %dma_wait3A_686 = arith.constant 5 : i32
    %dma_wait3A_687 = arith.constant 0 : i32
    %dma_wait3A_688 = arith.constant 0 : i32
    %dma_wait3A_689 = tpu.memref_slice %arg6[%dma_wait3A_686, %dma_wait3A_687, %dma_wait3A_688] : memref<8x64x128xf32, #tpu.memory_space<vmem>> -> memref<1x64x128xf32, #tpu.memory_space<vmem>>
    %dma_wait3A_690 = tpu.memref_squeeze %dma_wait3A_689 : memref<1x64x128xf32, #tpu.memory_space<vmem>> -> memref<64x128xf32, #tpu.memory_space<vmem>>
    %dma_wait3A_691 = arith.constant 320 : i32
    %dma_wait3A_692 = tpu.memref_slice %arg5[%dma_wait3A_691] : memref<512xi32, #tpu.memory_space<vmem>> -> memref<64xi32, #tpu.memory_space<vmem>>
    %dma_wait3A_693 = arith.constant 0 : i32
    %dma_wait3A_694 = tpu.memref_slice %arg2[%dma_wait3A_693, %add3A_331] : memref<32768x4096xf32, #tpu.memory_space<hbm>> -> memref<32768x128xf32, #tpu.memory_space<hbm>>
    tpu.wait_indirect_dma semaphore(%arg13 : memref<!tpu.dma_semaphore, #tpu.memory_space<semaphore_mem>>) src(%dma_wait3A_694 : memref<32768x128xf32, #tpu.memory_space<hbm>>) dst(%dma_wait3A_690 : memref<64x128xf32, #tpu.memory_space<vmem>>)
    %add3A_695 = arith.constant 0 : i32
    %add3A_696 = vector.broadcast %add3A_695 : i32 to vector<16xi32>
    %add3A_697 = arith.addi %iota3A, %add3A_696 : vector<16xi32>
    %add3A_698 = arith.constant 64 : i32
    %add3A_699 = vector.broadcast %add3A_698 : i32 to vector<16xi32>
    %add3A_700 = arith.addi %add3A_697, %add3A_699 : vector<16xi32>
    %gather3A_701 = arith.constant 5 : i32
    %gather3A_702 = arith.constant 0 : i32
    %gather3A_703 = arith.constant 0 : i32
    %gather3A_704 = tpu.memref_slice %arg6[%gather3A_701, %gather3A_702, %gather3A_703] : memref<8x64x128xf32, #tpu.memory_space<vmem>> -> memref<1x64x128xf32, #tpu.memory_space<vmem>>
    %gather3A_705 = tpu.memref_squeeze %gather3A_704 : memref<1x64x128xf32, #tpu.memory_space<vmem>> -> memref<64x128xf32, #tpu.memory_space<vmem>>
    %gather3A_706 = tpu.vector_load_idx %gather3A_705[%add3A_697, %add3A_700] : memref<64x128xf32, #tpu.memory_space<vmem>>[vector<16xi32>, vector<16xi32>], vector<16xf32>,
    %swap3A_707 = arith.constant 320 : index
    %swap3A_708 = tpu.vector_load %arg7[%swap3A_707] {strides = array<i32>} : memref<512xf32, #tpu.memory_space<vmem>>, vector<16xf32>,
    tpu.vector_store %arg7[%swap3A_707], %gather3A_706 {strides = array<i32>} : memref<512xf32, #tpu.memory_space<vmem>>, vector<16xf32>,
    %add3A_709 = arith.constant 16 : i32
    %add3A_710 = vector.broadcast %add3A_709 : i32 to vector<16xi32>
    %add3A_711 = arith.addi %iota3A, %add3A_710 : vector<16xi32>
    %add3A_712 = arith.constant 64 : i32
    %add3A_713 = vector.broadcast %add3A_712 : i32 to vector<16xi32>
    %add3A_714 = arith.addi %add3A_711, %add3A_713 : vector<16xi32>
    %gather3A_715 = arith.constant 5 : i32
    %gather3A_716 = arith.constant 0 : i32
    %gather3A_717 = arith.constant 0 : i32
    %gather3A_718 = tpu.memref_slice %arg6[%gather3A_715, %gather3A_716, %gather3A_717] : memref<8x64x128xf32, #tpu.memory_space<vmem>> -> memref<1x64x128xf32, #tpu.memory_space<vmem>>
    %gather3A_719 = tpu.memref_squeeze %gather3A_718 : memref<1x64x128xf32, #tpu.memory_space<vmem>> -> memref<64x128xf32, #tpu.memory_space<vmem>>
    %gather3A_720 = tpu.vector_load_idx %gather3A_719[%add3A_711, %add3A_714] : memref<64x128xf32, #tpu.memory_space<vmem>>[vector<16xi32>, vector<16xi32>], vector<16xf32>,
    %swap3A_721 = arith.constant 336 : index
    %swap3A_722 = tpu.vector_load %arg7[%swap3A_721] {strides = array<i32>} : memref<512xf32, #tpu.memory_space<vmem>>, vector<16xf32>,
    tpu.vector_store %arg7[%swap3A_721], %gather3A_720 {strides = array<i32>} : memref<512xf32, #tpu.memory_space<vmem>>, vector<16xf32>,
    %add3A_723 = arith.constant 32 : i32
    %add3A_724 = vector.broadcast %add3A_723 : i32 to vector<16xi32>
    %add3A_725 = arith.addi %iota3A, %add3A_724 : vector<16xi32>
    %add3A_726 = arith.constant 64 : i32
    %add3A_727 = vector.broadcast %add3A_726 : i32 to vector<16xi32>
    %add3A_728 = arith.addi %add3A_725, %add3A_727 : vector<16xi32>
    %gather3A_729 = arith.constant 5 : i32
    %gather3A_730 = arith.constant 0 : i32
    %gather3A_731 = arith.constant 0 : i32
    %gather3A_732 = tpu.memref_slice %arg6[%gather3A_729, %gather3A_730, %gather3A_731] : memref<8x64x128xf32, #tpu.memory_space<vmem>> -> memref<1x64x128xf32, #tpu.memory_space<vmem>>
    %gather3A_733 = tpu.memref_squeeze %gather3A_732 : memref<1x64x128xf32, #tpu.memory_space<vmem>> -> memref<64x128xf32, #tpu.memory_space<vmem>>
    %gather3A_734 = tpu.vector_load_idx %gather3A_733[%add3A_725, %add3A_728] : memref<64x128xf32, #tpu.memory_space<vmem>>[vector<16xi32>, vector<16xi32>], vector<16xf32>,
    %swap3A_735 = arith.constant 352 : index
    %swap3A_736 = tpu.vector_load %arg7[%swap3A_735] {strides = array<i32>} : memref<512xf32, #tpu.memory_space<vmem>>, vector<16xf32>,
    tpu.vector_store %arg7[%swap3A_735], %gather3A_734 {strides = array<i32>} : memref<512xf32, #tpu.memory_space<vmem>>, vector<16xf32>,
    %add3A_737 = arith.constant 48 : i32
    %add3A_738 = vector.broadcast %add3A_737 : i32 to vector<16xi32>
    %add3A_739 = arith.addi %iota3A, %add3A_738 : vector<16xi32>
    %add3A_740 = arith.constant 64 : i32
    %add3A_741 = vector.broadcast %add3A_740 : i32 to vector<16xi32>
    %add3A_742 = arith.addi %add3A_739, %add3A_741 : vector<16xi32>
    %gather3A_743 = arith.constant 5 : i32
    %gather3A_744 = arith.constant 0 : i32
    %gather3A_745 = arith.constant 0 : i32
    %gather3A_746 = tpu.memref_slice %arg6[%gather3A_743, %gather3A_744, %gather3A_745] : memref<8x64x128xf32, #tpu.memory_space<vmem>> -> memref<1x64x128xf32, #tpu.memory_space<vmem>>
    %gather3A_747 = tpu.memref_squeeze %gather3A_746 : memref<1x64x128xf32, #tpu.memory_space<vmem>> -> memref<64x128xf32, #tpu.memory_space<vmem>>
    %gather3A_748 = tpu.vector_load_idx %gather3A_747[%add3A_739, %add3A_742] : memref<64x128xf32, #tpu.memory_space<vmem>>[vector<16xi32>, vector<16xi32>], vector<16xf32>,
    %swap3A_749 = arith.constant 368 : index
    %swap3A_750 = tpu.vector_load %arg7[%swap3A_749] {strides = array<i32>} : memref<512xf32, #tpu.memory_space<vmem>>, vector<16xf32>,
    tpu.vector_store %arg7[%swap3A_749], %gather3A_748 {strides = array<i32>} : memref<512xf32, #tpu.memory_space<vmem>>, vector<16xf32>,
    %dma_wait3A_751 = arith.constant 6 : i32
    %dma_wait3A_752 = arith.constant 0 : i32
    %dma_wait3A_753 = arith.constant 0 : i32
    %dma_wait3A_754 = tpu.memref_slice %arg6[%dma_wait3A_751, %dma_wait3A_752, %dma_wait3A_753] : memref<8x64x128xf32, #tpu.memory_space<vmem>> -> memref<1x64x128xf32, #tpu.memory_space<vmem>>
    %dma_wait3A_755 = tpu.memref_squeeze %dma_wait3A_754 : memref<1x64x128xf32, #tpu.memory_space<vmem>> -> memref<64x128xf32, #tpu.memory_space<vmem>>
    %dma_wait3A_756 = arith.constant 384 : i32
    %dma_wait3A_757 = tpu.memref_slice %arg5[%dma_wait3A_756] : memref<512xi32, #tpu.memory_space<vmem>> -> memref<64xi32, #tpu.memory_space<vmem>>
    %dma_wait3A_758 = arith.constant 0 : i32
    %dma_wait3A_759 = tpu.memref_slice %arg2[%dma_wait3A_758, %add3A_342] : memref<32768x4096xf32, #tpu.memory_space<hbm>> -> memref<32768x128xf32, #tpu.memory_space<hbm>>
    tpu.wait_indirect_dma semaphore(%arg14 : memref<!tpu.dma_semaphore, #tpu.memory_space<semaphore_mem>>) src(%dma_wait3A_759 : memref<32768x128xf32, #tpu.memory_space<hbm>>) dst(%dma_wait3A_755 : memref<64x128xf32, #tpu.memory_space<vmem>>)
    %add3A_760 = arith.constant 0 : i32
    %add3A_761 = vector.broadcast %add3A_760 : i32 to vector<16xi32>
    %add3A_762 = arith.addi %iota3A, %add3A_761 : vector<16xi32>
    %add3A_763 = arith.constant 0 : i32
    %add3A_764 = vector.broadcast %add3A_763 : i32 to vector<16xi32>
    %add3A_765 = arith.addi %add3A_762, %add3A_764 : vector<16xi32>
    %gather3A_766 = arith.constant 6 : i32
    %gather3A_767 = arith.constant 0 : i32
    %gather3A_768 = arith.constant 0 : i32
    %gather3A_769 = tpu.memref_slice %arg6[%gather3A_766, %gather3A_767, %gather3A_768] : memref<8x64x128xf32, #tpu.memory_space<vmem>> -> memref<1x64x128xf32, #tpu.memory_space<vmem>>
    %gather3A_770 = tpu.memref_squeeze %gather3A_769 : memref<1x64x128xf32, #tpu.memory_space<vmem>> -> memref<64x128xf32, #tpu.memory_space<vmem>>
    %gather3A_771 = tpu.vector_load_idx %gather3A_770[%add3A_762, %add3A_765] : memref<64x128xf32, #tpu.memory_space<vmem>>[vector<16xi32>, vector<16xi32>], vector<16xf32>,
    %swap3A_772 = arith.constant 384 : index
    %swap3A_773 = tpu.vector_load %arg7[%swap3A_772] {strides = array<i32>} : memref<512xf32, #tpu.memory_space<vmem>>, vector<16xf32>,
    tpu.vector_store %arg7[%swap3A_772], %gather3A_771 {strides = array<i32>} : memref<512xf32, #tpu.memory_space<vmem>>, vector<16xf32>,
    %add3A_774 = arith.constant 16 : i32
    %add3A_775 = vector.broadcast %add3A_774 : i32 to vector<16xi32>
    %add3A_776 = arith.addi %iota3A, %add3A_775 : vector<16xi32>
    %add3A_777 = arith.constant 0 : i32
    %add3A_778 = vector.broadcast %add3A_777 : i32 to vector<16xi32>
    %add3A_779 = arith.addi %add3A_776, %add3A_778 : vector<16xi32>
    %gather3A_780 = arith.constant 6 : i32
    %gather3A_781 = arith.constant 0 : i32
    %gather3A_782 = arith.constant 0 : i32
    %gather3A_783 = tpu.memref_slice %arg6[%gather3A_780, %gather3A_781, %gather3A_782] : memref<8x64x128xf32, #tpu.memory_space<vmem>> -> memref<1x64x128xf32, #tpu.memory_space<vmem>>
    %gather3A_784 = tpu.memref_squeeze %gather3A_783 : memref<1x64x128xf32, #tpu.memory_space<vmem>> -> memref<64x128xf32, #tpu.memory_space<vmem>>
    %gather3A_785 = tpu.vector_load_idx %gather3A_784[%add3A_776, %add3A_779] : memref<64x128xf32, #tpu.memory_space<vmem>>[vector<16xi32>, vector<16xi32>], vector<16xf32>,
    %swap3A_786 = arith.constant 400 : index
    %swap3A_787 = tpu.vector_load %arg7[%swap3A_786] {strides = array<i32>} : memref<512xf32, #tpu.memory_space<vmem>>, vector<16xf32>,
    tpu.vector_store %arg7[%swap3A_786], %gather3A_785 {strides = array<i32>} : memref<512xf32, #tpu.memory_space<vmem>>, vector<16xf32>,
    %add3A_788 = arith.constant 32 : i32
    %add3A_789 = vector.broadcast %add3A_788 : i32 to vector<16xi32>
    %add3A_790 = arith.addi %iota3A, %add3A_789 : vector<16xi32>
    %add3A_791 = arith.constant 0 : i32
    %add3A_792 = vector.broadcast %add3A_791 : i32 to vector<16xi32>
    %add3A_793 = arith.addi %add3A_790, %add3A_792 : vector<16xi32>
    %gather3A_794 = arith.constant 6 : i32
    %gather3A_795 = arith.constant 0 : i32
    %gather3A_796 = arith.constant 0 : i32
    %gather3A_797 = tpu.memref_slice %arg6[%gather3A_794, %gather3A_795, %gather3A_796] : memref<8x64x128xf32, #tpu.memory_space<vmem>> -> memref<1x64x128xf32, #tpu.memory_space<vmem>>
    %gather3A_798 = tpu.memref_squeeze %gather3A_797 : memref<1x64x128xf32, #tpu.memory_space<vmem>> -> memref<64x128xf32, #tpu.memory_space<vmem>>
    %gather3A_799 = tpu.vector_load_idx %gather3A_798[%add3A_790, %add3A_793] : memref<64x128xf32, #tpu.memory_space<vmem>>[vector<16xi32>, vector<16xi32>], vector<16xf32>,
    %swap3A_800 = arith.constant 416 : index
    %swap3A_801 = tpu.vector_load %arg7[%swap3A_800] {strides = array<i32>} : memref<512xf32, #tpu.memory_space<vmem>>, vector<16xf32>,
    tpu.vector_store %arg7[%swap3A_800], %gather3A_799 {strides = array<i32>} : memref<512xf32, #tpu.memory_space<vmem>>, vector<16xf32>,
    %add3A_802 = arith.constant 48 : i32
    %add3A_803 = vector.broadcast %add3A_802 : i32 to vector<16xi32>
    %add3A_804 = arith.addi %iota3A, %add3A_803 : vector<16xi32>
    %add3A_805 = arith.constant 0 : i32
    %add3A_806 = vector.broadcast %add3A_805 : i32 to vector<16xi32>
    %add3A_807 = arith.addi %add3A_804, %add3A_806 : vector<16xi32>
    %gather3A_808 = arith.constant 6 : i32
    %gather3A_809 = arith.constant 0 : i32
    %gather3A_810 = arith.constant 0 : i32
    %gather3A_811 = tpu.memref_slice %arg6[%gather3A_808, %gather3A_809, %gather3A_810] : memref<8x64x128xf32, #tpu.memory_space<vmem>> -> memref<1x64x128xf32, #tpu.memory_space<vmem>>
    %gather3A_812 = tpu.memref_squeeze %gather3A_811 : memref<1x64x128xf32, #tpu.memory_space<vmem>> -> memref<64x128xf32, #tpu.memory_space<vmem>>
    %gather3A_813 = tpu.vector_load_idx %gather3A_812[%add3A_804, %add3A_807] : memref<64x128xf32, #tpu.memory_space<vmem>>[vector<16xi32>, vector<16xi32>], vector<16xf32>,
    %swap3A_814 = arith.constant 432 : index
    %swap3A_815 = tpu.vector_load %arg7[%swap3A_814] {strides = array<i32>} : memref<512xf32, #tpu.memory_space<vmem>>, vector<16xf32>,
    tpu.vector_store %arg7[%swap3A_814], %gather3A_813 {strides = array<i32>} : memref<512xf32, #tpu.memory_space<vmem>>, vector<16xf32>,
    %dma_wait3A_816 = arith.constant 7 : i32
    %dma_wait3A_817 = arith.constant 0 : i32
    %dma_wait3A_818 = arith.constant 0 : i32
    %dma_wait3A_819 = tpu.memref_slice %arg6[%dma_wait3A_816, %dma_wait3A_817, %dma_wait3A_818] : memref<8x64x128xf32, #tpu.memory_space<vmem>> -> memref<1x64x128xf32, #tpu.memory_space<vmem>>
    %dma_wait3A_820 = tpu.memref_squeeze %dma_wait3A_819 : memref<1x64x128xf32, #tpu.memory_space<vmem>> -> memref<64x128xf32, #tpu.memory_space<vmem>>
    %dma_wait3A_821 = arith.constant 448 : i32
    %dma_wait3A_822 = tpu.memref_slice %arg5[%dma_wait3A_821] : memref<512xi32, #tpu.memory_space<vmem>> -> memref<64xi32, #tpu.memory_space<vmem>>
    %dma_wait3A_823 = arith.constant 0 : i32
    %dma_wait3A_824 = tpu.memref_slice %arg2[%dma_wait3A_823, %add3A_353] : memref<32768x4096xf32, #tpu.memory_space<hbm>> -> memref<32768x128xf32, #tpu.memory_space<hbm>>
    tpu.wait_indirect_dma semaphore(%arg15 : memref<!tpu.dma_semaphore, #tpu.memory_space<semaphore_mem>>) src(%dma_wait3A_824 : memref<32768x128xf32, #tpu.memory_space<hbm>>) dst(%dma_wait3A_820 : memref<64x128xf32, #tpu.memory_space<vmem>>)
    %add3A_825 = arith.constant 0 : i32
    %add3A_826 = vector.broadcast %add3A_825 : i32 to vector<16xi32>
    %add3A_827 = arith.addi %iota3A, %add3A_826 : vector<16xi32>
    %add3A_828 = arith.constant 64 : i32
    %add3A_829 = vector.broadcast %add3A_828 : i32 to vector<16xi32>
    %add3A_830 = arith.addi %add3A_827, %add3A_829 : vector<16xi32>
    %gather3A_831 = arith.constant 7 : i32
    %gather3A_832 = arith.constant 0 : i32
    %gather3A_833 = arith.constant 0 : i32
    %gather3A_834 = tpu.memref_slice %arg6[%gather3A_831, %gather3A_832, %gather3A_833] : memref<8x64x128xf32, #tpu.memory_space<vmem>> -> memref<1x64x128xf32, #tpu.memory_space<vmem>>
    %gather3A_835 = tpu.memref_squeeze %gather3A_834 : memref<1x64x128xf32, #tpu.memory_space<vmem>> -> memref<64x128xf32, #tpu.memory_space<vmem>>
    %gather3A_836 = tpu.vector_load_idx %gather3A_835[%add3A_827, %add3A_830] : memref<64x128xf32, #tpu.memory_space<vmem>>[vector<16xi32>, vector<16xi32>], vector<16xf32>,
    %swap3A_837 = arith.constant 448 : index
    %swap3A_838 = tpu.vector_load %arg7[%swap3A_837] {strides = array<i32>} : memref<512xf32, #tpu.memory_space<vmem>>, vector<16xf32>,
    tpu.vector_store %arg7[%swap3A_837], %gather3A_836 {strides = array<i32>} : memref<512xf32, #tpu.memory_space<vmem>>, vector<16xf32>,
    %add3A_839 = arith.constant 16 : i32
    %add3A_840 = vector.broadcast %add3A_839 : i32 to vector<16xi32>
    %add3A_841 = arith.addi %iota3A, %add3A_840 : vector<16xi32>
    %add3A_842 = arith.constant 64 : i32
    %add3A_843 = vector.broadcast %add3A_842 : i32 to vector<16xi32>
    %add3A_844 = arith.addi %add3A_841, %add3A_843 : vector<16xi32>
    %gather3A_845 = arith.constant 7 : i32
    %gather3A_846 = arith.constant 0 : i32
    %gather3A_847 = arith.constant 0 : i32
    %gather3A_848 = tpu.memref_slice %arg6[%gather3A_845, %gather3A_846, %gather3A_847] : memref<8x64x128xf32, #tpu.memory_space<vmem>> -> memref<1x64x128xf32, #tpu.memory_space<vmem>>
    %gather3A_849 = tpu.memref_squeeze %gather3A_848 : memref<1x64x128xf32, #tpu.memory_space<vmem>> -> memref<64x128xf32, #tpu.memory_space<vmem>>
    %gather3A_850 = tpu.vector_load_idx %gather3A_849[%add3A_841, %add3A_844] : memref<64x128xf32, #tpu.memory_space<vmem>>[vector<16xi32>, vector<16xi32>], vector<16xf32>,
    %swap3A_851 = arith.constant 464 : index
    %swap3A_852 = tpu.vector_load %arg7[%swap3A_851] {strides = array<i32>} : memref<512xf32, #tpu.memory_space<vmem>>, vector<16xf32>,
    tpu.vector_store %arg7[%swap3A_851], %gather3A_850 {strides = array<i32>} : memref<512xf32, #tpu.memory_space<vmem>>, vector<16xf32>,
    %add3A_853 = arith.constant 32 : i32
    %add3A_854 = vector.broadcast %add3A_853 : i32 to vector<16xi32>
    %add3A_855 = arith.addi %iota3A, %add3A_854 : vector<16xi32>
    %add3A_856 = arith.constant 64 : i32
    %add3A_857 = vector.broadcast %add3A_856 : i32 to vector<16xi32>
    %add3A_858 = arith.addi %add3A_855, %add3A_857 : vector<16xi32>
    %gather3A_859 = arith.constant 7 : i32
    %gather3A_860 = arith.constant 0 : i32
    %gather3A_861 = arith.constant 0 : i32
    %gather3A_862 = tpu.memref_slice %arg6[%gather3A_859, %gather3A_860, %gather3A_861] : memref<8x64x128xf32, #tpu.memory_space<vmem>> -> memref<1x64x128xf32, #tpu.memory_space<vmem>>
    %gather3A_863 = tpu.memref_squeeze %gather3A_862 : memref<1x64x128xf32, #tpu.memory_space<vmem>> -> memref<64x128xf32, #tpu.memory_space<vmem>>
    %gather3A_864 = tpu.vector_load_idx %gather3A_863[%add3A_855, %add3A_858] : memref<64x128xf32, #tpu.memory_space<vmem>>[vector<16xi32>, vector<16xi32>], vector<16xf32>,
    %swap3A_865 = arith.constant 480 : index
    %swap3A_866 = tpu.vector_load %arg7[%swap3A_865] {strides = array<i32>} : memref<512xf32, #tpu.memory_space<vmem>>, vector<16xf32>,
    tpu.vector_store %arg7[%swap3A_865], %gather3A_864 {strides = array<i32>} : memref<512xf32, #tpu.memory_space<vmem>>, vector<16xf32>,
    %add3A_867 = arith.constant 48 : i32
    %add3A_868 = vector.broadcast %add3A_867 : i32 to vector<16xi32>
    %add3A_869 = arith.addi %iota3A, %add3A_868 : vector<16xi32>
    %add3A_870 = arith.constant 64 : i32
    %add3A_871 = vector.broadcast %add3A_870 : i32 to vector<16xi32>
    %add3A_872 = arith.addi %add3A_869, %add3A_871 : vector<16xi32>
    %gather3A_873 = arith.constant 7 : i32
    %gather3A_874 = arith.constant 0 : i32
    %gather3A_875 = arith.constant 0 : i32
    %gather3A_876 = tpu.memref_slice %arg6[%gather3A_873, %gather3A_874, %gather3A_875] : memref<8x64x128xf32, #tpu.memory_space<vmem>> -> memref<1x64x128xf32, #tpu.memory_space<vmem>>
    %gather3A_877 = tpu.memref_squeeze %gather3A_876 : memref<1x64x128xf32, #tpu.memory_space<vmem>> -> memref<64x128xf32, #tpu.memory_space<vmem>>
    %gather3A_878 = tpu.vector_load_idx %gather3A_877[%add3A_869, %add3A_872] : memref<64x128xf32, #tpu.memory_space<vmem>>[vector<16xi32>, vector<16xi32>], vector<16xf32>,
    %swap3A_879 = arith.constant 496 : index
    %swap3A_880 = tpu.vector_load %arg7[%swap3A_879] {strides = array<i32>} : memref<512xf32, #tpu.memory_space<vmem>>, vector<16xf32>,
    tpu.vector_store %arg7[%swap3A_879], %gather3A_878 {strides = array<i32>} : memref<512xf32, #tpu.memory_space<vmem>>, vector<16xf32>,
    %run_scoped3A_881 = arith.constant 0 : i32
    "tpu.region"() ({
      %run_scoped3A_882 = tpu.sem_alloc : memref<!tpu.dma_semaphore, #tpu.memory_space<semaphore_mem>>
      %dma_start3A_883 = tpu.memref_slice %arg4[%select_n3A, %run_scoped3A_881, %sub3A_21] : memref<4x1x4096xf32, #tpu.memory_space<hbm>> -> memref<1x1x512xf32, #tpu.memory_space<hbm>>
      %dma_start3A_884 = tpu.memref_squeeze %dma_start3A_883 : memref<1x1x512xf32, #tpu.memory_space<hbm>> -> memref<512xf32, #tpu.memory_space<hbm>>
      %dma_start3A_885 = tpu.memref_slice %arg4[%select_n3A, %run_scoped3A_881, %sub3A_21] : memref<4x1x4096xf32, #tpu.memory_space<hbm>> -> memref<1x1x512xf32, #tpu.memory_space<hbm>>
      %dma_start3A_886 = tpu.memref_squeeze %dma_start3A_885 : memref<1x1x512xf32, #tpu.memory_space<hbm>> -> memref<512xf32, #tpu.memory_space<hbm>>
      tpu.enqueue_dma source(%arg7 : memref<512xf32, #tpu.memory_space<vmem>>) target(%dma_start3A_886 : memref<512xf32, #tpu.memory_space<hbm>>) target_semaphore(%run_scoped3A_882 : memref<!tpu.dma_semaphore, #tpu.memory_space<semaphore_mem>>)
      %dma_wait3A_887 = tpu.memref_slice %arg4[%select_n3A, %run_scoped3A_881, %sub3A_21] : memref<4x1x4096xf32, #tpu.memory_space<hbm>> -> memref<1x1x512xf32, #tpu.memory_space<hbm>>
      %dma_wait3A_888 = tpu.memref_squeeze %dma_wait3A_887 : memref<1x1x512xf32, #tpu.memory_space<hbm>> -> memref<512xf32, #tpu.memory_space<hbm>>
      %dma_wait3A_889 = tpu.memref_slice %arg4[%select_n3A, %run_scoped3A_881, %sub3A_21] : memref<4x1x4096xf32, #tpu.memory_space<hbm>> -> memref<1x1x512xf32, #tpu.memory_space<hbm>>
      %dma_wait3A_890 = tpu.memref_squeeze %dma_wait3A_889 : memref<1x1x512xf32, #tpu.memory_space<hbm>> -> memref<512xf32, #tpu.memory_space<hbm>>
      tpu.wait_dma2 semaphore(%run_scoped3A_882 : memref<!tpu.dma_semaphore, #tpu.memory_space<semaphore_mem>>) src(%arg7 : memref<512xf32, #tpu.memory_space<vmem>>) dst(%dma_wait3A_890 : memref<512xf32, #tpu.memory_space<hbm>>)
      tpu.yield
    }) : () -> ()
    return
  }
}

</mosaic_0001>

<sc_bundles>
// kernel: kernel.3.cloned.1.call-start
scs
__scs_entry_jumppad:
0x0: {  	(pc) =	sbr.rel $0x88, $3  }
0x1: {  	(tag) =	ssettag $0x0;
	lr =	simm.s32 $0x1  }
0x2: {  	[smem:$0x3F9F] =	sst lr;
	_ =	strace $0xD0000000  }
0x3: {  	_ = 	snop  }
0x4: {  	_ = 	snop  }
0x5: {  	_ = 	snop  }
0x6: {  	_ = 	snop  }
0x7: {  	_ = 	snop  }
__scs_overlays_trampoline_lowered:
0x8: {  	[smem:$0x3FAE] =	sst s0  }
0x9: {  	[smem:$0x3FAF] =	sst s1  }
0xa: {  	[smem:$0x3FB0] =	sst s2  }
0xb: {  	[smem:$0x3FB1] =	sst s3  }
0xc: {  	[smem:$0x3FB2] =	sst s4  }
0xd: {  	[smem:$0x3FB3] =	sst s5  }
0xe: {  	[smem:$0x3FB4] =	sst s6  }
0xf: {  	[smem:$0x3FB5] =	sst s7  }
0x10: {  	[smem:$0x3FB6] =	sst s8  }
0x11: {  	[smem:$0x3FB7] =	sst s9;
	s0 =	simm.s32 @!p0 $0x0  }
0x12: {  	s1 =	sld [smem:$0x3F9D];
	s0 =	simm.s32 @p0 $0x1  }
0x13: {  	[smem:$0x3FB8] =	sst s0;
	s0 =	simm.s32 @!p1 $0x0  }
0x14: {  	s2 =	sld [smem:$0x3F9C];
	s0 =	simm.s32 @p1 $0x1  }
0x15: {  	[smem:$0x3FB9] =	sst s0;
	s0 =	simm.s32 @!p2 $0x0  }
0x16: {  	s3 =	sld [smem:$0x3FDB];
	s0 =	simm.s32 @p2 $0x1  }
0x17: {  	s4 =	simm.s32 $0x1BF5;
	[smem:$0x3FBB] =	sst s0  }
0x18: {  	s0 =	sld [smem:$0x3F9E];
	_ =	swait.ge [sflag:s4], $0x0  }
0x19: {  	s7 =	sld [smem:$0x3F9F]  }
0x1a: {  	s8 =	sadd.s32 $0xFFFFE003, lr  }
0x1b: {  	s9 =	sadd.s32 $0xFFFFFEF7, lr;
	s5 =	simm.s32 $0xFFFFFFFF;
	p2 =	slt.u32 s8, $0xFFFFF086  }
0x1c: {  	p1 =	slt.u32 s9, $0xF7A;
	s5 =	simm.s32 @!p2 $0x0  }
0x1d: {  	s5 =	simm.s32 @p1 $0x1;
	p0 =	seq.s32 s7, s2  }
0x1e: {  	s7 =	smul.u32 @!p0 $0xF7A, s2;
	p2 =	seq.s32 @!p0 s5, $0x0  }
0x1f: {  	s9 =	smul.u32 $0xF7A, s1;
	s8 =	simm.s32 @!p0 $0x1BF5;
	p2 =	por !p2, p0  }
0x20: {  	[sflag:s8] =	ssyncset.s32 @!p0 $0xFFFFF086;
	s6 =	sadd.s32 @!p0 s3, s7;
	s7 =	simm.s32 @!p0 $0x108  }
0x21: {  	s3 =	sadd.s32 s3, s9;
	s6 =	sadd.s32 @!p0 $0x88, s6;
	s7 =	simm.s32 @p2 $0x1082  }
0x22: {  	[simem:s7], [sflag:s8] =	dma.local @!p0 [hbm:s6], $0xF7A  }
0x23: {  	s9 =	sor.u32 $0xD0000000, s2;
	s6 =	simm.s32 $0x108;
	_ =	swait.ge @!p0 [sflag:s8], $0x0  }
0x24: {  	s3 =	sadd.s32 $0x88, s3;
	s6 =	simm.s32 @!p1 $0x1082;
	[sflag:s4] =	ssyncset.s32 $0xFFFFF086  }
0x25: {  	[simem:s6], [sflag:s4] =	dma.local [hbm:s3], $0xF7A  }
0x26: {  	[smem:$0x3F9F] =	sst s1;
	(tag) =	ssettag s2;
	_ =	strace s9  }
0x27: {  	s1 =	sld [smem:$0x3FAF]  }
0x28: {  	s2 =	sld [smem:$0x3FB0]  }
0x29: {  	s4 =	sld [smem:$0x3FB2]  }
0x2a: {  	p0 =	seq.s32 s5, $0x0;
	s5 =	sld [smem:$0x3FB3]  }
0x2b: {  	s6 =	sld [smem:$0x3FB4]  }
0x2c: {  	s7 =	sld [smem:$0x3FB5]  }
0x2d: {  	s3 =	simm.s32 $0x108;
	s8 =	sld [smem:$0x3FB6]  }
0x2e: {  	s3 =	simm.s32 @!p0 $0x1082;
	s9 =	sld [smem:$0x3FB7]  }
0x2f: {  	lr =	sadd.s32 s0, s3;
	s0 =	sld [smem:$0x3FAE]  }
0x30: {  	s3 =	sld [smem:$0x3FB1]  }
0x31: {  	[smem:$0x3FBA] =	sst s10  }
0x32: {  	s10 =	sld [smem:$0x3FB8];
	_ =	sdelay $0x3  }
0x33: {  	p0 =	seq.s32 s10, $0x1;
	s10 =	sld [smem:$0x3FBA];
	_ =	sdelay $0x3  }
0x34: {  	[smem:$0x3FBA] =	sst s10  }
0x35: {  	s10 =	sld [smem:$0x3FB9];
	_ =	sdelay $0x3  }
0x36: {  	p1 =	seq.s32 s10, $0x1;
	s10 =	sld [smem:$0x3FBA];
	_ =	sdelay $0x3  }
0x37: {  	[smem:$0x3FBA] =	sst s10  }
0x38: {  	s10 =	sld [smem:$0x3FBB]  }
0x39: {  	_ = 	snop;
	(pc) =	sbr.ind lr, $3  }
0x3a: {  	_ = 	snop  }
0x3b: {  	_ = 	snop  }
0x3c: {  	p2 =	seq.s32 s10, $0x1;
	s10 =	sld [smem:$0x3FBA]  }
0x3d: {  	_ =	shalt  }
0x3e: {  	_ =	shalt  }
0x3f: {  	_ =	shalt  }
0x40: {  	_ =	shalt  }
0x41: {  	_ =	shalt  }
0x42: {  	_ =	shalt  }
0x43: {  	_ =	shalt  }
0x44: {  	_ =	shalt  }
0x45: {  	_ =	shalt  }
0x46: {  	_ =	shalt  }
0x47: {  	_ =	shalt  }
0x48: {  	_ =	shalt  }
0x49: {  	_ =	shalt  }
0x4a: {  	_ =	shalt  }
0x4b: {  	_ =	shalt  }
0x4c: {  	_ =	shalt  }
0x4d: {  	_ =	shalt  }
0x4e: {  	_ =	shalt  }
0x4f: {  	_ =	shalt  }
0x50: {  	_ =	shalt  }
0x51: {  	_ =	shalt  }
0x52: {  	_ =	shalt  }
0x53: {  	_ =	shalt  }
0x54: {  	_ =	shalt  }
0x55: {  	_ =	shalt  }
0x56: {  	_ =	shalt  }
0x57: {  	_ =	shalt  }
0x58: {  	_ =	shalt  }
0x59: {  	_ =	shalt  }
0x5a: {  	_ =	shalt  }
0x5b: {  	_ =	shalt  }
0x5c: {  	_ =	shalt  }
0x5d: {  	_ =	shalt  }
0x5e: {  	_ =	shalt  }
0x5f: {  	_ =	shalt  }
0x60: {  	_ =	shalt  }
0x61: {  	_ =	shalt  }
0x62: {  	_ =	shalt  }
0x63: {  	_ =	shalt  }
0x64: {  	_ =	shalt  }
0x65: {  	_ =	shalt  }
0x66: {  	_ =	shalt  }
0x67: {  	_ =	shalt  }
0x68: {  	_ =	shalt  }
0x69: {  	_ =	shalt  }
0x6a: {  	_ =	shalt  }
0x6b: {  	_ =	shalt  }
0x6c: {  	_ =	shalt  }
0x6d: {  	_ =	shalt  }
0x6e: {  	_ =	shalt  }
0x6f: {  	_ =	shalt  }
0x70: {  	_ =	shalt  }
0x71: {  	_ =	shalt  }
0x72: {  	_ =	shalt  }
0x73: {  	_ =	shalt  }
0x74: {  	_ =	shalt  }
0x75: {  	_ =	shalt  }
0x76: {  	_ =	shalt  }
0x77: {  	_ =	shalt  }
0x78: {  	_ =	shalt  }
0x79: {  	_ =	shalt  }
0x7a: {  	_ =	shalt  }
0x7b: {  	_ =	shalt  }
0x7c: {  	_ =	shalt  }
0x7d: {  	_ =	shalt  }
0x7e: {  	_ =	shalt  }
0x7f: {  	_ =	shalt  }
0x80: {  	_ =	shalt  }
0x81: {  	_ =	shalt  }
0x82: {  	_ =	shalt  }
0x83: {  	_ =	shalt  }
0x84: {  	_ =	shalt  }
0x85: {  	_ =	shalt  }
0x86: {  	_ =	shalt  }
0x87: {  	_ =	shalt  }
.Lfunc_end0:
.L_simem_size_0:
called_computation_lowered:
.L_overlay_start_0:
0x88: {  	s2 =	sld [smem:$0x3FD9]  }
0x89: {  	s3 =	sld [smem:$0x3FFE];
	_ =	sdelay $0x1  }
0x8a: {  	s1 =	srdreg.scid  }
0x8b: {  	s0 =	sand.u32 $0x1, s1  }
0x8c: {  	s18 =	sshll.u32 s0, $0xA;
	s2 =	sadd.s32 s3, s2  }
0x8d: {  	s2 =	sadd.s32 s2, s18  }
0x8e: {  	[smem:$0x3FC6] =	sst s2  }
0x8f: {  	_ = 	snop  }
0x90: {  	s2 =	sld [smem:$0x3FC9]  }
0x91: {  	s19 =	sld [smem:$0x3FC8]  }
0x92: {  	s4 =	sld [smem:$0x3FD0];
	(tm) =	ssettm $0x1  }
0x93: {  	s5 =	sld [smem:$0x3FFB];
	_ =	sdelay $0x3  }
0x94: {  	_ =	strace s5  }
0x95: {  	s5 =	sld [smem:$0x3FFC];
	_ =	sdelay $0x3  }
0x96: {  	_ =	strace s5  }
0x97: {  	s5 =	sld [smem:$0x3FFD];
	_ =	sdelay $0x3  }
0x98: {  	_ =	strace s5  }
0x99: {  	_ =	strace $0x8FFFFFFF  }
0x9a: {  	s20 =	sld [smem:$0x3FDB];
	_ =	sdelay $0x1  }
0x9b: {  	s6 =	simm.s32 $_scs_section_size  }
0x9c: {  	s7 =	simm.s32 $_size__tile_overlayer_lowered;
	s8 =	simm.s32 $_tile_overlayer_lowered  }
0x9d: {  	s23 =	simm.s32 $0x1BFF;
	s22 =	sshll.u32 s8, $0x1;
	s5 =	sadd.s32 s6, s20  }
0x9e: {  	s9 =	simm.s32 $0x0;
	s21 =	sshll.u32 s7, $0x1;
	s7 =	sadd.s32 s22, s5  }
0x9f: {  	[timem:s9], [sflag:s23] =	dma.local [hbm:s7], s21  }
0xa0: {  	_ =	swait.ge [sflag:s23], s21  }
0xa1: {  	s6 =	ssub.s32 $0x0, s21;
	[sflag:s23] =	ssyncset.done $0x0  }
0xa2: {  	[sflag:s23] =	ssyncadd.s32 s6;
	_ =	sdelay $0x1  }
0xa3: {  	s24 =	simm.s32 $0x1B8B  }
0xa4: {  	_ =	swait.ge [sflag:s24], $0x1  }
0xa5: {  	[sflag:s24] =	ssyncset.done $0x0  }
0xa6: {  	s25 =	simm.s32 $0x1B8E;
	[sflag:s24] =	ssyncadd.s32 $0xFFFFFFFF  }
0xa7: {  	s26 =	simm.s32 $execute0_lowered;
	[smem:$0x3FD2] =	sst s25  }
0xa8: {  	s6 =	sshll.u32 s26, $0x1;
	_ =	strace $0x80000046;
	[dreg:$0x1] =	wrdreg $0xFFFFFFFF  }
0xa9: {  	s28 =	simm.s32 $_size_execute0_lowered;
	s5 =	sadd.s32 s5, s6;
	[dreg:$0x0] =	wrdreg $0x0  }
0xaa: {  	s6 =	sshll.u32 s28, $0x1;
	[dreg:$0x2] =	wrdreg s5  }
0xab: {  	[dreg:$0x3] =	wrdreg s6  }
0xac: {  	[dreg:$0x4] =	wrdreg $0xC0  }
0xad: {  	_ =	task [dreg:s9], $0x5FFFF  }
0xae: {  	[dreg:$0x1] =	wrdreg $0xFFFFFFFF  }
0xaf: {  	[dreg:$0x0] =	wrdreg $0x60  }
0xb0: {  	[dreg:$0x2] =	wrdreg s2  }
0xb1: {  	[dreg:$0x3] =	wrdreg s19  }
0xb2: {  	[dreg:$0x4] =	wrdreg s4  }
0xb3: {  	[dreg:$0x5] =	wrdreg $0x9  }
0xb4: {  	_ =	task.clear_ibuf [dreg:s9], $0x6FFFF;
	_ =	strace $0x90000046  }
0xb5: {  	s29 =	simm.s32 $0x9;
	_ =	strace $0x80000048  }
0xb6: {  	_ =	swait.ge [sflag:s29], $0x1  }
0xb7: {  	[sflag:s29] =	ssyncadd.s32 $0xFFFFFFFF  }
0xb8: {  	_ =	strace $0x90000048  }
0xb9: {  	_ =	sfence  }
0xba: {  	s30 =	sld [smem:$0x0];
	_ =	sdelay $0x2  }
0xbb: {  	s31 =	sshll.u32 s1, $0xD;
	s1 =	sshrl.u32 s1, $0x2  }
0xbc: {  	s3 =	sand.u32 $0x4000, s31;
	s1 =	sadd.s32 s1, s30  }
0xbd: {  	s0 =	sor.u32 s3, s0;
	s1 =	sshll.u32 s1, $0x11  }
0xbe: {  	s0 =	sor.u32 s1, s0  }
0xbf: {  	s0 =	sadd.s32 $0x8F2B, s0  }
0xc0: {  	[sflag:s0] =	ssyncadd.remote.s32 $0x1  }
0xc1: {  	_ =	sfence.sel $0xFFFF  }
0xc2: {  	[dreg:$0x0] =	wrdreg $0xFFFFFFFF;
	(pc) =	sbr.abs _section_cstart, $3  }
0xc3: {  	[dreg:$0x1] =	wrdreg $0xFFFFFFFF  }
0xc4: {  	_ =	task.clear_ibuf [dreg:s9], $0x2FFFF;
	_ =	strace $0x9FFFFFFF  }
0xc5: {  	(tm) =	ssettm $0x7FFFFFFF  }
tec
execute0_lowered:
.L_overlay_start_1:
0x0: {  	(tag) =	ssettag $0x1  }
0x1: {  	s2 =	srdreg.scid  }
0x2: {  	s0 =	stileid.u32;
	s4 =	sand.u32 $0x1, s2  }
0x3: {  	s1 =	rddreg [dreg:$0x0];
	s3 =	sshll.u32 s0, $0xA;
	s7 =	sshll.u32 s4, $0x9  }
0x4: {  	s5 =	rddreg [dreg:$0x1];
	s3 =	sor.u32 s7, s3  }
0x5: {  	s6 =	rddreg [dreg:$0x2];
	s2 =	simm.s32 $0x0;
	s7 =	sshrl.u32 s3, $0x3  }
0x6: {  	[smem:$0x7FF] =	sst s2;
	s5 =	sadd.s32 s5, s7  }
0x7: {  	_ =	strace $0x80000047;
	s24 =	sadd.s32 s6, s7;
	[dreg:$0x4] =	wrdreg s5  }
0x8: {  	s25 =	simm.s32 $0x280;
	[dreg:$0x5] =	wrdreg s24  }
0x9: {  	s26 =	simm.s32 $0x300;
	[dreg:$0x6] =	wrdreg s25  }
0xa: {  	s6 =	simm.s32 $0x380;
	[dreg:$0x7] =	wrdreg s26  }
0xb: {  	s7 =	simm.s32 $0x400;
	[dreg:$0x8] =	wrdreg s6  }
0xc: {  	s8 =	simm.s32 $0x480;
	[dreg:$0x9] =	wrdreg s7  }
0xd: {  	s9 =	simm.s32 $0x500;
	[dreg:$0xa] =	wrdreg s8  }
0xe: {  	s10 =	simm.s32 $0x580;
	[dreg:$0xb] =	wrdreg s9  }
0xf: {  	s11 =	simm.s32 $0x600;
	[dreg:$0xc] =	wrdreg s10  }
0x10: {  	s12 =	simm.s32 $0x680;
	[dreg:$0xd] =	wrdreg s11  }
0x11: {  	s13 =	simm.s32 $0x700;
	[dreg:$0xe] =	wrdreg s12  }
0x12: {  	s14 =	simm.s32 $0x780;
	[dreg:$0xf] =	wrdreg s13  }
0x13: {  	s15 =	simm.s32 $0x800;
	[dreg:$0x10] =	wrdreg s14  }
0x14: {  	s16 =	simm.s32 $0x880;
	[dreg:$0x11] =	wrdreg s15  }
0x15: {  	s17 =	simm.s32 $0x900;
	[dreg:$0x12] =	wrdreg s16  }
0x16: {  	s18 =	simm.s32 $0x980;
	[dreg:$0x13] =	wrdreg s17  }
0x17: {  	s19 =	simm.s32 $0xA00;
	[dreg:$0x14] =	wrdreg s18  }
0x18: {  	s20 =	simm.s32 $0xA80;
	[dreg:$0x15] =	wrdreg s19  }
0x19: {  	s21 =	simm.s32 $0xB00;
	[dreg:$0x16] =	wrdreg s20  }
0x1a: {  	s22 =	simm.s32 $0xB80;
	[dreg:$0x17] =	wrdreg s21  }
0x1b: {  	s23 =	simm.s32 $0xC00;
	[dreg:$0x18] =	wrdreg s22  }
0x1c: {  	[dreg:$0x19] =	wrdreg s23;
	s24 =	simm.s32 $0xC80  }
0x1d: {  	s25 =	simm.s32 $0xD00;
	[dreg:$0x1a] =	wrdreg s24  }
0x1e: {  	s26 =	simm.s32 $0xD80;
	[dreg:$0x1b] =	wrdreg s25  }
0x1f: {  	s6 =	simm.s32 $0xE00;
	[dreg:$0x1c] =	wrdreg s26  }
0x20: {  	s7 =	simm.s32 $0xE80;
	[dreg:$0x1d] =	wrdreg s6  }
0x21: {  	s8 =	simm.s32 $0xF00;
	[dreg:$0x1e] =	wrdreg s7  }
0x22: {  	s9 =	simm.s32 $0xF80;
	[dreg:$0x1f] =	wrdreg s8  }
0x23: {  	s10 =	simm.s32 $0x1000;
	[smem:$0x626] =	sst s9  }
0x24: {  	s11 =	simm.s32 $0x1080;
	[smem:$0x627] =	sst s10  }
0x25: {  	s12 =	simm.s32 $0x1100;
	[smem:$0x628] =	sst s11  }
0x26: {  	s13 =	simm.s32 $0x1180;
	[smem:$0x629] =	sst s12  }
0x27: {  	s14 =	simm.s32 $0x1200;
	[smem:$0x62A] =	sst s13  }
0x28: {  	s15 =	simm.s32 $0x1280;
	[smem:$0x62B] =	sst s14  }
0x29: {  	s16 =	simm.s32 $0x1300;
	[smem:$0x62C] =	sst s15  }
0x2a: {  	s17 =	simm.s32 $0x1380;
	[smem:$0x62D] =	sst s16  }
0x2b: {  	s18 =	simm.s32 $0x1400;
	[smem:$0x62E] =	sst s17  }
0x2c: {  	s19 =	simm.s32 $0x1480;
	[smem:$0x62F] =	sst s18  }
0x2d: {  	s20 =	simm.s32 $0x1500;
	[smem:$0x630] =	sst s19  }
0x2e: {  	s21 =	simm.s32 $0x1580;
	[smem:$0x631] =	sst s20  }
0x2f: {  	s22 =	simm.s32 $0x1600;
	[smem:$0x632] =	sst s21  }
0x30: {  	s23 =	simm.s32 $0x1680;
	[smem:$0x633] =	sst s22  }
0x31: {  	[smem:$0x634] =	sst s23;
	s24 =	simm.s32 $0x1700  }
0x32: {  	s25 =	simm.s32 $0x1780;
	[smem:$0x635] =	sst s24  }
0x33: {  	s26 =	simm.s32 $0x1800;
	[smem:$0x636] =	sst s25  }
0x34: {  	s6 =	simm.s32 $0x1880;
	[smem:$0x637] =	sst s26  }
0x35: {  	s7 =	simm.s32 $0x1900;
	[smem:$0x638] =	sst s6  }
0x36: {  	s8 =	simm.s32 $0x1980;
	[smem:$0x639] =	sst s7  }
0x37: {  	s9 =	simm.s32 $0x1A00;
	[smem:$0x63A] =	sst s8  }
0x38: {  	s10 =	simm.s32 $0x1A80;
	[smem:$0x63B] =	sst s9  }
0x39: {  	s11 =	simm.s32 $0x1B00;
	[smem:$0x63C] =	sst s10  }
0x3a: {  	s12 =	simm.s32 $0x1B80;
	[smem:$0x63D] =	sst s11  }
0x3b: {  	s13 =	simm.s32 $0x1C00;
	[smem:$0x63E] =	sst s12  }
0x3c: {  	s14 =	simm.s32 $0x1C80;
	[smem:$0x63F] =	sst s13  }
0x3d: {  	s15 =	simm.s32 $0x1D00;
	[smem:$0x640] =	sst s14  }
0x3e: {  	s16 =	simm.s32 $0x1D80;
	[smem:$0x641] =	sst s15  }
0x3f: {  	s17 =	simm.s32 $0x1E00;
	[smem:$0x642] =	sst s16  }
0x40: {  	s18 =	simm.s32 $0x1E80;
	[smem:$0x643] =	sst s17  }
0x41: {  	s19 =	simm.s32 $0x1F00;
	[smem:$0x644] =	sst s18  }
0x42: {  	s20 =	simm.s32 $0x1F80;
	[smem:$0x645] =	sst s19  }
0x43: {  	s21 =	simm.s32 $0x2000;
	[smem:$0x646] =	sst s20  }
0x44: {  	s22 =	simm.s32 $0x2080;
	[smem:$0x647] =	sst s21  }
0x45: {  	s23 =	simm.s32 $0x2100;
	[smem:$0x648] =	sst s22  }
0x46: {  	[smem:$0x649] =	sst s23;
	s24 =	simm.s32 $0x2180  }
0x47: {  	s25 =	simm.s32 $0x2280;
	[smem:$0x64A] =	sst s24  }
0x48: {  	s26 =	simm.s32 $0x2300;
	[smem:$0x64B] =	sst s25  }
0x49: {  	s6 =	simm.s32 $0x2380;
	[smem:$0x64C] =	sst s26  }
0x4a: {  	s7 =	simm.s32 $0x2400;
	[smem:$0x64D] =	sst s6  }
0x4b: {  	s8 =	simm.s32 $0x2480;
	[smem:$0x64E] =	sst s7  }
0x4c: {  	s9 =	simm.s32 $0x2500;
	[smem:$0x64F] =	sst s8  }
0x4d: {  	s10 =	simm.s32 $0x2580;
	[smem:$0x650] =	sst s9  }
0x4e: {  	s11 =	simm.s32 $0x2600;
	[smem:$0x651] =	sst s10  }
0x4f: {  	s12 =	simm.s32 $0x2680;
	[smem:$0x652] =	sst s11  }
0x50: {  	s13 =	simm.s32 $0x2700;
	[smem:$0x653] =	sst s12  }
0x51: {  	s14 =	simm.s32 $0x2780;
	[smem:$0x654] =	sst s13  }
0x52: {  	s15 =	simm.s32 $0x2800;
	[smem:$0x655] =	sst s14  }
0x53: {  	s16 =	simm.s32 $0x2880;
	[smem:$0x656] =	sst s15  }
0x54: {  	s17 =	simm.s32 $0x2900;
	[smem:$0x657] =	sst s16  }
0x55: {  	s18 =	simm.s32 $0x2980;
	[smem:$0x658] =	sst s17  }
0x56: {  	s19 =	simm.s32 $0x2A00;
	[smem:$0x659] =	sst s18  }
0x57: {  	s20 =	simm.s32 $0x2A80;
	[smem:$0x65A] =	sst s19  }
0x58: {  	s21 =	simm.s32 $0x2B00;
	[smem:$0x65B] =	sst s20  }
0x59: {  	s22 =	simm.s32 $0x2B80;
	[smem:$0x65C] =	sst s21  }
0x5a: {  	s23 =	simm.s32 $0x2C00;
	[smem:$0x65D] =	sst s22  }
0x5b: {  	[smem:$0x65E] =	sst s23;
	s24 =	simm.s32 $0x2C80  }
0x5c: {  	s25 =	simm.s32 $0x2D00;
	[smem:$0x65F] =	sst s24  }
0x5d: {  	s26 =	simm.s32 $0x2D80;
	[smem:$0x660] =	sst s25  }
0x5e: {  	s6 =	simm.s32 $0x2E00;
	[smem:$0x661] =	sst s26  }
0x5f: {  	s7 =	simm.s32 $0x2E80;
	[smem:$0x662] =	sst s6  }
0x60: {  	s8 =	simm.s32 $0x2F00;
	[smem:$0x663] =	sst s7  }
0x61: {  	s9 =	simm.s32 $0x2F80;
	[smem:$0x664] =	sst s8  }
0x62: {  	s10 =	simm.s32 $0x3000;
	[smem:$0x665] =	sst s9  }
0x63: {  	s11 =	simm.s32 $0x3080;
	[smem:$0x666] =	sst s10  }
0x64: {  	s12 =	simm.s32 $0x3100;
	[smem:$0x667] =	sst s11  }
0x65: {  	s13 =	simm.s32 $0x3180;
	[smem:$0x668] =	sst s12  }
0x66: {  	s14 =	simm.s32 $0x3200;
	[smem:$0x669] =	sst s13  }
0x67: {  	s15 =	simm.s32 $0x3280;
	[smem:$0x66A] =	sst s14  }
0x68: {  	s16 =	simm.s32 $0x3300;
	[smem:$0x66B] =	sst s15  }
0x69: {  	s17 =	simm.s32 $0x3380;
	[smem:$0x66C] =	sst s16  }
0x6a: {  	s18 =	simm.s32 $0x3400;
	[smem:$0x66D] =	sst s17  }
0x6b: {  	s19 =	simm.s32 $0x3480;
	[smem:$0x66E] =	sst s18  }
0x6c: {  	s20 =	simm.s32 $0x3500;
	[smem:$0x66F] =	sst s19  }
0x6d: {  	s21 =	simm.s32 $0x3580;
	[smem:$0x670] =	sst s20  }
0x6e: {  	s22 =	simm.s32 $0x3600;
	[smem:$0x671] =	sst s21  }
0x6f: {  	s23 =	simm.s32 $0x3680;
	[smem:$0x672] =	sst s22  }
0x70: {  	[smem:$0x673] =	sst s23;
	s24 =	simm.s32 $0x3700  }
0x71: {  	s25 =	simm.s32 $0x3780;
	[smem:$0x674] =	sst s24  }
0x72: {  	s26 =	simm.s32 $0x3800;
	[smem:$0x675] =	sst s25  }
0x73: {  	s6 =	simm.s32 $0x3880;
	[smem:$0x676] =	sst s26  }
0x74: {  	s7 =	simm.s32 $0x3900;
	[smem:$0x677] =	sst s6  }
0x75: {  	s8 =	simm.s32 $0x3980;
	[smem:$0x678] =	sst s7  }
0x76: {  	s9 =	simm.s32 $0x3A00;
	[smem:$0x679] =	sst s8  }
0x77: {  	s10 =	simm.s32 $0x3A80;
	[smem:$0x67A] =	sst s9  }
0x78: {  	s11 =	simm.s32 $0x3B00;
	[smem:$0x67B] =	sst s10  }
0x79: {  	s12 =	simm.s32 $0x3B80;
	[smem:$0x67C] =	sst s11  }
0x7a: {  	s13 =	simm.s32 $0x3C00;
	[smem:$0x67D] =	sst s12  }
0x7b: {  	s14 =	simm.s32 $0x3C80;
	[smem:$0x67E] =	sst s13  }
0x7c: {  	s15 =	simm.s32 $0x3D00;
	[smem:$0x67F] =	sst s14  }
0x7d: {  	s16 =	simm.s32 $0x3D80;
	[smem:$0x680] =	sst s15  }
0x7e: {  	s17 =	simm.s32 $0x3E00;
	[smem:$0x681] =	sst s16  }
0x7f: {  	s18 =	simm.s32 $0x3E80;
	[smem:$0x682] =	sst s17  }
0x80: {  	s19 =	simm.s32 $0x3F00;
	[smem:$0x683] =	sst s18  }
0x81: {  	s20 =	simm.s32 $0x3F80;
	[smem:$0x684] =	sst s19  }
0x82: {  	s21 =	simm.s32 $0x4000;
	[smem:$0x685] =	sst s20  }
0x83: {  	s22 =	simm.s32 $0x4080;
	[smem:$0x686] =	sst s21  }
0x84: {  	s23 =	simm.s32 $0x4100;
	[smem:$0x687] =	sst s22  }
0x85: {  	[smem:$0x688] =	sst s23;
	s24 =	simm.s32 $0x4180  }
0x86: {  	s25 =	simm.s32 $0x4280;
	[smem:$0x689] =	sst s24  }
0x87: {  	s26 =	simm.s32 $0x4300;
	[smem:$0x68A] =	sst s25  }
0x88: {  	s6 =	simm.s32 $0x4380;
	[smem:$0x68B] =	sst s26  }
0x89: {  	s7 =	simm.s32 $0x4400;
	[smem:$0x68C] =	sst s6  }
0x8a: {  	s8 =	simm.s32 $0x4480;
	[smem:$0x68D] =	sst s7  }
0x8b: {  	s9 =	simm.s32 $0x4500;
	[smem:$0x68E] =	sst s8  }
0x8c: {  	s10 =	simm.s32 $0x4580;
	[smem:$0x68F] =	sst s9  }
0x8d: {  	s11 =	simm.s32 $0x4600;
	[smem:$0x690] =	sst s10  }
0x8e: {  	s12 =	simm.s32 $0x4680;
	[smem:$0x691] =	sst s11  }
0x8f: {  	s13 =	simm.s32 $0x4700;
	[smem:$0x692] =	sst s12  }
0x90: {  	s14 =	simm.s32 $0x4780;
	[smem:$0x693] =	sst s13  }
0x91: {  	s15 =	simm.s32 $0x4800;
	[smem:$0x694] =	sst s14  }
0x92: {  	s16 =	simm.s32 $0x4880;
	[smem:$0x695] =	sst s15  }
0x93: {  	s17 =	simm.s32 $0x4900;
	[smem:$0x696] =	sst s16  }
0x94: {  	s18 =	simm.s32 $0x4980;
	[smem:$0x697] =	sst s17  }
0x95: {  	s19 =	simm.s32 $0x4A00;
	[smem:$0x698] =	sst s18  }
0x96: {  	s20 =	simm.s32 $0x4A80;
	[smem:$0x699] =	sst s19  }
0x97: {  	s21 =	simm.s32 $0x4B00;
	[smem:$0x69A] =	sst s20  }
0x98: {  	s22 =	simm.s32 $0x4B80;
	[smem:$0x69B] =	sst s21  }
0x99: {  	s23 =	simm.s32 $0x4C00;
	[smem:$0x69C] =	sst s22  }
0x9a: {  	[smem:$0x69D] =	sst s23;
	s24 =	simm.s32 $0x4C80  }
0x9b: {  	s25 =	simm.s32 $0x4D00;
	[smem:$0x69E] =	sst s24  }
0x9c: {  	s26 =	simm.s32 $0x4D80;
	[smem:$0x69F] =	sst s25  }
0x9d: {  	s6 =	simm.s32 $0x4E00;
	[smem:$0x6A0] =	sst s26  }
0x9e: {  	s7 =	simm.s32 $0x4E80;
	[smem:$0x6A1] =	sst s6  }
0x9f: {  	s8 =	simm.s32 $0x4F00;
	[smem:$0x6A2] =	sst s7  }
0xa0: {  	s9 =	simm.s32 $0x4F80;
	[smem:$0x6A3] =	sst s8  }
0xa1: {  	s10 =	simm.s32 $0x5000;
	[smem:$0x6A4] =	sst s9  }
0xa2: {  	s11 =	simm.s32 $0x5080;
	[smem:$0x6A5] =	sst s10  }
0xa3: {  	s12 =	simm.s32 $0x5100;
	[smem:$0x6A6] =	sst s11  }
0xa4: {  	s13 =	simm.s32 $0x5180;
	[smem:$0x6A7] =	sst s12  }
0xa5: {  	s14 =	simm.s32 $0x5200;
	[smem:$0x6A8] =	sst s13  }
0xa6: {  	s15 =	simm.s32 $0x5280;
	[smem:$0x6A9] =	sst s14  }
0xa7: {  	s16 =	simm.s32 $0x5300;
	[smem:$0x6AA] =	sst s15  }
0xa8: {  	s17 =	simm.s32 $0x5380;
	[smem:$0x6AB] =	sst s16  }
0xa9: {  	s18 =	simm.s32 $0x5400;
	[smem:$0x6AC] =	sst s17  }
0xaa: {  	s19 =	simm.s32 $0x5480;
	[smem:$0x6AD] =	sst s18  }
0xab: {  	s20 =	simm.s32 $0x5500;
	[smem:$0x6AE] =	sst s19  }
0xac: {  	s21 =	simm.s32 $0x5580;
	[smem:$0x6AF] =	sst s20  }
0xad: {  	s22 =	simm.s32 $0x5600;
	[smem:$0x6B0] =	sst s21  }
0xae: {  	s23 =	simm.s32 $0x5680;
	[smem:$0x6B1] =	sst s22  }
0xaf: {  	[smem:$0x6B2] =	sst s23;
	s24 =	simm.s32 $0x5700  }
0xb0: {  	s25 =	simm.s32 $0x5780;
	[smem:$0x6B3] =	sst s24  }
0xb1: {  	s26 =	simm.s32 $0x5800;
	[smem:$0x6B4] =	sst s25  }
0xb2: {  	s6 =	simm.s32 $0x5880;
	[smem:$0x6B5] =	sst s26  }
0xb3: {  	s7 =	simm.s32 $0x5900;
	[smem:$0x6B6] =	sst s6  }
0xb4: {  	s8 =	simm.s32 $0x5980;
	[smem:$0x6B7] =	sst s7  }
0xb5: {  	s9 =	simm.s32 $0x5A00;
	[smem:$0x6B8] =	sst s8  }
0xb6: {  	s10 =	simm.s32 $0x5A80;
	[smem:$0x6B9] =	sst s9  }
0xb7: {  	s11 =	simm.s32 $0x5B00;
	[smem:$0x6BA] =	sst s10  }
0xb8: {  	s12 =	simm.s32 $0x5B80;
	[smem:$0x6BB] =	sst s11  }
0xb9: {  	s13 =	simm.s32 $0x5C00;
	[smem:$0x6BC] =	sst s12  }
0xba: {  	s14 =	simm.s32 $0x5C80;
	[smem:$0x6BD] =	sst s13  }
0xbb: {  	s15 =	simm.s32 $0x5D00;
	[smem:$0x6BE] =	sst s14  }
0xbc: {  	s16 =	simm.s32 $0x5D80;
	[smem:$0x6BF] =	sst s15  }
0xbd: {  	s17 =	simm.s32 $0x5E00;
	[smem:$0x6C0] =	sst s16  }
0xbe: {  	s18 =	simm.s32 $0x5E80;
	[smem:$0x6C1] =	sst s17  }
0xbf: {  	s19 =	simm.s32 $0x5F00;
	[smem:$0x6C2] =	sst s18  }
0xc0: {  	s20 =	simm.s32 $0x5F80;
	[smem:$0x6C3] =	sst s19  }
0xc1: {  	s21 =	simm.s32 $0x6000;
	[smem:$0x6C4] =	sst s20  }
0xc2: {  	s22 =	simm.s32 $0x6080;
	[smem:$0x6C5] =	sst s21  }
0xc3: {  	s23 =	simm.s32 $0x6100;
	[smem:$0x6C6] =	sst s22  }
0xc4: {  	[smem:$0x6C7] =	sst s23;
	s24 =	simm.s32 $0x6180  }
0xc5: {  	s25 =	simm.s32 $0x6280;
	[smem:$0x6C8] =	sst s24  }
0xc6: {  	s26 =	simm.s32 $0x6300;
	[smem:$0x6C9] =	sst s25  }
0xc7: {  	s6 =	simm.s32 $0x6380;
	[smem:$0x6CA] =	sst s26  }
0xc8: {  	s7 =	simm.s32 $0x6400;
	[smem:$0x6CB] =	sst s6  }
0xc9: {  	s8 =	simm.s32 $0x6480;
	[smem:$0x6CC] =	sst s7  }
0xca: {  	s9 =	simm.s32 $0x6500;
	[smem:$0x6CD] =	sst s8  }
0xcb: {  	s10 =	simm.s32 $0x6580;
	[smem:$0x6CE] =	sst s9  }
0xcc: {  	s11 =	simm.s32 $0x6600;
	[smem:$0x6CF] =	sst s10  }
0xcd: {  	s12 =	simm.s32 $0x6680;
	[smem:$0x6D0] =	sst s11  }
0xce: {  	s13 =	simm.s32 $0x6700;
	[smem:$0x6D1] =	sst s12  }
0xcf: {  	s14 =	simm.s32 $0x6780;
	[smem:$0x6D2] =	sst s13  }
0xd0: {  	s15 =	simm.s32 $0x6800;
	[smem:$0x6D3] =	sst s14  }
0xd1: {  	s16 =	simm.s32 $0x6880;
	[smem:$0x6D4] =	sst s15  }
0xd2: {  	s17 =	simm.s32 $0x6900;
	[smem:$0x6D5] =	sst s16  }
0xd3: {  	s18 =	simm.s32 $0x6980;
	[smem:$0x6D6] =	sst s17  }
0xd4: {  	s19 =	simm.s32 $0x6A00;
	[smem:$0x6D7] =	sst s18  }
0xd5: {  	s20 =	simm.s32 $0x6A80;
	[smem:$0x6D8] =	sst s19  }
0xd6: {  	s21 =	simm.s32 $0x6B00;
	[smem:$0x6D9] =	sst s20  }
0xd7: {  	s22 =	simm.s32 $0x6B80;
	[smem:$0x6DA] =	sst s21  }
0xd8: {  	s23 =	simm.s32 $0x6C00;
	[smem:$0x6DB] =	sst s22  }
0xd9: {  	[smem:$0x6DC] =	sst s23;
	s24 =	simm.s32 $0x6C80  }
0xda: {  	s25 =	simm.s32 $0x6D00;
	[smem:$0x6DD] =	sst s24  }
0xdb: {  	s26 =	simm.s32 $0x6D80;
	[smem:$0x6DE] =	sst s25  }
0xdc: {  	s6 =	simm.s32 $0x6E00;
	[smem:$0x6DF] =	sst s26  }
0xdd: {  	s7 =	simm.s32 $0x6E80;
	[smem:$0x6E0] =	sst s6  }
0xde: {  	s8 =	simm.s32 $0x6F00;
	[smem:$0x6E1] =	sst s7  }
0xdf: {  	s9 =	simm.s32 $0x6F80;
	[smem:$0x6E2] =	sst s8  }
0xe0: {  	s10 =	simm.s32 $0x7000;
	[smem:$0x6E3] =	sst s9  }
0xe1: {  	s11 =	simm.s32 $0x7080;
	[smem:$0x6E4] =	sst s10  }
0xe2: {  	s12 =	simm.s32 $0x7100;
	[smem:$0x6E5] =	sst s11  }
0xe3: {  	s13 =	simm.s32 $0x7180;
	[smem:$0x6E6] =	sst s12  }
0xe4: {  	s14 =	simm.s32 $0x7200;
	[smem:$0x6E7] =	sst s13  }
0xe5: {  	s15 =	simm.s32 $0x7280;
	[smem:$0x6E8] =	sst s14  }
0xe6: {  	s16 =	simm.s32 $0x7300;
	[smem:$0x6E9] =	sst s15  }
0xe7: {  	s17 =	simm.s32 $0x7380;
	[smem:$0x6EA] =	sst s16  }
0xe8: {  	s18 =	simm.s32 $0x7400;
	[smem:$0x6EB] =	sst s17  }
0xe9: {  	s19 =	simm.s32 $0x7480;
	[smem:$0x6EC] =	sst s18  }
0xea: {  	s20 =	simm.s32 $0x7500;
	[smem:$0x6ED] =	sst s19  }
0xeb: {  	s21 =	simm.s32 $0x7580;
	[smem:$0x6EE] =	sst s20  }
0xec: {  	s22 =	simm.s32 $0x7600;
	[smem:$0x6EF] =	sst s21  }
0xed: {  	s23 =	simm.s32 $0x7680;
	[smem:$0x6F0] =	sst s22  }
0xee: {  	[smem:$0x6F1] =	sst s23;
	s24 =	simm.s32 $0x7700  }
0xef: {  	s25 =	simm.s32 $0x7780;
	[smem:$0x6F2] =	sst s24  }
0xf0: {  	s26 =	simm.s32 $0x7800;
	[smem:$0x6F3] =	sst s25  }
0xf1: {  	s6 =	simm.s32 $0x7880;
	[smem:$0x6F4] =	sst s26  }
0xf2: {  	s7 =	simm.s32 $0x7900;
	[smem:$0x6F5] =	sst s6  }
0xf3: {  	s8 =	simm.s32 $0x7980;
	[smem:$0x6F6] =	sst s7  }
0xf4: {  	s9 =	simm.s32 $0x7A00;
	[smem:$0x6F7] =	sst s8  }
0xf5: {  	s10 =	simm.s32 $0x7A80;
	[smem:$0x6F8] =	sst s9  }
0xf6: {  	s11 =	simm.s32 $0x7B00;
	[smem:$0x6F9] =	sst s10  }
0xf7: {  	s12 =	simm.s32 $0x7B80;
	[smem:$0x6FA] =	sst s11  }
0xf8: {  	s13 =	simm.s32 $0x7C00;
	[smem:$0x6FB] =	sst s12  }
0xf9: {  	s14 =	simm.s32 $0x7C80;
	[smem:$0x6FC] =	sst s13  }
0xfa: {  	s15 =	simm.s32 $0x7D00;
	[smem:$0x6FD] =	sst s14  }
0xfb: {  	s16 =	simm.s32 $0x7D80;
	[smem:$0x6FE] =	sst s15  }
0xfc: {  	s17 =	simm.s32 $0x7E00;
	[smem:$0x6FF] =	sst s16  }
0xfd: {  	s18 =	simm.s32 $0x7E80;
	[smem:$0x700] =	sst s17  }
0xfe: {  	s19 =	simm.s32 $0x7F00;
	[smem:$0x701] =	sst s18  }
0xff: {  	s20 =	simm.s32 $0x7F80;
	[smem:$0x702] =	sst s19  }
0x100: {  	s21 =	simm.s32 $0x8000;
	[smem:$0x703] =	sst s20  }
0x101: {  	s22 =	simm.s32 $0x8080;
	[smem:$0x704] =	sst s21  }
0x102: {  	s23 =	simm.s32 $0x8100;
	[smem:$0x705] =	sst s22  }
0x103: {  	[smem:$0x706] =	sst s23;
	s24 =	simm.s32 $0x8180  }
0x104: {  	s25 =	simm.s32 $0x8280;
	[smem:$0x707] =	sst s24  }
0x105: {  	s26 =	simm.s32 $0x8300;
	[smem:$0x708] =	sst s25  }
0x106: {  	s6 =	simm.s32 $0x8900;
	[smem:$0x709] =	sst s26  }
0x107: {  	s7 =	simm.s32 $0x8980;
	[smem:$0x70A] =	sst s6  }
0x108: {  	s8 =	simm.s32 $0x8A80;
	[smem:$0x70B] =	sst s7  }
0x109: {  	s9 =	simm.s32 $0x8B00;
	[smem:$0x70C] =	sst s8  }
0x10a: {  	s10 =	simm.s32 $0x8B80;
	[smem:$0x70D] =	sst s9  }
0x10b: {  	s11 =	simm.s32 $0x8C00;
	[smem:$0x70E] =	sst s10  }
0x10c: {  	s12 =	simm.s32 $0x8C80;
	[smem:$0x70F] =	sst s11  }
0x10d: {  	s13 =	simm.s32 $0x8D00;
	[smem:$0x710] =	sst s12  }
0x10e: {  	s14 =	simm.s32 $0x8D80;
	[smem:$0x711] =	sst s13  }
0x10f: {  	s15 =	simm.s32 $0x8E00;
	[smem:$0x712] =	sst s14  }
0x110: {  	s16 =	simm.s32 $0x8E80;
	[smem:$0x713] =	sst s15  }
0x111: {  	s17 =	simm.s32 $0x8F00;
	[smem:$0x714] =	sst s16  }
0x112: {  	s18 =	simm.s32 $0x8380;
	[smem:$0x715] =	sst s17  }
0x113: {  	s19 =	simm.s32 $0xFC00;
	[smem:$0x716] =	sst s18  }
0x114: {  	s20 =	simm.s32 $0xFB80;
	[smem:$0x717] =	sst s19  }
0x115: {  	s21 =	simm.s32 $0xFB00;
	[smem:$0x718] =	sst s20  }
0x116: {  	s22 =	simm.s32 $0xFA80;
	[smem:$0x719] =	sst s21  }
0x117: {  	s23 =	simm.s32 $0x8400;
	[smem:$0x71A] =	sst s22  }
0x118: {  	s24 =	simm.s32 $0x8480;
	[smem:$0x71B] =	sst s23  }
0x119: {  	s25 =	simm.s32 $0x8500;
	[smem:$0x71C] =	sst s24  }
0x11a: {  	s26 =	simm.s32 $0x8580;
	[smem:$0x71D] =	sst s25  }
0x11b: {  	s7 =	simm.s32 $0x8600;
	[smem:$0x71E] =	sst s26  }
0x11c: {  	s8 =	simm.s32 $0x8680;
	[smem:$0x71F] =	sst s7  }
0x11d: {  	s9 =	simm.s32 $0x8700;
	[smem:$0x720] =	sst s8  }
0x11e: {  	s10 =	simm.s32 $0x8780;
	[smem:$0x721] =	sst s9  }
0x11f: {  	s11 =	simm.s32 $0x8800;
	[smem:$0x722] =	sst s10  }
0x120: {  	s12 =	simm.s32 $0x8880;
	[smem:$0x723] =	sst s11  }
0x121: {  	s13 =	simm.s32 $0x8A00;
	[smem:$0x724] =	sst s12  }
0x122: {  	s14 =	simm.s32 $0x8F80;
	[smem:$0x725] =	sst s13  }
0x123: {  	s15 =	simm.s32 $0x9000;
	[smem:$0x726] =	sst s14  }
0x124: {  	s16 =	simm.s32 $0x9080;
	[smem:$0x727] =	sst s15  }
0x125: {  	s17 =	simm.s32 $0x9100;
	[smem:$0x728] =	sst s16  }
0x126: {  	s18 =	simm.s32 $0x9180;
	[smem:$0x729] =	sst s17  }
0x127: {  	s19 =	simm.s32 $0x9200;
	[smem:$0x72A] =	sst s18  }
0x128: {  	s20 =	simm.s32 $0x9280;
	[smem:$0x72B] =	sst s19  }
0x129: {  	s21 =	simm.s32 $0x9300;
	[smem:$0x72C] =	sst s20  }
0x12a: {  	s22 =	simm.s32 $0x9380;
	[smem:$0x72D] =	sst s21  }
0x12b: {  	s23 =	simm.s32 $0x9400;
	[smem:$0x72E] =	sst s22  }
0x12c: {  	s24 =	simm.s32 $0x9480;
	[smem:$0x72F] =	sst s23  }
0x12d: {  	s25 =	simm.s32 $0x9500;
	[smem:$0x730] =	sst s24  }
0x12e: {  	s26 =	simm.s32 $0x9580;
	[smem:$0x731] =	sst s25  }
0x12f: {  	s7 =	simm.s32 $0x9600;
	[smem:$0x732] =	sst s26  }
0x130: {  	s8 =	simm.s32 $0x9680;
	[smem:$0x733] =	sst s7  }
0x131: {  	s9 =	simm.s32 $0x9700;
	[smem:$0x734] =	sst s8  }
0x132: {  	s10 =	simm.s32 $0x9780;
	[smem:$0x735] =	sst s9  }
0x133: {  	s11 =	simm.s32 $0x9800;
	[smem:$0x736] =	sst s10  }
0x134: {  	s12 =	simm.s32 $0x9880;
	[smem:$0x737] =	sst s11  }
0x135: {  	s13 =	simm.s32 $0x9900;
	[smem:$0x738] =	sst s12  }
0x136: {  	s14 =	simm.s32 $0x9980;
	[smem:$0x739] =	sst s13  }
0x137: {  	s15 =	simm.s32 $0x9A00;
	[smem:$0x73A] =	sst s14  }
0x138: {  	s16 =	simm.s32 $0x9A80;
	[smem:$0x73B] =	sst s15  }
0x139: {  	s17 =	simm.s32 $0x9B00;
	[smem:$0x73C] =	sst s16  }
0x13a: {  	s18 =	simm.s32 $0x9B80;
	[smem:$0x73D] =	sst s17  }
0x13b: {  	s19 =	simm.s32 $0x9C00;
	[smem:$0x73E] =	sst s18  }
0x13c: {  	s20 =	simm.s32 $0x9C80;
	[smem:$0x73F] =	sst s19  }
0x13d: {  	s21 =	simm.s32 $0x9D00;
	[smem:$0x740] =	sst s20  }
0x13e: {  	s22 =	simm.s32 $0x9D80;
	[smem:$0x741] =	sst s21  }
0x13f: {  	s23 =	simm.s32 $0x9E00;
	[smem:$0x742] =	sst s22  }
0x140: {  	s24 =	simm.s32 $0x9E80;
	[smem:$0x743] =	sst s23  }
0x141: {  	s25 =	simm.s32 $0x9F00;
	[smem:$0x744] =	sst s24  }
0x142: {  	s26 =	simm.s32 $0x9F80;
	[smem:$0x745] =	sst s25  }
0x143: {  	s7 =	simm.s32 $0xA000;
	[smem:$0x746] =	sst s26  }
0x144: {  	s8 =	simm.s32 $0xA080;
	[smem:$0x747] =	sst s7  }
0x145: {  	s9 =	simm.s32 $0xA100;
	[smem:$0x748] =	sst s8  }
0x146: {  	s10 =	simm.s32 $0xA180;
	[smem:$0x749] =	sst s9  }
0x147: {  	s11 =	simm.s32 $0xA280;
	[smem:$0x74A] =	sst s10  }
0x148: {  	s12 =	simm.s32 $0xA300;
	[smem:$0x74B] =	sst s11  }
0x149: {  	s13 =	simm.s32 $0xA380;
	[smem:$0x74C] =	sst s12  }
0x14a: {  	s14 =	simm.s32 $0xA400;
	[smem:$0x74D] =	sst s13  }
0x14b: {  	s15 =	simm.s32 $0xA480;
	[smem:$0x74E] =	sst s14  }
0x14c: {  	s16 =	simm.s32 $0xA500;
	[smem:$0x74F] =	sst s15  }
0x14d: {  	s17 =	simm.s32 $0xA580;
	[smem:$0x750] =	sst s16  }
0x14e: {  	s18 =	simm.s32 $0xA600;
	[smem:$0x751] =	sst s17  }
0x14f: {  	s19 =	simm.s32 $0xA680;
	[smem:$0x752] =	sst s18  }
0x150: {  	s20 =	simm.s32 $0xA700;
	[smem:$0x753] =	sst s19  }
0x151: {  	s21 =	simm.s32 $0xA780;
	[smem:$0x754] =	sst s20  }
0x152: {  	s22 =	simm.s32 $0xA800;
	[smem:$0x755] =	sst s21  }
0x153: {  	s23 =	simm.s32 $0xFA00;
	[smem:$0x756] =	sst s22  }
0x154: {  	s24 =	simm.s32 $0xA880;
	[smem:$0x757] =	sst s23  }
0x155: {  	s25 =	simm.s32 $0xA900;
	[smem:$0x758] =	sst s24  }
0x156: {  	s26 =	simm.s32 $0xA980;
	[smem:$0x759] =	sst s25  }
0x157: {  	s7 =	simm.s32 $0xAA00;
	[smem:$0x75A] =	sst s26  }
0x158: {  	s8 =	simm.s32 $0xAA80;
	[smem:$0x75B] =	sst s7  }
0x159: {  	s9 =	simm.s32 $0xAB00;
	[smem:$0x75C] =	sst s8  }
0x15a: {  	s10 =	simm.s32 $0xAB80;
	[smem:$0x75D] =	sst s9  }
0x15b: {  	s11 =	simm.s32 $0xAC00;
	[smem:$0x75E] =	sst s10  }
0x15c: {  	s12 =	simm.s32 $0xAC80;
	[smem:$0x75F] =	sst s11  }
0x15d: {  	s13 =	simm.s32 $0xAD00;
	[smem:$0x760] =	sst s12  }
0x15e: {  	s14 =	simm.s32 $0xAD80;
	[smem:$0x761] =	sst s13  }
0x15f: {  	s15 =	simm.s32 $0xAE00;
	[smem:$0x762] =	sst s14  }
0x160: {  	s16 =	simm.s32 $0xAE80;
	[smem:$0x763] =	sst s15  }
0x161: {  	s17 =	simm.s32 $0xAF00;
	[smem:$0x764] =	sst s16  }
0x162: {  	s18 =	simm.s32 $0xAF80;
	[smem:$0x765] =	sst s17  }
0x163: {  	s19 =	simm.s32 $0xB000;
	[smem:$0x766] =	sst s18  }
0x164: {  	s20 =	simm.s32 $0xB080;
	[smem:$0x767] =	sst s19  }
0x165: {  	s21 =	simm.s32 $0xB100;
	[smem:$0x768] =	sst s20  }
0x166: {  	s22 =	simm.s32 $0xB180;
	[smem:$0x769] =	sst s21  }
0x167: {  	s23 =	simm.s32 $0xB200;
	[smem:$0x76A] =	sst s22  }
0x168: {  	s24 =	simm.s32 $0xB280;
	[smem:$0x76B] =	sst s23  }
0x169: {  	s25 =	simm.s32 $0xB300;
	[smem:$0x76C] =	sst s24  }
0x16a: {  	s26 =	simm.s32 $0xB380;
	[smem:$0x76D] =	sst s25  }
0x16b: {  	s7 =	simm.s32 $0xB400;
	[smem:$0x76E] =	sst s26  }
0x16c: {  	s8 =	simm.s32 $0xB480;
	[smem:$0x76F] =	sst s7  }
0x16d: {  	s9 =	simm.s32 $0xB500;
	[smem:$0x770] =	sst s8  }
0x16e: {  	s10 =	simm.s32 $0xB580;
	[smem:$0x771] =	sst s9  }
0x16f: {  	s11 =	simm.s32 $0xB600;
	[smem:$0x772] =	sst s10  }
0x170: {  	s12 =	simm.s32 $0xB680;
	[smem:$0x773] =	sst s11  }
0x171: {  	s13 =	simm.s32 $0xB700;
	[smem:$0x774] =	sst s12  }
0x172: {  	s14 =	simm.s32 $0xB780;
	[smem:$0x775] =	sst s13  }
0x173: {  	s15 =	simm.s32 $0xB800;
	[smem:$0x776] =	sst s14  }
0x174: {  	s16 =	simm.s32 $0xB880;
	[smem:$0x777] =	sst s15  }
0x175: {  	s17 =	simm.s32 $0xB900;
	[smem:$0x778] =	sst s16  }
0x176: {  	s18 =	simm.s32 $0xB980;
	[smem:$0x779] =	sst s17  }
0x177: {  	s19 =	simm.s32 $0xBA00;
	[smem:$0x77A] =	sst s18  }
0x178: {  	s20 =	simm.s32 $0xBA80;
	[smem:$0x77B] =	sst s19  }
0x179: {  	s21 =	simm.s32 $0xBB00;
	[smem:$0x77C] =	sst s20  }
0x17a: {  	s22 =	simm.s32 $0xBB80;
	[smem:$0x77D] =	sst s21  }
0x17b: {  	s23 =	simm.s32 $0xBC00;
	[smem:$0x77E] =	sst s22  }
0x17c: {  	s24 =	simm.s32 $0xBC80;
	[smem:$0x77F] =	sst s23  }
0x17d: {  	s25 =	simm.s32 $0xBD00;
	[smem:$0x780] =	sst s24  }
0x17e: {  	s26 =	simm.s32 $0xBD80;
	[smem:$0x781] =	sst s25  }
0x17f: {  	s7 =	simm.s32 $0xBE00;
	[smem:$0x782] =	sst s26  }
0x180: {  	s8 =	simm.s32 $0xBE80;
	[smem:$0x783] =	sst s7  }
0x181: {  	s9 =	simm.s32 $0xBF00;
	[smem:$0x784] =	sst s8  }
0x182: {  	s10 =	simm.s32 $0xBF80;
	[smem:$0x785] =	sst s9  }
0x183: {  	s11 =	simm.s32 $0xC000;
	[smem:$0x786] =	sst s10  }
0x184: {  	s12 =	simm.s32 $0xC080;
	[smem:$0x787] =	sst s11  }
0x185: {  	s13 =	simm.s32 $0xC100;
	[smem:$0x788] =	sst s12  }
0x186: {  	s14 =	simm.s32 $0xC180;
	[smem:$0x789] =	sst s13  }
0x187: {  	s15 =	simm.s32 $0xC280;
	[smem:$0x78A] =	sst s14  }
0x188: {  	s16 =	simm.s32 $0xC300;
	[smem:$0x78B] =	sst s15  }
0x189: {  	s17 =	simm.s32 $0xC380;
	[smem:$0x78C] =	sst s16  }
0x18a: {  	s18 =	simm.s32 $0xC400;
	[smem:$0x78D] =	sst s17  }
0x18b: {  	s19 =	simm.s32 $0xC480;
	[smem:$0x78E] =	sst s18  }
0x18c: {  	s20 =	simm.s32 $0xC500;
	[smem:$0x78F] =	sst s19  }
0x18d: {  	s21 =	simm.s32 $0xC580;
	[smem:$0x790] =	sst s20  }
0x18e: {  	s22 =	simm.s32 $0xC600;
	[smem:$0x791] =	sst s21  }
0x18f: {  	s23 =	simm.s32 $0xC680;
	[smem:$0x792] =	sst s22  }
0x190: {  	s24 =	simm.s32 $0xC700;
	[smem:$0x793] =	sst s23  }
0x191: {  	s25 =	simm.s32 $0xC780;
	[smem:$0x794] =	sst s24  }
0x192: {  	s26 =	simm.s32 $0xC800;
	[smem:$0x795] =	sst s25  }
0x193: {  	s7 =	simm.s32 $0xF980;
	[smem:$0x796] =	sst s26  }
0x194: {  	s8 =	simm.s32 $0xC880;
	[smem:$0x797] =	sst s7  }
0x195: {  	s9 =	simm.s32 $0xC900;
	[smem:$0x798] =	sst s8  }
0x196: {  	s10 =	simm.s32 $0xC980;
	[smem:$0x799] =	sst s9  }
0x197: {  	s11 =	simm.s32 $0xCA00;
	[smem:$0x79A] =	sst s10  }
0x198: {  	s12 =	simm.s32 $0xCA80;
	[smem:$0x79B] =	sst s11  }
0x199: {  	s13 =	simm.s32 $0xCB00;
	[smem:$0x79C] =	sst s12  }
0x19a: {  	s14 =	simm.s32 $0xCB80;
	[smem:$0x79D] =	sst s13  }
0x19b: {  	s15 =	simm.s32 $0xCC00;
	[smem:$0x79E] =	sst s14  }
0x19c: {  	s16 =	simm.s32 $0xCC80;
	[smem:$0x79F] =	sst s15  }
0x19d: {  	s17 =	simm.s32 $0xCD00;
	[smem:$0x7A0] =	sst s16  }
0x19e: {  	s18 =	simm.s32 $0xCD80;
	[smem:$0x7A1] =	sst s17  }
0x19f: {  	s19 =	simm.s32 $0xCE00;
	[smem:$0x7A2] =	sst s18  }
0x1a0: {  	s20 =	simm.s32 $0xCE80;
	[smem:$0x7A3] =	sst s19  }
0x1a1: {  	s21 =	simm.s32 $0xCF00;
	[smem:$0x7A4] =	sst s20  }
0x1a2: {  	s22 =	simm.s32 $0xCF80;
	[smem:$0x7A5] =	sst s21  }
0x1a3: {  	s23 =	simm.s32 $0xD000;
	[smem:$0x7A6] =	sst s22  }
0x1a4: {  	s24 =	simm.s32 $0xD080;
	[smem:$0x7A7] =	sst s23  }
0x1a5: {  	s25 =	simm.s32 $0xD100;
	[smem:$0x7A8] =	sst s24  }
0x1a6: {  	s26 =	simm.s32 $0xD180;
	[smem:$0x7A9] =	sst s25  }
0x1a7: {  	s7 =	simm.s32 $0xD200;
	[smem:$0x7AA] =	sst s26  }
0x1a8: {  	s8 =	simm.s32 $0xD280;
	[smem:$0x7AB] =	sst s7  }
0x1a9: {  	s9 =	simm.s32 $0xD300;
	[smem:$0x7AC] =	sst s8  }
0x1aa: {  	s10 =	simm.s32 $0xD380;
	[smem:$0x7AD] =	sst s9  }
0x1ab: {  	s11 =	simm.s32 $0xD400;
	[smem:$0x7AE] =	sst s10  }
0x1ac: {  	s12 =	simm.s32 $0xD480;
	[smem:$0x7AF] =	sst s11  }
0x1ad: {  	s13 =	simm.s32 $0xD500;
	[smem:$0x7B0] =	sst s12  }
0x1ae: {  	s14 =	simm.s32 $0xD580;
	[smem:$0x7B1] =	sst s13  }
0x1af: {  	s15 =	simm.s32 $0xD600;
	[smem:$0x7B2] =	sst s14  }
0x1b0: {  	s16 =	simm.s32 $0xD680;
	[smem:$0x7B3] =	sst s15  }
0x1b1: {  	s17 =	simm.s32 $0xD700;
	[smem:$0x7B4] =	sst s16  }
0x1b2: {  	s18 =	simm.s32 $0xD780;
	[smem:$0x7B5] =	sst s17  }
0x1b3: {  	s19 =	simm.s32 $0xD800;
	[smem:$0x7B6] =	sst s18  }
0x1b4: {  	s20 =	simm.s32 $0xD880;
	[smem:$0x7B7] =	sst s19  }
0x1b5: {  	s21 =	simm.s32 $0xD900;
	[smem:$0x7B8] =	sst s20  }
0x1b6: {  	s22 =	simm.s32 $0xD980;
	[smem:$0x7B9] =	sst s21  }
0x1b7: {  	s23 =	simm.s32 $0xDA00;
	[smem:$0x7BA] =	sst s22  }
0x1b8: {  	s24 =	simm.s32 $0xDA80;
	[smem:$0x7BB] =	sst s23  }
0x1b9: {  	s25 =	simm.s32 $0xDB00;
	[smem:$0x7BC] =	sst s24  }
0x1ba: {  	s26 =	simm.s32 $0xDB80;
	[smem:$0x7BD] =	sst s25  }
0x1bb: {  	s7 =	simm.s32 $0xDC00;
	[smem:$0x7BE] =	sst s26  }
0x1bc: {  	s8 =	simm.s32 $0xDC80;
	[smem:$0x7BF] =	sst s7  }
0x1bd: {  	s9 =	simm.s32 $0xDD00;
	[smem:$0x7C0] =	sst s8  }
0x1be: {  	s10 =	simm.s32 $0xDD80;
	[smem:$0x7C1] =	sst s9  }
0x1bf: {  	s11 =	simm.s32 $0xDE00;
	[smem:$0x7C2] =	sst s10  }
0x1c0: {  	s12 =	simm.s32 $0xDE80;
	[smem:$0x7C3] =	sst s11  }
0x1c1: {  	s13 =	simm.s32 $0xDF00;
	[smem:$0x7C4] =	sst s12  }
0x1c2: {  	s14 =	simm.s32 $0xDF80;
	[smem:$0x7C5] =	sst s13  }
0x1c3: {  	s15 =	simm.s32 $0xE000;
	[smem:$0x7C6] =	sst s14  }
0x1c4: {  	s16 =	simm.s32 $0xE080;
	[smem:$0x7C7] =	sst s15  }
0x1c5: {  	s17 =	simm.s32 $0xE100;
	[smem:$0x7C8] =	sst s16  }
0x1c6: {  	s18 =	simm.s32 $0xE180;
	[smem:$0x7C9] =	sst s17  }
0x1c7: {  	s19 =	simm.s32 $0xE280;
	[smem:$0x7CA] =	sst s18  }
0x1c8: {  	s20 =	simm.s32 $0xE300;
	[smem:$0x7CB] =	sst s19  }
0x1c9: {  	s21 =	simm.s32 $0xE380;
	[smem:$0x7CC] =	sst s20  }
0x1ca: {  	s22 =	simm.s32 $0xE400;
	[smem:$0x7CD] =	sst s21  }
0x1cb: {  	s23 =	simm.s32 $0xE480;
	[smem:$0x7CE] =	sst s22  }
0x1cc: {  	s24 =	simm.s32 $0xE500;
	[smem:$0x7CF] =	sst s23  }
0x1cd: {  	s25 =	simm.s32 $0xE580;
	[smem:$0x7D0] =	sst s24  }
0x1ce: {  	s26 =	simm.s32 $0xE600;
	[smem:$0x7D1] =	sst s25  }
0x1cf: {  	s7 =	simm.s32 $0xE680;
	[smem:$0x7D2] =	sst s26  }
0x1d0: {  	s8 =	simm.s32 $0xE700;
	[smem:$0x7D3] =	sst s7  }
0x1d1: {  	s9 =	simm.s32 $0xE780;
	[smem:$0x7D4] =	sst s8  }
0x1d2: {  	s10 =	simm.s32 $0xE800;
	[smem:$0x7D5] =	sst s9  }
0x1d3: {  	s11 =	simm.s32 $0xF900;
	[smem:$0x7D6] =	sst s10  }
0x1d4: {  	s12 =	simm.s32 $0xE880;
	[smem:$0x7D7] =	sst s11  }
0x1d5: {  	s13 =	simm.s32 $0xE900;
	[smem:$0x7D8] =	sst s12  }
0x1d6: {  	s14 =	simm.s32 $0xE980;
	[smem:$0x7D9] =	sst s13  }
0x1d7: {  	s15 =	simm.s32 $0xEA00;
	[smem:$0x7DA] =	sst s14  }
0x1d8: {  	s16 =	simm.s32 $0xEA80;
	[smem:$0x7DB] =	sst s15  }
0x1d9: {  	s17 =	simm.s32 $0xEB00;
	[smem:$0x7DC] =	sst s16  }
0x1da: {  	s18 =	simm.s32 $0xEB80;
	[smem:$0x7DD] =	sst s17  }
0x1db: {  	s19 =	simm.s32 $0xEC00;
	[smem:$0x7DE] =	sst s18  }
0x1dc: {  	s20 =	simm.s32 $0xEC80;
	[smem:$0x7DF] =	sst s19  }
0x1dd: {  	s21 =	simm.s32 $0xED00;
	[smem:$0x7E0] =	sst s20  }
0x1de: {  	s22 =	simm.s32 $0xED80;
	[smem:$0x7E1] =	sst s21  }
0x1df: {  	s23 =	simm.s32 $0xEE00;
	[smem:$0x7E2] =	sst s22  }
0x1e0: {  	s24 =	simm.s32 $0xEE80;
	[smem:$0x7E3] =	sst s23  }
0x1e1: {  	s25 =	simm.s32 $0xEF00;
	[smem:$0x7E4] =	sst s24  }
0x1e2: {  	s26 =	simm.s32 $0xEF80;
	[smem:$0x7E5] =	sst s25  }
0x1e3: {  	s28 =	simm.s32 $0xC200;
	s7 =	simm.s32 $0xF000;
	[smem:$0x7E6] =	sst s26  }
0x1e4: {  	s29 =	simm.s32 $0xE200;
	s8 =	simm.s32 $0xF080;
	[smem:$0x7E7] =	sst s7  }
0x1e5: {  	s30 =	simm.s32 $0x7;
	s9 =	simm.s32 $0xF100;
	[smem:$0x7E8] =	sst s8  }
0x1e6: {  	s31 =	simm.s32 $0x8;
	s10 =	simm.s32 $0xF180;
	[smem:$0x7E9] =	sst s9  }
0x1e7: {  	s4 =	ssub.s32 $0x2, s4;
	s11 =	simm.s32 $0xF200;
	[smem:$0x7EA] =	sst s10  }
0x1e8: {  	s3 =	sand.u32 $0xE00, s3;
	s12 =	simm.s32 $0xF280;
	[smem:$0x7EB] =	sst s11  }
0x1e9: {  	s3 =	sadd.s32 s1, s3;
	s14 =	simm.s32 $0xF300;
	[smem:$0x7EC] =	sst s12  }
0x1ea: {  	s1 =	simm.s32 $0x10200;
	s15 =	simm.s32 $0xF380;
	[smem:$0x7ED] =	sst s14  }
0x1eb: {  	s5 =	sadd.s32 $0x100, s3;
	s16 =	simm.s32 $0xF400;
	[smem:$0x7EE] =	sst s15  }
0x1ec: {  	s6 =	sadd.s32 $0x180, s3;
	s18 =	simm.s32 $0xF480;
	[smem:$0x7EF] =	sst s16  }
0x1ed: {  	s13 =	sshrl.u32 s4, $0x1;
	s19 =	simm.s32 $0xF500;
	[smem:$0x7F0] =	sst s18  }
0x1ee: {  	s17 =	sshll.u32 s0, $0xB;
	s20 =	simm.s32 $0xF580;
	[smem:$0x7F1] =	sst s19  }
0x1ef: {  	s21 =	simm.s32 $0xF600;
	s22 =	simm.s32 $0xF680;
	[smem:$0x7F2] =	sst s20  }
0x1f0: {  	s23 =	simm.s32 $0xF780;
	s8 =	ssub.s32 s4, s13;
	[smem:$0x7F3] =	sst s21  }
0x1f1: {  	s11 =	sand.u32 $0x6000, s17;
	s4 =	sadd.s32 $0x80, s3;
	[smem:$0x7F4] =	sst s22  }
0x1f2: {  	s9 =	simm.s32 $0xF700;
	s10 =	simm.s32 $0xF800;
	[smem:$0x7F6] =	sst s23  }
0x1f3: {  	s24 =	simm.s32 $0xF880;
	s12 =	simm.s32 $0xFC80;
	s25 =	simm.s32 $0xFD00  }
0x1f4: {  	v1 =	vimm.s32 $0x7;
	s13 =	simm.s32 $0xFD80;
	s26 =	simm.s32 $0xFE00;
	s14 =	simm.s32 $0x10000  }
0x1f5: {  	v2 =	vimm.s32 $0x5;
	v13 =	vlaneseq.u32;
	v3 =	vimm.s32 $0x0;
	s15 =	simm.s32 $0x10080;
	s16 =	simm.s32 $0x10100;
	s17 =	simm.s32 $0x10180  }
0x1f6: {  	vm0 =	vmmov $0x1;
	v5 =	vimm.s32 $0x1;
	v6 =	vimm.s32 $0x2;
	s18 =	simm.s32 $0x1;
	s19 =	simm.s32 $0x2;
	[smem:$0x7F5] =	sst s9  }
0x1f7: {  	v7 =	vimm.s32 $0x3;
	v8 =	vimm.s32 $0x4;
	v9 =	vimm.s32 $0x6;
	s20 =	simm.s32 $0x3;
	s21 =	simm.s32 $0x4;
	[smem:$0x7F7] =	sst s10  }
0x1f8: {  	v10 =	vimm.s32 $0x8;
	v11 =	vimm.s32 $0x9;
	v12 =	vimm.s32 $0xA;
	s22 =	simm.s32 $0x5;
	s23 =	simm.s32 $0x6;
	[smem:$0x7F8] =	sst s24  }
0x1f9: {  	v14 =	vimm.s32 $0xB;
	v4 =	vmul.u32 $0x8, v13;
	v13 =	vmul.u32 $0x81, v13;
	s7 =	smax.u32 s8, $0x1;
	s8 =	simm.s32 $0x9;
	[smem:$0x7F9] =	sst s12  }
0x1fa: {  	v15 =	vimm.s32 $0xC;
	v16 =	vimm.s32 $0xD;
	v17 =	vimm.s32 $0xE;
	s9 =	simm.s32 $0x2200;
	s10 =	simm.s32 $0x4200;
	[smem:$0x7FA] =	sst s25  }
0x1fb: {  	v18 =	vimm.s32 $0xF;
	v19 =	vadd.s32 $0x810, v13;
	v0 =	vmov s11;
	s11 =	simm.s32 $0x6200;
	s12 =	simm.s32 $0x8200;
	[smem:$0x7FB] =	sst s13  }
0x1fc: {  	v20 =	vadd.s32 $0x1020, v13;
	v21 =	vadd.s32 $0x1830, v13;
	v22 =	vadd.s32 $0x40, v13;
	s24 =	simm.s32 $0xFE80;
	[smem:$0x7FC] =	sst s26;
	s25 =	simm.s32 $0x200  }
0x1fd: {  	v23 =	vadd.s32 $0x850, v13;
	v24 =	vadd.s32 $0x1060, v13;
	v25 =	vadd.s32 $0x1870, v13;
	s26 =	simm.s32 $0xA200;
	[smem:$0x7FD] =	sst s24;
	s24 =	simm.s32 $0xFF00  }
.LBB2_1:
0x1fe: {  	s0 =	rddreg [dreg:$0x4]  }
0x1ff: {  	[tilespmem:s2], [sflag:$0x9] =	stream.linear.gather [hbm4b:s0+s2], $0x200, $0x38;
	[tilespmem:$0x10400] =	vst v63  }
0x200: {  	_ =	swait.ge [sflag:s8], $0x200  }
0x201: {  	[sflag:s8] =	ssyncset.done $0x0  }
0x202: {  	[sflag:s8] =	ssyncadd.s32 $0xFFFFFE00  }
0x203: {  	v26 =	vld [tilespmem:$0x0]  }
0x204: {  	v27 =	vld [tilespmem:$0x10]  }
0x205: {  	v28 =	vld [tilespmem:$0x20]  }
0x206: {  	v29 =	vld [tilespmem:$0x30]  }
0x207: {  	v30 =	vld [tilespmem:$0x40]  }
0x208: {  	v32 =	vld [tilespmem:$0x50];
	v31 =	vadd.s32 v0, v26  }
0x209: {  	v33 =	vld [tilespmem:$0x60];
	v27 =	vadd.s32 v0, v27;
	[tilespmem:$0x0] =	vst v31  }
0x20a: {  	v46 =	vld [tilespmem:$0x70];
	[tilespmem:$0x10] =	vst v27;
	v27 =	vadd.s32 v0, v28  }
0x20b: {  	v47 =	vld [tilespmem:$0x80];
	[tilespmem:$0x20] =	vst v27;
	v27 =	vadd.s32 v0, v29  }
0x20c: {  	v48 =	vld [tilespmem:$0x90];
	[tilespmem:$0x30] =	vst v27;
	v27 =	vadd.s32 v0, v30  }
0x20d: {  	v49 =	vld [tilespmem:$0xA0];
	[tilespmem:$0x40] =	vst v27;
	v27 =	vadd.s32 v0, v32  }
0x20e: {  	v50 =	vld [tilespmem:$0xB0];
	[tilespmem:$0x50] =	vst v27;
	v27 =	vadd.s32 v0, v33  }
0x20f: {  	v51 =	vld [tilespmem:$0xC0];
	[tilespmem:$0x60] =	vst v27;
	v27 =	vadd.s32 v0, v46  }
0x210: {  	v52 =	vld [tilespmem:$0xD0];
	[tilespmem:$0x70] =	vst v27;
	v27 =	vadd.s32 v0, v47  }
0x211: {  	v53 =	vld [tilespmem:$0xE0];
	[tilespmem:$0x80] =	vst v27;
	v27 =	vadd.s32 v0, v48  }
0x212: {  	v54 =	vld [tilespmem:$0xF0];
	[tilespmem:$0x90] =	vst v27;
	v27 =	vadd.s32 v0, v49  }
0x213: {  	v55 =	vld [tilespmem:$0x100];
	[tilespmem:$0xA0] =	vst v27;
	v27 =	vadd.s32 v0, v50  }
0x214: {  	v56 =	vld [tilespmem:$0x110];
	[tilespmem:$0xB0] =	vst v27;
	v27 =	vadd.s32 v0, v51  }
0x215: {  	v57 =	vld [tilespmem:$0x120];
	[tilespmem:$0xC0] =	vst v27;
	v27 =	vadd.s32 v0, v52  }
0x216: {  	v58 =	vld [tilespmem:$0x130];
	[tilespmem:$0xD0] =	vst v27;
	v27 =	vadd.s32 v0, v53  }
0x217: {  	v59 =	vld [tilespmem:$0x140];
	[tilespmem:$0xE0] =	vst v27;
	v27 =	vadd.s32 v0, v54  }
0x218: {  	v60 =	vld [tilespmem:$0x150];
	[tilespmem:$0xF0] =	vst v27;
	v27 =	vadd.s32 v0, v55  }
0x219: {  	v61 =	vld [tilespmem:$0x160];
	[tilespmem:$0x100] =	vst v27;
	v27 =	vadd.s32 v0, v56  }
0x21a: {  	v62 =	vld [tilespmem:$0x170];
	[tilespmem:$0x110] =	vst v27;
	v27 =	vadd.s32 v0, v57  }
0x21b: {  	v63 =	vld [tilespmem:$0x180];
	[tilespmem:$0x120] =	vst v27;
	v27 =	vadd.s32 v0, v58  }
0x21c: {  	v36 =	vld [tilespmem:$0x190];
	[tilespmem:$0x130] =	vst v27;
	v27 =	vadd.s32 v0, v59  }
0x21d: {  	v37 =	vld [tilespmem:$0x1A0];
	[tilespmem:$0x140] =	vst v27;
	v27 =	vadd.s32 v0, v60  }
0x21e: {  	v38 =	vld [tilespmem:$0x1B0];
	[tilespmem:$0x150] =	vst v27;
	v27 =	vadd.s32 v0, v61  }
0x21f: {  	v39 =	vld [tilespmem:$0x1C0];
	v31 =	vshll.u32 v31, $0x5;
	[tilespmem:$0x160] =	vst v27;
	v27 =	vadd.s32 v0, v62  }
0x220: {  	v40 =	vld [tilespmem:$0x1D0];
	v26 =	vand.u32 $0x7, v26;
	v31 =	vand.u32 $0xFFFFFF00, v31;
	[tilespmem:$0x170] =	vst v27;
	v27 =	vadd.s32 v0, v63  }
0x221: {  	v41 =	vld [tilespmem:$0x1E0];
	v26 =	vor.u32 v26, v31;
	[tilespmem:$0x180] =	vst v27;
	v27 =	vadd.s32 v0, v36  }
0x222: {  	v42 =	vld [tilespmem:$0x1F0];
	v43 =	vperm.xlane v26, v3;
	[tilespmem:$0x190] =	vst v27;
	v27 =	vadd.s32 v0, v37  }
0x223: {  	[tilespmem:$0x1A0] =	vst v27;
	v27 =	vadd.s32 v0, v38  }
0x224: {  	v45 =	vperm.xlane v26, v5;
	v44 =	vadd.s32 v4, v43;
	[tilespmem:$0x1B0] =	vst v27;
	v27 =	vadd.s32 v0, v39  }
0x225: {  	[tilespmem:$0x1C0] =	vst v27;
	v27 =	vadd.s32 v0, v40  }
0x226: {  	v29 =	vadd.s32 v4, v45;
	v46 =	vperm.xlane v26, v6;
	[tilespmem:$0x1D0] =	vst v27;
	v27 =	vadd.s32 v0, v41  }
0x227: {  	[tilespmem:$0x1E0] =	vst v27;
	v27 =	vadd.s32 v0, v42  }
0x228: {  	v47 =	vperm.xlane v26, v7;
	[tilespmem:$0x1F0] =	vst v27;
	v27 =	vadd.s32 v4, v46  }
0x229: {  	[tilespmem:s25], [sflag:$0x1] =	stream.indirect_vreg.gather [hbm4b:s3+s2], $0x80, v44, vm0, $0xb8;
	[tilespmem:$0x10400] =	vst v63  }
0x22a: {  	s0 =	rddreg [dreg:$0x6];
	v48 =	vadd.s32 v4, v47;
	v49 =	vperm.xlane v26, v8  }
0x22b: {  	[tilespmem:s0], [sflag:$0x1] =	stream.indirect_vreg.gather [hbm4b:s3+s2], $0x80, v29, vm0, $0xb8;
	[tilespmem:$0x10400] =	vst v63  }
0x22c: {  	s13 =	rddreg [dreg:$0x7];
	v50 =	vadd.s32 v4, v49;
	v51 =	vperm.xlane v26, v2  }
0x22d: {  	[tilespmem:s13], [sflag:$0x1] =	stream.indirect_vreg.gather [hbm4b:s3+s2], $0x80, v27, vm0, $0xb8;
	[tilespmem:$0x10400] =	vst v63  }
0x22e: {  	v52 =	vperm.xlane v26, v9;
	s0 =	rddreg [dreg:$0x8];
	v27 =	vadd.s32 v4, v51  }
0x22f: {  	[tilespmem:s0], [sflag:$0x1] =	stream.indirect_vreg.gather [hbm4b:s3+s2], $0x80, v48, vm0, $0xb8;
	[tilespmem:$0x10400] =	vst v63  }
0x230: {  	v53 =	vadd.s32 v4, v52;
	v54 =	vperm.xlane v26, v1;
	s13 =	rddreg [dreg:$0x9]  }
0x231: {  	[tilespmem:s13], [sflag:$0x1] =	stream.indirect_vreg.gather [hbm4b:s3+s2], $0x80, v50, vm0, $0xb8;
	[tilespmem:$0x10400] =	vst v63  }
0x232: {  	v55 =	vadd.s32 v4, v54;
	v56 =	vperm.xlane v26, v10;
	s0 =	rddreg [dreg:$0xa]  }
0x233: {  	[tilespmem:s0], [sflag:$0x1] =	stream.indirect_vreg.gather [hbm4b:s3+s2], $0x80, v27, vm0, $0xb8;
	[tilespmem:$0x10400] =	vst v63  }
0x234: {  	v57 =	vperm.xlane v26, v11;
	s13 =	rddreg [dreg:$0xb];
	v27 =	vadd.s32 v4, v56  }
0x235: {  	[tilespmem:s13], [sflag:$0x1] =	stream.indirect_vreg.gather [hbm4b:s3+s2], $0x80, v53, vm0, $0xb8;
	[tilespmem:$0x10400] =	vst v63  }
0x236: {  	v58 =	vadd.s32 v4, v57;
	v59 =	vperm.xlane v26, v12;
	s0 =	rddreg [dreg:$0xc]  }
0x237: {  	[tilespmem:s0], [sflag:$0x1] =	stream.indirect_vreg.gather [hbm4b:s3+s2], $0x80, v55, vm0, $0xb8;
	[tilespmem:$0x10400] =	vst v63  }
0x238: {  	v60 =	vadd.s32 v4, v59;
	v61 =	vperm.xlane v26, v14;
	s13 =	rddreg [dreg:$0xd]  }
0x239: {  	[tilespmem:s13], [sflag:$0x1] =	stream.indirect_vreg.gather [hbm4b:s3+s2], $0x80, v27, vm0, $0xb8;
	[tilespmem:$0x10400] =	vst v63  }
0x23a: {  	v62 =	vperm.xlane v26, v15;
	s0 =	rddreg [dreg:$0xe];
	v27 =	vadd.s32 v4, v61  }
0x23b: {  	[tilespmem:s0], [sflag:$0x1] =	stream.indirect_vreg.gather [hbm4b:s3+s2], $0x80, v58, vm0, $0xb8;
	[tilespmem:$0x10400] =	vst v63  }
0x23c: {  	v33 =	vperm.xlane v26, v16;
	v63 =	vadd.s32 v4, v62;
	s13 =	rddreg [dreg:$0xf]  }
0x23d: {  	[tilespmem:s13], [sflag:$0x1] =	stream.indirect_vreg.gather [hbm4b:s3+s2], $0x80, v60, vm0, $0xb8;
	[tilespmem:$0x10400] =	vst v63  }
0x23e: {  	v35 =	vperm.xlane v26, v17;
	v34 =	vadd.s32 v4, v33;
	s0 =	rddreg [dreg:$0x10]  }
0x23f: {  	[tilespmem:s0], [sflag:$0x1] =	stream.indirect_vreg.gather [hbm4b:s3+s2], $0x80, v27, vm0, $0xb8;
	[tilespmem:$0x10400] =	vst v63  }
0x240: {  	v26 =	vperm.xlane v26, v18;
	s13 =	rddreg [dreg:$0x11];
	v27 =	vadd.s32 v4, v35  }
0x241: {  	[tilespmem:s13], [sflag:$0x1] =	stream.indirect_vreg.gather [hbm4b:s3+s2], $0x80, v63, vm0, $0xb8;
	[tilespmem:$0x10400] =	vst v63  }
0x242: {  	v26 =	vadd.s32 v4, v26;
	s0 =	rddreg [dreg:$0x12]  }
0x243: {  	[tilespmem:s0], [sflag:$0x1] =	stream.indirect_vreg.gather [hbm4b:s3+s2], $0x80, v34, vm0, $0xb8;
	[tilespmem:$0x10400] =	vst v63  }
0x244: {  	s13 =	rddreg [dreg:$0x13]  }
0x245: {  	[tilespmem:s13], [sflag:$0x1] =	stream.indirect_vreg.gather [hbm4b:s3+s2], $0x80, v27, vm0, $0xb8;
	[tilespmem:$0x10400] =	vst v63  }
0x246: {  	s0 =	rddreg [dreg:$0x14]  }
0x247: {  	[tilespmem:s0], [sflag:$0x1] =	stream.indirect_vreg.gather [hbm4b:s3+s2], $0x80, v26, vm0, $0xb8;
	[tilespmem:$0x10400] =	vst v63  }
0x248: {  	v26 =	vld [tilespmem:$0x10];
	_ =	sdelay $0x4  }
0x249: {  	v27 =	vshll.u32 v26, $0x5  }
0x24a: {  	v26 =	vand.u32 $0x7, v26;
	v27 =	vand.u32 $0xFFFFFF00, v27  }
0x24b: {  	v26 =	vor.u32 v26, v27  }
0x24c: {  	v27 =	vperm.xlane v26, v3;
	_ =	sdelay $0x1  }
0x24d: {  	v36 =	vperm.xlane v26, v5;
	v27 =	vadd.s32 v4, v27;
	_ =	sdelay $0x1  }
0x24e: {  	v37 =	vperm.xlane v26, v6;
	v28 =	vadd.s32 v4, v36  }
0x24f: {  	s13 =	rddreg [dreg:$0x16]  }
0x250: {  	s0 =	rddreg [dreg:$0x15];
	v38 =	vperm.xlane v26, v7;
	v29 =	vadd.s32 v4, v37  }
0x251: {  	[tilespmem:s0], [sflag:$0x1] =	stream.indirect_vreg.gather [hbm4b:s3+s2], $0x80, v27, vm0, $0xb8;
	[tilespmem:$0x10400] =	vst v63  }
0x252: {  	v39 =	vperm.xlane v26, v8;
	s0 =	rddreg [dreg:$0x17];
	v27 =	vadd.s32 v4, v38  }
0x253: {  	[tilespmem:s13], [sflag:$0x1] =	stream.indirect_vreg.gather [hbm4b:s3+s2], $0x80, v28, vm0, $0xb8;
	[tilespmem:$0x10400] =	vst v63  }
0x254: {  	v41 =	vperm.xlane v26, v2;
	v40 =	vadd.s32 v4, v39;
	s13 =	rddreg [dreg:$0x18]  }
0x255: {  	[tilespmem:s0], [sflag:$0x1] =	stream.indirect_vreg.gather [hbm4b:s3+s2], $0x80, v29, vm0, $0xb8;
	[tilespmem:$0x10400] =	vst v63  }
0x256: {  	v43 =	vperm.xlane v26, v9;
	v42 =	vadd.s32 v4, v41;
	s0 =	rddreg [dreg:$0x19]  }
0x257: {  	[tilespmem:s13], [sflag:$0x1] =	stream.indirect_vreg.gather [hbm4b:s3+s2], $0x80, v27, vm0, $0xb8;
	[tilespmem:$0x10400] =	vst v63  }
0x258: {  	v44 =	vperm.xlane v26, v1;
	s13 =	rddreg [dreg:$0x1a];
	v27 =	vadd.s32 v4, v43  }
0x259: {  	[tilespmem:s0], [sflag:$0x1] =	stream.indirect_vreg.gather [hbm4b:s3+s2], $0x80, v40, vm0, $0xb8;
	[tilespmem:$0x10400] =	vst v63  }
0x25a: {  	v46 =	vperm.xlane v26, v10;
	v45 =	vadd.s32 v4, v44;
	s0 =	rddreg [dreg:$0x1b]  }
0x25b: {  	[tilespmem:s13], [sflag:$0x1] =	stream.indirect_vreg.gather [hbm4b:s3+s2], $0x80, v42, vm0, $0xb8;
	[tilespmem:$0x10400] =	vst v63  }
0x25c: {  	v48 =	vperm.xlane v26, v11;
	v47 =	vadd.s32 v4, v46;
	s13 =	rddreg [dreg:$0x1c]  }
0x25d: {  	[tilespmem:s0], [sflag:$0x1] =	stream.indirect_vreg.gather [hbm4b:s3+s2], $0x80, v27, vm0, $0xb8;
	[tilespmem:$0x10400] =	vst v63  }
0x25e: {  	v49 =	vperm.xlane v26, v12;
	s0 =	rddreg [dreg:$0x1d];
	v27 =	vadd.s32 v4, v48  }
0x25f: {  	[tilespmem:s13], [sflag:$0x1] =	stream.indirect_vreg.gather [hbm4b:s3+s2], $0x80, v45, vm0, $0xb8;
	[tilespmem:$0x10400] =	vst v63  }
0x260: {  	v51 =	vperm.xlane v26, v14;
	v50 =	vadd.s32 v4, v49;
	s13 =	rddreg [dreg:$0x1e]  }
0x261: {  	[tilespmem:s0], [sflag:$0x1] =	stream.indirect_vreg.gather [hbm4b:s3+s2], $0x80, v47, vm0, $0xb8;
	[tilespmem:$0x10400] =	vst v63  }
0x262: {  	v53 =	vperm.xlane v26, v15;
	v52 =	vadd.s32 v4, v51;
	s0 =	rddreg [dreg:$0x1f]  }
0x263: {  	[tilespmem:s13], [sflag:$0x1] =	stream.indirect_vreg.gather [hbm4b:s3+s2], $0x80, v27, vm0, $0xb8;
	[tilespmem:$0x10400] =	vst v63  }
0x264: {  	v54 =	vperm.xlane v26, v16;
	s13 =	sld [smem:$0x626];
	v27 =	vadd.s32 v4, v53  }
0x265: {  	[tilespmem:s0], [sflag:$0x1] =	stream.indirect_vreg.gather [hbm4b:s3+s2], $0x80, v50, vm0, $0xb8;
	[tilespmem:$0x10400] =	vst v63  }
0x266: {  	v56 =	vperm.xlane v26, v17;
	v55 =	vadd.s32 v4, v54;
	s0 =	sld [smem:$0x627]  }
0x267: {  	[tilespmem:s13], [sflag:$0x1] =	stream.indirect_vreg.gather [hbm4b:s3+s2], $0x80, v52, vm0, $0xb8;
	[tilespmem:$0x10400] =	vst v63  }
0x268: {  	v26 =	vperm.xlane v26, v18;
	v57 =	vadd.s32 v4, v56;
	s13 =	sld [smem:$0x628]  }
0x269: {  	[tilespmem:s0], [sflag:$0x1] =	stream.indirect_vreg.gather [hbm4b:s3+s2], $0x80, v27, vm0, $0xb8;
	[tilespmem:$0x10400] =	vst v63  }
0x26a: {  	v26 =	vadd.s32 v4, v26;
	s0 =	sld [smem:$0x629]  }
0x26b: {  	[tilespmem:s13], [sflag:$0x1] =	stream.indirect_vreg.gather [hbm4b:s3+s2], $0x80, v55, vm0, $0xb8;
	[tilespmem:$0x10400] =	vst v63  }
0x26c: {  	s13 =	sld [smem:$0x62A]  }
0x26d: {  	[tilespmem:s0], [sflag:$0x1] =	stream.indirect_vreg.gather [hbm4b:s3+s2], $0x80, v57, vm0, $0xb8;
	[tilespmem:$0x10400] =	vst v63  }
0x26e: {  	_ = 	snop  }
0x26f: {  	[tilespmem:s13], [sflag:$0x1] =	stream.indirect_vreg.gather [hbm4b:s3+s2], $0x80, v26, vm0, $0xb8;
	[tilespmem:$0x10400] =	vst v63  }
0x270: {  	v26 =	vld [tilespmem:$0x20];
	_ =	sdelay $0x4  }
0x271: {  	v27 =	vshll.u32 v26, $0x5  }
0x272: {  	v26 =	vand.u32 $0x7, v26;
	v27 =	vand.u32 $0xFFFFFF00, v27  }
0x273: {  	v26 =	vor.u32 v26, v27  }
0x274: {  	v27 =	vperm.xlane v26, v3;
	_ =	sdelay $0x1  }
0x275: {  	v58 =	vperm.xlane v26, v5;
	v27 =	vadd.s32 v4, v27;
	_ =	sdelay $0x1  }
0x276: {  	s0 =	sld [smem:$0x62B];
	v59 =	vperm.xlane v26, v6;
	v28 =	vadd.s32 v4, v58;
	_ =	sdelay $0x1  }
0x277: {  	s13 =	sld [smem:$0x62C];
	v60 =	vperm.xlane v26, v7;
	v29 =	vadd.s32 v4, v59  }
0x278: {  	[tilespmem:s0], [sflag:$0x1] =	stream.indirect_vreg.gather [hbm4b:s3+s2], $0x80, v27, vm0, $0xb8;
	[tilespmem:$0x10400] =	vst v63  }
0x279: {  	v61 =	vperm.xlane v26, v8;
	s0 =	sld [smem:$0x62D];
	v27 =	vadd.s32 v4, v60  }
0x27a: {  	[tilespmem:s13], [sflag:$0x1] =	stream.indirect_vreg.gather [hbm4b:s3+s2], $0x80, v28, vm0, $0xb8;
	[tilespmem:$0x10400] =	vst v63  }
0x27b: {  	v63 =	vperm.xlane v26, v2;
	v62 =	vadd.s32 v4, v61;
	s13 =	sld [smem:$0x62E]  }
0x27c: {  	[tilespmem:s0], [sflag:$0x1] =	stream.indirect_vreg.gather [hbm4b:s3+s2], $0x80, v29, vm0, $0xb8;
	[tilespmem:$0x10400] =	vst v63  }
0x27d: {  	v34 =	vperm.xlane v26, v9;
	v33 =	vadd.s32 v4, v63;
	s0 =	sld [smem:$0x62F]  }
0x27e: {  	[tilespmem:s13], [sflag:$0x1] =	stream.indirect_vreg.gather [hbm4b:s3+s2], $0x80, v27, vm0, $0xb8;
	[tilespmem:$0x10400] =	vst v63  }
0x27f: {  	v35 =	vperm.xlane v26, v1;
	s13 =	sld [smem:$0x630];
	v27 =	vadd.s32 v4, v34  }
0x280: {  	[tilespmem:s0], [sflag:$0x1] =	stream.indirect_vreg.gather [hbm4b:s3+s2], $0x80, v62, vm0, $0xb8;
	[tilespmem:$0x10400] =	vst v63  }
0x281: {  	v37 =	vperm.xlane v26, v10;
	v36 =	vadd.s32 v4, v35;
	s0 =	sld [smem:$0x631]  }
0x282: {  	[tilespmem:s13], [sflag:$0x1] =	stream.indirect_vreg.gather [hbm4b:s3+s2], $0x80, v33, vm0, $0xb8;
	[tilespmem:$0x10400] =	vst v63  }
0x283: {  	v39 =	vperm.xlane v26, v11;
	v38 =	vadd.s32 v4, v37;
	s13 =	sld [smem:$0x632]  }
0x284: {  	[tilespmem:s0], [sflag:$0x1] =	stream.indirect_vreg.gather [hbm4b:s3+s2], $0x80, v27, vm0, $0xb8;
	[tilespmem:$0x10400] =	vst v63  }
0x285: {  	v40 =	vperm.xlane v26, v12;
	s0 =	sld [smem:$0x633];
	v27 =	vadd.s32 v4, v39  }
0x286: {  	[tilespmem:s13], [sflag:$0x1] =	stream.indirect_vreg.gather [hbm4b:s3+s2], $0x80, v36, vm0, $0xb8;
	[tilespmem:$0x10400] =	vst v63  }
0x287: {  	v42 =	vperm.xlane v26, v14;
	v41 =	vadd.s32 v4, v40;
	s13 =	sld [smem:$0x634]  }
0x288: {  	[tilespmem:s0], [sflag:$0x1] =	stream.indirect_vreg.gather [hbm4b:s3+s2], $0x80, v38, vm0, $0xb8;
	[tilespmem:$0x10400] =	vst v63  }
0x289: {  	v44 =	vperm.xlane v26, v15;
	v43 =	vadd.s32 v4, v42;
	s0 =	sld [smem:$0x635]  }
0x28a: {  	[tilespmem:s13], [sflag:$0x1] =	stream.indirect_vreg.gather [hbm4b:s3+s2], $0x80, v27, vm0, $0xb8;
	[tilespmem:$0x10400] =	vst v63  }
0x28b: {  	v45 =	vperm.xlane v26, v16;
	s13 =	sld [smem:$0x636];
	v27 =	vadd.s32 v4, v44  }
0x28c: {  	[tilespmem:s0], [sflag:$0x1] =	stream.indirect_vreg.gather [hbm4b:s3+s2], $0x80, v41, vm0, $0xb8;
	[tilespmem:$0x10400] =	vst v63  }
0x28d: {  	v47 =	vperm.xlane v26, v17;
	v46 =	vadd.s32 v4, v45;
	s0 =	sld [smem:$0x637]  }
0x28e: {  	[tilespmem:s13], [sflag:$0x1] =	stream.indirect_vreg.gather [hbm4b:s3+s2], $0x80, v43, vm0, $0xb8;
	[tilespmem:$0x10400] =	vst v63  }
0x28f: {  	v26 =	vperm.xlane v26, v18;
	v48 =	vadd.s32 v4, v47;
	s13 =	sld [smem:$0x638]  }
0x290: {  	[tilespmem:s0], [sflag:$0x1] =	stream.indirect_vreg.gather [hbm4b:s3+s2], $0x80, v27, vm0, $0xb8;
	[tilespmem:$0x10400] =	vst v63  }
0x291: {  	v26 =	vadd.s32 v4, v26;
	s0 =	sld [smem:$0x639]  }
0x292: {  	[tilespmem:s13], [sflag:$0x1] =	stream.indirect_vreg.gather [hbm4b:s3+s2], $0x80, v46, vm0, $0xb8;
	[tilespmem:$0x10400] =	vst v63  }
0x293: {  	s13 =	sld [smem:$0x63A]  }
0x294: {  	[tilespmem:s0], [sflag:$0x1] =	stream.indirect_vreg.gather [hbm4b:s3+s2], $0x80, v48, vm0, $0xb8;
	[tilespmem:$0x10400] =	vst v63  }
0x295: {  	_ = 	snop  }
0x296: {  	[tilespmem:s13], [sflag:$0x1] =	stream.indirect_vreg.gather [hbm4b:s3+s2], $0x80, v26, vm0, $0xb8;
	[tilespmem:$0x10400] =	vst v63  }
0x297: {  	v26 =	vld [tilespmem:$0x30];
	_ =	sdelay $0x4  }
0x298: {  	v27 =	vshll.u32 v26, $0x5  }
0x299: {  	v26 =	vand.u32 $0x7, v26;
	v27 =	vand.u32 $0xFFFFFF00, v27  }
0x29a: {  	v26 =	vor.u32 v26, v27  }
0x29b: {  	v27 =	vperm.xlane v26, v3;
	_ =	sdelay $0x1  }
0x29c: {  	v49 =	vperm.xlane v26, v5;
	v27 =	vadd.s32 v4, v27;
	_ =	sdelay $0x1  }
0x29d: {  	s0 =	sld [smem:$0x63B];
	v50 =	vperm.xlane v26, v6;
	v28 =	vadd.s32 v4, v49;
	_ =	sdelay $0x1  }
0x29e: {  	s13 =	sld [smem:$0x63C];
	v51 =	vperm.xlane v26, v7;
	v29 =	vadd.s32 v4, v50  }
0x29f: {  	[tilespmem:s0], [sflag:$0x1] =	stream.indirect_vreg.gather [hbm4b:s3+s2], $0x80, v27, vm0, $0xb8;
	[tilespmem:$0x10400] =	vst v63  }
0x2a0: {  	v52 =	vperm.xlane v26, v8;
	s0 =	sld [smem:$0x63D];
	v27 =	vadd.s32 v4, v51  }
0x2a1: {  	[tilespmem:s13], [sflag:$0x1] =	stream.indirect_vreg.gather [hbm4b:s3+s2], $0x80, v28, vm0, $0xb8;
	[tilespmem:$0x10400] =	vst v63  }
0x2a2: {  	v54 =	vperm.xlane v26, v2;
	v53 =	vadd.s32 v4, v52;
	s13 =	sld [smem:$0x63E]  }
0x2a3: {  	[tilespmem:s0], [sflag:$0x1] =	stream.indirect_vreg.gather [hbm4b:s3+s2], $0x80, v29, vm0, $0xb8;
	[tilespmem:$0x10400] =	vst v63  }
0x2a4: {  	v56 =	vperm.xlane v26, v9;
	v55 =	vadd.s32 v4, v54;
	s0 =	sld [smem:$0x63F]  }
0x2a5: {  	[tilespmem:s13], [sflag:$0x1] =	stream.indirect_vreg.gather [hbm4b:s3+s2], $0x80, v27, vm0, $0xb8;
	[tilespmem:$0x10400] =	vst v63  }
0x2a6: {  	v57 =	vperm.xlane v26, v1;
	s13 =	sld [smem:$0x640];
	v27 =	vadd.s32 v4, v56  }
0x2a7: {  	[tilespmem:s0], [sflag:$0x1] =	stream.indirect_vreg.gather [hbm4b:s3+s2], $0x80, v53, vm0, $0xb8;
	[tilespmem:$0x10400] =	vst v63  }
0x2a8: {  	v59 =	vperm.xlane v26, v10;
	v58 =	vadd.s32 v4, v57;
	s0 =	sld [smem:$0x641]  }
0x2a9: {  	[tilespmem:s13], [sflag:$0x1] =	stream.indirect_vreg.gather [hbm4b:s3+s2], $0x80, v55, vm0, $0xb8;
	[tilespmem:$0x10400] =	vst v63  }
0x2aa: {  	v61 =	vperm.xlane v26, v11;
	v60 =	vadd.s32 v4, v59;
	s13 =	sld [smem:$0x642]  }
0x2ab: {  	[tilespmem:s0], [sflag:$0x1] =	stream.indirect_vreg.gather [hbm4b:s3+s2], $0x80, v27, vm0, $0xb8;
	[tilespmem:$0x10400] =	vst v63  }
0x2ac: {  	v62 =	vperm.xlane v26, v12;
	s0 =	sld [smem:$0x643];
	v27 =	vadd.s32 v4, v61  }
0x2ad: {  	[tilespmem:s13], [sflag:$0x1] =	stream.indirect_vreg.gather [hbm4b:s3+s2], $0x80, v58, vm0, $0xb8;
	[tilespmem:$0x10400] =	vst v63  }
0x2ae: {  	v33 =	vperm.xlane v26, v14;
	v63 =	vadd.s32 v4, v62;
	s13 =	sld [smem:$0x644]  }
0x2af: {  	[tilespmem:s0], [sflag:$0x1] =	stream.indirect_vreg.gather [hbm4b:s3+s2], $0x80, v60, vm0, $0xb8;
	[tilespmem:$0x10400] =	vst v63  }
0x2b0: {  	v35 =	vperm.xlane v26, v15;
	v34 =	vadd.s32 v4, v33;
	s0 =	sld [smem:$0x645]  }
0x2b1: {  	[tilespmem:s13], [sflag:$0x1] =	stream.indirect_vreg.gather [hbm4b:s3+s2], $0x80, v27, vm0, $0xb8;
	[tilespmem:$0x10400] =	vst v63  }
0x2b2: {  	v36 =	vperm.xlane v26, v16;
	s13 =	sld [smem:$0x646];
	v27 =	vadd.s32 v4, v35  }
0x2b3: {  	[tilespmem:s0], [sflag:$0x1] =	stream.indirect_vreg.gather [hbm4b:s3+s2], $0x80, v63, vm0, $0xb8;
	[tilespmem:$0x10400] =	vst v63  }
0x2b4: {  	v37 =	vadd.s32 v4, v36;
	s0 =	sld [smem:$0x647]  }
0x2b5: {  	[tilespmem:s13], [sflag:$0x1] =	stream.indirect_vreg.gather [hbm4b:s3+s2], $0x80, v34, vm0, $0xb8;
	[tilespmem:$0x10400] =	vst v63  }
0x2b6: {  	v38 =	vperm.xlane v26, v17;
	s13 =	sld [smem:$0x648]  }
0x2b7: {  	[tilespmem:s0], [sflag:$0x1] =	stream.indirect_vreg.gather [hbm4b:s3+s2], $0x80, v27, vm0, $0xb8;
	[tilespmem:$0x10400] =	vst v63  }
0x2b8: {  	v26 =	vperm.xlane v26, v18;
	v27 =	vadd.s32 v4, v38  }
0x2b9: {  	[tilespmem:s13], [sflag:$0x1] =	stream.indirect_vreg.gather [hbm4b:s3+s2], $0x80, v37, vm0, $0xb8;
	[tilespmem:$0x10400] =	vst v63  }
0x2ba: {  	v26 =	vadd.s32 v4, v26;
	s0 =	sld [smem:$0x649];
	_ =	sdelay $0x1  }
0x2bb: {  	s13 =	sld [smem:$0x64A]  }
0x2bc: {  	[tilespmem:s0], [sflag:$0x1] =	stream.indirect_vreg.gather [hbm4b:s3+s2], $0x80, v27, vm0, $0xb8;
	[tilespmem:$0x10400] =	vst v63  }
0x2bd: {  	_ = 	snop  }
0x2be: {  	[tilespmem:s13], [sflag:$0x1] =	stream.indirect_vreg.gather [hbm4b:s3+s2], $0x80, v26, vm0, $0xb8;
	[tilespmem:$0x10400] =	vst v63  }
0x2bf: {  	v26 =	vld [tilespmem:$0x40];
	_ =	sdelay $0x4  }
0x2c0: {  	v27 =	vshll.u32 v26, $0x5  }
0x2c1: {  	v26 =	vand.u32 $0x7, v26;
	v27 =	vand.u32 $0xFFFFFF00, v27  }
0x2c2: {  	v26 =	vor.u32 v26, v27  }
0x2c3: {  	v27 =	vperm.xlane v26, v3;
	_ =	sdelay $0x1  }
0x2c4: {  	v39 =	vperm.xlane v26, v5;
	v27 =	vadd.s32 v4, v27;
	_ =	sdelay $0x1  }
0x2c5: {  	v40 =	vperm.xlane v26, v6;
	v28 =	vadd.s32 v4, v39;
	_ =	sdelay $0x1  }
0x2c6: {  	s0 =	sld [smem:$0x64B];
	v41 =	vperm.xlane v26, v7;
	v29 =	vadd.s32 v4, v40  }
0x2c7: {  	[tilespmem:s9], [sflag:$0x2] =	stream.indirect_vreg.gather [hbm4b:s3+s2], $0x80, v27, vm0, $0xb8;
	[tilespmem:$0x10400] =	vst v63  }
0x2c8: {  	s13 =	sld [smem:$0x64C];
	v42 =	vperm.xlane v26, v8;
	v27 =	vadd.s32 v4, v41  }
0x2c9: {  	[tilespmem:s0], [sflag:$0x2] =	stream.indirect_vreg.gather [hbm4b:s3+s2], $0x80, v28, vm0, $0xb8;
	[tilespmem:$0x10400] =	vst v63  }
0x2ca: {  	v44 =	vperm.xlane v26, v2;
	v43 =	vadd.s32 v4, v42;
	s0 =	sld [smem:$0x64D]  }
0x2cb: {  	[tilespmem:s13], [sflag:$0x2] =	stream.indirect_vreg.gather [hbm4b:s3+s2], $0x80, v29, vm0, $0xb8;
	[tilespmem:$0x10400] =	vst v63  }
0x2cc: {  	v46 =	vperm.xlane v26, v9;
	v45 =	vadd.s32 v4, v44;
	s13 =	sld [smem:$0x64E]  }
0x2cd: {  	[tilespmem:s0], [sflag:$0x2] =	stream.indirect_vreg.gather [hbm4b:s3+s2], $0x80, v27, vm0, $0xb8;
	[tilespmem:$0x10400] =	vst v63  }
0x2ce: {  	v47 =	vperm.xlane v26, v1;
	s0 =	sld [smem:$0x64F];
	v27 =	vadd.s32 v4, v46  }
0x2cf: {  	[tilespmem:s13], [sflag:$0x2] =	stream.indirect_vreg.gather [hbm4b:s3+s2], $0x80, v43, vm0, $0xb8;
	[tilespmem:$0x10400] =	vst v63  }
0x2d0: {  	v49 =	vperm.xlane v26, v10;
	v48 =	vadd.s32 v4, v47;
	s13 =	sld [smem:$0x650]  }
0x2d1: {  	[tilespmem:s0], [sflag:$0x2] =	stream.indirect_vreg.gather [hbm4b:s3+s2], $0x80, v45, vm0, $0xb8;
	[tilespmem:$0x10400] =	vst v63  }
0x2d2: {  	v51 =	vperm.xlane v26, v11;
	v50 =	vadd.s32 v4, v49;
	s0 =	sld [smem:$0x651]  }
0x2d3: {  	[tilespmem:s13], [sflag:$0x2] =	stream.indirect_vreg.gather [hbm4b:s3+s2], $0x80, v27, vm0, $0xb8;
	[tilespmem:$0x10400] =	vst v63  }
0x2d4: {  	v52 =	vperm.xlane v26, v12;
	s13 =	sld [smem:$0x652];
	v27 =	vadd.s32 v4, v51  }
0x2d5: {  	[tilespmem:s0], [sflag:$0x2] =	stream.indirect_vreg.gather [hbm4b:s3+s2], $0x80, v48, vm0, $0xb8;
	[tilespmem:$0x10400] =	vst v63  }
0x2d6: {  	v54 =	vperm.xlane v26, v14;
	v53 =	vadd.s32 v4, v52;
	s0 =	sld [smem:$0x653]  }
0x2d7: {  	[tilespmem:s13], [sflag:$0x2] =	stream.indirect_vreg.gather [hbm4b:s3+s2], $0x80, v50, vm0, $0xb8;
	[tilespmem:$0x10400] =	vst v63  }
0x2d8: {  	v56 =	vperm.xlane v26, v15;
	v55 =	vadd.s32 v4, v54;
	s13 =	sld [smem:$0x654]  }
0x2d9: {  	[tilespmem:s0], [sflag:$0x2] =	stream.indirect_vreg.gather [hbm4b:s3+s2], $0x80, v27, vm0, $0xb8;
	[tilespmem:$0x10400] =	vst v63  }
0x2da: {  	v57 =	vperm.xlane v26, v16;
	s0 =	sld [smem:$0x655];
	v27 =	vadd.s32 v4, v56  }
0x2db: {  	[tilespmem:s13], [sflag:$0x2] =	stream.indirect_vreg.gather [hbm4b:s3+s2], $0x80, v53, vm0, $0xb8;
	[tilespmem:$0x10400] =	vst v63  }
0x2dc: {  	v59 =	vperm.xlane v26, v17;
	v58 =	vadd.s32 v4, v57;
	s13 =	sld [smem:$0x656]  }
0x2dd: {  	[tilespmem:s0], [sflag:$0x2] =	stream.indirect_vreg.gather [hbm4b:s3+s2], $0x80, v55, vm0, $0xb8;
	[tilespmem:$0x10400] =	vst v63  }
0x2de: {  	v26 =	vperm.xlane v26, v18;
	v60 =	vadd.s32 v4, v59;
	s0 =	sld [smem:$0x657]  }
0x2df: {  	[tilespmem:s13], [sflag:$0x2] =	stream.indirect_vreg.gather [hbm4b:s3+s2], $0x80, v27, vm0, $0xb8;
	[tilespmem:$0x10400] =	vst v63  }
0x2e0: {  	v26 =	vadd.s32 v4, v26;
	s13 =	sld [smem:$0x658]  }
0x2e1: {  	[tilespmem:s0], [sflag:$0x2] =	stream.indirect_vreg.gather [hbm4b:s3+s2], $0x80, v58, vm0, $0xb8;
	[tilespmem:$0x10400] =	vst v63  }
0x2e2: {  	s0 =	sld [smem:$0x659]  }
0x2e3: {  	[tilespmem:s13], [sflag:$0x2] =	stream.indirect_vreg.gather [hbm4b:s3+s2], $0x80, v60, vm0, $0xb8;
	[tilespmem:$0x10400] =	vst v63  }
0x2e4: {  	_ = 	snop  }
0x2e5: {  	[tilespmem:s0], [sflag:$0x2] =	stream.indirect_vreg.gather [hbm4b:s3+s2], $0x80, v26, vm0, $0xb8;
	[tilespmem:$0x10400] =	vst v63  }
0x2e6: {  	v26 =	vld [tilespmem:$0x50];
	_ =	sdelay $0x4  }
0x2e7: {  	v27 =	vshll.u32 v26, $0x5  }
0x2e8: {  	v26 =	vand.u32 $0x7, v26;
	v27 =	vand.u32 $0xFFFFFF00, v27  }
0x2e9: {  	v26 =	vor.u32 v26, v27  }
0x2ea: {  	v27 =	vperm.xlane v26, v3;
	_ =	sdelay $0x1  }
0x2eb: {  	v61 =	vperm.xlane v26, v5;
	v27 =	vadd.s32 v4, v27;
	_ =	sdelay $0x1  }
0x2ec: {  	s0 =	sld [smem:$0x65A];
	v62 =	vperm.xlane v26, v6;
	v28 =	vadd.s32 v4, v61;
	_ =	sdelay $0x1  }
0x2ed: {  	s13 =	sld [smem:$0x65B];
	v63 =	vperm.xlane v26, v7;
	v29 =	vadd.s32 v4, v62  }
0x2ee: {  	[tilespmem:s0], [sflag:$0x2] =	stream.indirect_vreg.gather [hbm4b:s3+s2], $0x80, v27, vm0, $0xb8;
	[tilespmem:$0x10400] =	vst v63  }
0x2ef: {  	v33 =	vperm.xlane v26, v8;
	s0 =	sld [smem:$0x65C];
	v27 =	vadd.s32 v4, v63  }
0x2f0: {  	[tilespmem:s13], [sflag:$0x2] =	stream.indirect_vreg.gather [hbm4b:s3+s2], $0x80, v28, vm0, $0xb8;
	[tilespmem:$0x10400] =	vst v63  }
0x2f1: {  	v35 =	vperm.xlane v26, v2;
	v34 =	vadd.s32 v4, v33;
	s13 =	sld [smem:$0x65D]  }
0x2f2: {  	[tilespmem:s0], [sflag:$0x2] =	stream.indirect_vreg.gather [hbm4b:s3+s2], $0x80, v29, vm0, $0xb8;
	[tilespmem:$0x10400] =	vst v63  }
0x2f3: {  	v37 =	vperm.xlane v26, v9;
	v36 =	vadd.s32 v4, v35;
	s0 =	sld [smem:$0x65E]  }
0x2f4: {  	[tilespmem:s13], [sflag:$0x2] =	stream.indirect_vreg.gather [hbm4b:s3+s2], $0x80, v27, vm0, $0xb8;
	[tilespmem:$0x10400] =	vst v63  }
0x2f5: {  	v38 =	vperm.xlane v26, v1;
	s13 =	sld [smem:$0x65F];
	v27 =	vadd.s32 v4, v37  }
0x2f6: {  	[tilespmem:s0], [sflag:$0x2] =	stream.indirect_vreg.gather [hbm4b:s3+s2], $0x80, v34, vm0, $0xb8;
	[tilespmem:$0x10400] =	vst v63  }
0x2f7: {  	v40 =	vperm.xlane v26, v10;
	v39 =	vadd.s32 v4, v38;
	s0 =	sld [smem:$0x660]  }
0x2f8: {  	[tilespmem:s13], [sflag:$0x2] =	stream.indirect_vreg.gather [hbm4b:s3+s2], $0x80, v36, vm0, $0xb8;
	[tilespmem:$0x10400] =	vst v63  }
0x2f9: {  	v42 =	vperm.xlane v26, v11;
	v41 =	vadd.s32 v4, v40;
	s13 =	sld [smem:$0x661]  }
0x2fa: {  	[tilespmem:s0], [sflag:$0x2] =	stream.indirect_vreg.gather [hbm4b:s3+s2], $0x80, v27, vm0, $0xb8;
	[tilespmem:$0x10400] =	vst v63  }
0x2fb: {  	v43 =	vperm.xlane v26, v12;
	s0 =	sld [smem:$0x662];
	v27 =	vadd.s32 v4, v42  }
0x2fc: {  	[tilespmem:s13], [sflag:$0x2] =	stream.indirect_vreg.gather [hbm4b:s3+s2], $0x80, v39, vm0, $0xb8;
	[tilespmem:$0x10400] =	vst v63  }
0x2fd: {  	v45 =	vperm.xlane v26, v14;
	v44 =	vadd.s32 v4, v43;
	s13 =	sld [smem:$0x663]  }
0x2fe: {  	[tilespmem:s0], [sflag:$0x2] =	stream.indirect_vreg.gather [hbm4b:s3+s2], $0x80, v41, vm0, $0xb8;
	[tilespmem:$0x10400] =	vst v63  }
0x2ff: {  	v47 =	vperm.xlane v26, v15;
	v46 =	vadd.s32 v4, v45;
	s0 =	sld [smem:$0x664]  }
0x300: {  	[tilespmem:s13], [sflag:$0x2] =	stream.indirect_vreg.gather [hbm4b:s3+s2], $0x80, v27, vm0, $0xb8;
	[tilespmem:$0x10400] =	vst v63  }
0x301: {  	v48 =	vperm.xlane v26, v16;
	s13 =	sld [smem:$0x665];
	v27 =	vadd.s32 v4, v47  }
0x302: {  	[tilespmem:s0], [sflag:$0x2] =	stream.indirect_vreg.gather [hbm4b:s3+s2], $0x80, v44, vm0, $0xb8;
	[tilespmem:$0x10400] =	vst v63  }
0x303: {  	v50 =	vperm.xlane v26, v17;
	v49 =	vadd.s32 v4, v48;
	s0 =	sld [smem:$0x666]  }
0x304: {  	[tilespmem:s13], [sflag:$0x2] =	stream.indirect_vreg.gather [hbm4b:s3+s2], $0x80, v46, vm0, $0xb8;
	[tilespmem:$0x10400] =	vst v63  }
0x305: {  	v26 =	vperm.xlane v26, v18;
	v51 =	vadd.s32 v4, v50;
	s13 =	sld [smem:$0x667]  }
0x306: {  	[tilespmem:s0], [sflag:$0x2] =	stream.indirect_vreg.gather [hbm4b:s3+s2], $0x80, v27, vm0, $0xb8;
	[tilespmem:$0x10400] =	vst v63  }
0x307: {  	v26 =	vadd.s32 v4, v26;
	s0 =	sld [smem:$0x668]  }
0x308: {  	[tilespmem:s13], [sflag:$0x2] =	stream.indirect_vreg.gather [hbm4b:s3+s2], $0x80, v49, vm0, $0xb8;
	[tilespmem:$0x10400] =	vst v63  }
0x309: {  	s13 =	sld [smem:$0x669]  }
0x30a: {  	[tilespmem:s0], [sflag:$0x2] =	stream.indirect_vreg.gather [hbm4b:s3+s2], $0x80, v51, vm0, $0xb8;
	[tilespmem:$0x10400] =	vst v63  }
0x30b: {  	_ = 	snop  }
0x30c: {  	[tilespmem:s13], [sflag:$0x2] =	stream.indirect_vreg.gather [hbm4b:s3+s2], $0x80, v26, vm0, $0xb8;
	[tilespmem:$0x10400] =	vst v63  }
0x30d: {  	v26 =	vld [tilespmem:$0x60];
	_ =	sdelay $0x4  }
0x30e: {  	v27 =	vshll.u32 v26, $0x5  }
0x30f: {  	v26 =	vand.u32 $0x7, v26;
	v27 =	vand.u32 $0xFFFFFF00, v27  }
0x310: {  	v26 =	vor.u32 v26, v27  }
0x311: {  	v27 =	vperm.xlane v26, v3;
	_ =	sdelay $0x1  }
0x312: {  	v52 =	vperm.xlane v26, v5;
	v27 =	vadd.s32 v4, v27;
	_ =	sdelay $0x1  }
0x313: {  	s0 =	sld [smem:$0x66A];
	v53 =	vperm.xlane v26, v6;
	v28 =	vadd.s32 v4, v52;
	_ =	sdelay $0x1  }
0x314: {  	s13 =	sld [smem:$0x66B];
	v54 =	vperm.xlane v26, v7;
	v29 =	vadd.s32 v4, v53  }
0x315: {  	[tilespmem:s0], [sflag:$0x2] =	stream.indirect_vreg.gather [hbm4b:s3+s2], $0x80, v27, vm0, $0xb8;
	[tilespmem:$0x10400] =	vst v63  }
0x316: {  	v55 =	vperm.xlane v26, v8;
	s0 =	sld [smem:$0x66C];
	v27 =	vadd.s32 v4, v54  }
0x317: {  	[tilespmem:s13], [sflag:$0x2] =	stream.indirect_vreg.gather [hbm4b:s3+s2], $0x80, v28, vm0, $0xb8;
	[tilespmem:$0x10400] =	vst v63  }
0x318: {  	v57 =	vperm.xlane v26, v2;
	v56 =	vadd.s32 v4, v55;
	s13 =	sld [smem:$0x66D]  }
0x319: {  	[tilespmem:s0], [sflag:$0x2] =	stream.indirect_vreg.gather [hbm4b:s3+s2], $0x80, v29, vm0, $0xb8;
	[tilespmem:$0x10400] =	vst v63  }
0x31a: {  	v59 =	vperm.xlane v26, v9;
	v58 =	vadd.s32 v4, v57;
	s0 =	sld [smem:$0x66E]  }
0x31b: {  	[tilespmem:s13], [sflag:$0x2] =	stream.indirect_vreg.gather [hbm4b:s3+s2], $0x80, v27, vm0, $0xb8;
	[tilespmem:$0x10400] =	vst v63  }
0x31c: {  	v60 =	vperm.xlane v26, v1;
	s13 =	sld [smem:$0x66F];
	v27 =	vadd.s32 v4, v59  }
0x31d: {  	[tilespmem:s0], [sflag:$0x2] =	stream.indirect_vreg.gather [hbm4b:s3+s2], $0x80, v56, vm0, $0xb8;
	[tilespmem:$0x10400] =	vst v63  }
0x31e: {  	v62 =	vperm.xlane v26, v10;
	v61 =	vadd.s32 v4, v60;
	s0 =	sld [smem:$0x670]  }
0x31f: {  	[tilespmem:s13], [sflag:$0x2] =	stream.indirect_vreg.gather [hbm4b:s3+s2], $0x80, v58, vm0, $0xb8;
	[tilespmem:$0x10400] =	vst v63  }
0x320: {  	v33 =	vperm.xlane v26, v11;
	v63 =	vadd.s32 v4, v62;
	s13 =	sld [smem:$0x671]  }
0x321: {  	[tilespmem:s0], [sflag:$0x2] =	stream.indirect_vreg.gather [hbm4b:s3+s2], $0x80, v27, vm0, $0xb8;
	[tilespmem:$0x10400] =	vst v63  }
0x322: {  	v34 =	vperm.xlane v26, v12;
	s0 =	sld [smem:$0x672];
	v27 =	vadd.s32 v4, v33  }
0x323: {  	[tilespmem:s13], [sflag:$0x2] =	stream.indirect_vreg.gather [hbm4b:s3+s2], $0x80, v61, vm0, $0xb8;
	[tilespmem:$0x10400] =	vst v63  }
0x324: {  	v36 =	vperm.xlane v26, v14;
	v35 =	vadd.s32 v4, v34;
	s13 =	sld [smem:$0x673]  }
0x325: {  	[tilespmem:s0], [sflag:$0x2] =	stream.indirect_vreg.gather [hbm4b:s3+s2], $0x80, v63, vm0, $0xb8;
	[tilespmem:$0x10400] =	vst v63  }
0x326: {  	v38 =	vperm.xlane v26, v15;
	v37 =	vadd.s32 v4, v36;
	s0 =	sld [smem:$0x674]  }
0x327: {  	[tilespmem:s13], [sflag:$0x2] =	stream.indirect_vreg.gather [hbm4b:s3+s2], $0x80, v27, vm0, $0xb8;
	[tilespmem:$0x10400] =	vst v63  }
0x328: {  	v39 =	vperm.xlane v26, v16;
	s13 =	sld [smem:$0x675];
	v27 =	vadd.s32 v4, v38  }
0x329: {  	[tilespmem:s0], [sflag:$0x2] =	stream.indirect_vreg.gather [hbm4b:s3+s2], $0x80, v35, vm0, $0xb8;
	[tilespmem:$0x10400] =	vst v63  }
0x32a: {  	v41 =	vperm.xlane v26, v17;
	v40 =	vadd.s32 v4, v39;
	s0 =	sld [smem:$0x676]  }
0x32b: {  	[tilespmem:s13], [sflag:$0x2] =	stream.indirect_vreg.gather [hbm4b:s3+s2], $0x80, v37, vm0, $0xb8;
	[tilespmem:$0x10400] =	vst v63  }
0x32c: {  	v26 =	vperm.xlane v26, v18;
	v42 =	vadd.s32 v4, v41;
	s13 =	sld [smem:$0x677]  }
0x32d: {  	[tilespmem:s0], [sflag:$0x2] =	stream.indirect_vreg.gather [hbm4b:s3+s2], $0x80, v27, vm0, $0xb8;
	[tilespmem:$0x10400] =	vst v63  }
0x32e: {  	v26 =	vadd.s32 v4, v26;
	s0 =	sld [smem:$0x678]  }
0x32f: {  	[tilespmem:s13], [sflag:$0x2] =	stream.indirect_vreg.gather [hbm4b:s3+s2], $0x80, v40, vm0, $0xb8;
	[tilespmem:$0x10400] =	vst v63  }
0x330: {  	s13 =	sld [smem:$0x679]  }
0x331: {  	[tilespmem:s0], [sflag:$0x2] =	stream.indirect_vreg.gather [hbm4b:s3+s2], $0x80, v42, vm0, $0xb8;
	[tilespmem:$0x10400] =	vst v63  }
0x332: {  	_ = 	snop  }
0x333: {  	[tilespmem:s13], [sflag:$0x2] =	stream.indirect_vreg.gather [hbm4b:s3+s2], $0x80, v26, vm0, $0xb8;
	[tilespmem:$0x10400] =	vst v63  }
0x334: {  	v26 =	vld [tilespmem:$0x70];
	_ =	sdelay $0x4  }
0x335: {  	v27 =	vshll.u32 v26, $0x5  }
0x336: {  	v26 =	vand.u32 $0x7, v26;
	v27 =	vand.u32 $0xFFFFFF00, v27  }
0x337: {  	v26 =	vor.u32 v26, v27  }
0x338: {  	v27 =	vperm.xlane v26, v3;
	_ =	sdelay $0x1  }
0x339: {  	v43 =	vperm.xlane v26, v5;
	v27 =	vadd.s32 v4, v27;
	_ =	sdelay $0x1  }
0x33a: {  	s0 =	sld [smem:$0x67A];
	v44 =	vperm.xlane v26, v6;
	v28 =	vadd.s32 v4, v43;
	_ =	sdelay $0x1  }
0x33b: {  	s13 =	sld [smem:$0x67B];
	v45 =	vperm.xlane v26, v7;
	v29 =	vadd.s32 v4, v44  }
0x33c: {  	[tilespmem:s0], [sflag:$0x2] =	stream.indirect_vreg.gather [hbm4b:s3+s2], $0x80, v27, vm0, $0xb8;
	[tilespmem:$0x10400] =	vst v63  }
0x33d: {  	v46 =	vperm.xlane v26, v8;
	s0 =	sld [smem:$0x67C];
	v27 =	vadd.s32 v4, v45  }
0x33e: {  	[tilespmem:s13], [sflag:$0x2] =	stream.indirect_vreg.gather [hbm4b:s3+s2], $0x80, v28, vm0, $0xb8;
	[tilespmem:$0x10400] =	vst v63  }
0x33f: {  	v48 =	vperm.xlane v26, v2;
	v47 =	vadd.s32 v4, v46;
	s13 =	sld [smem:$0x67D]  }
0x340: {  	[tilespmem:s0], [sflag:$0x2] =	stream.indirect_vreg.gather [hbm4b:s3+s2], $0x80, v29, vm0, $0xb8;
	[tilespmem:$0x10400] =	vst v63  }
0x341: {  	v50 =	vperm.xlane v26, v9;
	v49 =	vadd.s32 v4, v48;
	s0 =	sld [smem:$0x67E]  }
0x342: {  	[tilespmem:s13], [sflag:$0x2] =	stream.indirect_vreg.gather [hbm4b:s3+s2], $0x80, v27, vm0, $0xb8;
	[tilespmem:$0x10400] =	vst v63  }
0x343: {  	v51 =	vperm.xlane v26, v1;
	s13 =	sld [smem:$0x67F];
	v27 =	vadd.s32 v4, v50  }
0x344: {  	[tilespmem:s0], [sflag:$0x2] =	stream.indirect_vreg.gather [hbm4b:s3+s2], $0x80, v47, vm0, $0xb8;
	[tilespmem:$0x10400] =	vst v63  }
0x345: {  	v53 =	vperm.xlane v26, v10;
	v52 =	vadd.s32 v4, v51;
	s0 =	sld [smem:$0x680]  }
0x346: {  	[tilespmem:s13], [sflag:$0x2] =	stream.indirect_vreg.gather [hbm4b:s3+s2], $0x80, v49, vm0, $0xb8;
	[tilespmem:$0x10400] =	vst v63  }
0x347: {  	v55 =	vperm.xlane v26, v11;
	v54 =	vadd.s32 v4, v53;
	s13 =	sld [smem:$0x681]  }
0x348: {  	[tilespmem:s0], [sflag:$0x2] =	stream.indirect_vreg.gather [hbm4b:s3+s2], $0x80, v27, vm0, $0xb8;
	[tilespmem:$0x10400] =	vst v63  }
0x349: {  	v56 =	vperm.xlane v26, v12;
	s0 =	sld [smem:$0x682];
	v27 =	vadd.s32 v4, v55  }
0x34a: {  	[tilespmem:s13], [sflag:$0x2] =	stream.indirect_vreg.gather [hbm4b:s3+s2], $0x80, v52, vm0, $0xb8;
	[tilespmem:$0x10400] =	vst v63  }
0x34b: {  	v58 =	vperm.xlane v26, v14;
	v57 =	vadd.s32 v4, v56;
	s13 =	sld [smem:$0x683]  }
0x34c: {  	[tilespmem:s0], [sflag:$0x2] =	stream.indirect_vreg.gather [hbm4b:s3+s2], $0x80, v54, vm0, $0xb8;
	[tilespmem:$0x10400] =	vst v63  }
0x34d: {  	v60 =	vperm.xlane v26, v15;
	v59 =	vadd.s32 v4, v58;
	s0 =	sld [smem:$0x684]  }
0x34e: {  	[tilespmem:s13], [sflag:$0x2] =	stream.indirect_vreg.gather [hbm4b:s3+s2], $0x80, v27, vm0, $0xb8;
	[tilespmem:$0x10400] =	vst v63  }
0x34f: {  	v61 =	vperm.xlane v26, v16;
	s13 =	sld [smem:$0x685];
	v27 =	vadd.s32 v4, v60  }
0x350: {  	[tilespmem:s0], [sflag:$0x2] =	stream.indirect_vreg.gather [hbm4b:s3+s2], $0x80, v57, vm0, $0xb8;
	[tilespmem:$0x10400] =	vst v63  }
0x351: {  	v63 =	vperm.xlane v26, v17;
	v62 =	vadd.s32 v4, v61;
	s0 =	sld [smem:$0x686]  }
0x352: {  	[tilespmem:s13], [sflag:$0x2] =	stream.indirect_vreg.gather [hbm4b:s3+s2], $0x80, v59, vm0, $0xb8;
	[tilespmem:$0x10400] =	vst v63  }
0x353: {  	v26 =	vperm.xlane v26, v18;
	v33 =	vadd.s32 v4, v63;
	s13 =	sld [smem:$0x687]  }
0x354: {  	[tilespmem:s0], [sflag:$0x2] =	stream.indirect_vreg.gather [hbm4b:s3+s2], $0x80, v27, vm0, $0xb8;
	[tilespmem:$0x10400] =	vst v63  }
0x355: {  	v26 =	vadd.s32 v4, v26;
	s0 =	sld [smem:$0x688]  }
0x356: {  	[tilespmem:s13], [sflag:$0x2] =	stream.indirect_vreg.gather [hbm4b:s3+s2], $0x80, v62, vm0, $0xb8;
	[tilespmem:$0x10400] =	vst v63  }
0x357: {  	s13 =	sld [smem:$0x689]  }
0x358: {  	[tilespmem:s0], [sflag:$0x2] =	stream.indirect_vreg.gather [hbm4b:s3+s2], $0x80, v33, vm0, $0xb8;
	[tilespmem:$0x10400] =	vst v63  }
0x359: {  	_ = 	snop  }
0x35a: {  	[tilespmem:s13], [sflag:$0x2] =	stream.indirect_vreg.gather [hbm4b:s3+s2], $0x80, v26, vm0, $0xb8;
	[tilespmem:$0x10400] =	vst v63  }
0x35b: {  	v26 =	vld [tilespmem:$0x80];
	_ =	sdelay $0x4  }
0x35c: {  	v27 =	vshll.u32 v26, $0x5  }
0x35d: {  	v26 =	vand.u32 $0x7, v26;
	v27 =	vand.u32 $0xFFFFFF00, v27  }
0x35e: {  	v26 =	vor.u32 v26, v27  }
0x35f: {  	v27 =	vperm.xlane v26, v3;
	_ =	sdelay $0x1  }
0x360: {  	v34 =	vperm.xlane v26, v5;
	v27 =	vadd.s32 v4, v27;
	_ =	sdelay $0x1  }
0x361: {  	v35 =	vperm.xlane v26, v6;
	v28 =	vadd.s32 v4, v34;
	_ =	sdelay $0x1  }
0x362: {  	s0 =	sld [smem:$0x68A];
	v36 =	vperm.xlane v26, v7;
	v29 =	vadd.s32 v4, v35  }
0x363: {  	[tilespmem:s10], [sflag:$0x3] =	stream.indirect_vreg.gather [hbm4b:s4+s2], $0x80, v27, vm0, $0xb8;
	[tilespmem:$0x10400] =	vst v63  }
0x364: {  	s13 =	sld [smem:$0x68B];
	v37 =	vperm.xlane v26, v8;
	v27 =	vadd.s32 v4, v36  }
0x365: {  	[tilespmem:s0], [sflag:$0x3] =	stream.indirect_vreg.gather [hbm4b:s4+s2], $0x80, v28, vm0, $0xb8;
	[tilespmem:$0x10400] =	vst v63  }
0x366: {  	v39 =	vperm.xlane v26, v2;
	v38 =	vadd.s32 v4, v37;
	s0 =	sld [smem:$0x68C]  }
0x367: {  	[tilespmem:s13], [sflag:$0x3] =	stream.indirect_vreg.gather [hbm4b:s4+s2], $0x80, v29, vm0, $0xb8;
	[tilespmem:$0x10400] =	vst v63  }
0x368: {  	v41 =	vperm.xlane v26, v9;
	v40 =	vadd.s32 v4, v39;
	s13 =	sld [smem:$0x68D]  }
0x369: {  	[tilespmem:s0], [sflag:$0x3] =	stream.indirect_vreg.gather [hbm4b:s4+s2], $0x80, v27, vm0, $0xb8;
	[tilespmem:$0x10400] =	vst v63  }
0x36a: {  	v42 =	vperm.xlane v26, v1;
	s0 =	sld [smem:$0x68E];
	v27 =	vadd.s32 v4, v41  }
0x36b: {  	[tilespmem:s13], [sflag:$0x3] =	stream.indirect_vreg.gather [hbm4b:s4+s2], $0x80, v38, vm0, $0xb8;
	[tilespmem:$0x10400] =	vst v63  }
0x36c: {  	v44 =	vperm.xlane v26, v10;
	v43 =	vadd.s32 v4, v42;
	s13 =	sld [smem:$0x68F]  }
0x36d: {  	[tilespmem:s0], [sflag:$0x3] =	stream.indirect_vreg.gather [hbm4b:s4+s2], $0x80, v40, vm0, $0xb8;
	[tilespmem:$0x10400] =	vst v63  }
0x36e: {  	v46 =	vperm.xlane v26, v11;
	v45 =	vadd.s32 v4, v44;
	s0 =	sld [smem:$0x690]  }
0x36f: {  	[tilespmem:s13], [sflag:$0x3] =	stream.indirect_vreg.gather [hbm4b:s4+s2], $0x80, v27, vm0, $0xb8;
	[tilespmem:$0x10400] =	vst v63  }
0x370: {  	v47 =	vperm.xlane v26, v12;
	s13 =	sld [smem:$0x691];
	v27 =	vadd.s32 v4, v46  }
0x371: {  	[tilespmem:s0], [sflag:$0x3] =	stream.indirect_vreg.gather [hbm4b:s4+s2], $0x80, v43, vm0, $0xb8;
	[tilespmem:$0x10400] =	vst v63  }
0x372: {  	v49 =	vperm.xlane v26, v14;
	v48 =	vadd.s32 v4, v47;
	s0 =	sld [smem:$0x692]  }
0x373: {  	[tilespmem:s13], [sflag:$0x3] =	stream.indirect_vreg.gather [hbm4b:s4+s2], $0x80, v45, vm0, $0xb8;
	[tilespmem:$0x10400] =	vst v63  }
0x374: {  	v51 =	vperm.xlane v26, v15;
	v50 =	vadd.s32 v4, v49;
	s13 =	sld [smem:$0x693]  }
0x375: {  	[tilespmem:s0], [sflag:$0x3] =	stream.indirect_vreg.gather [hbm4b:s4+s2], $0x80, v27, vm0, $0xb8;
	[tilespmem:$0x10400] =	vst v63  }
0x376: {  	v52 =	vperm.xlane v26, v16;
	s0 =	sld [smem:$0x694];
	v27 =	vadd.s32 v4, v51  }
0x377: {  	[tilespmem:s13], [sflag:$0x3] =	stream.indirect_vreg.gather [hbm4b:s4+s2], $0x80, v48, vm0, $0xb8;
	[tilespmem:$0x10400] =	vst v63  }
0x378: {  	v54 =	vperm.xlane v26, v17;
	v53 =	vadd.s32 v4, v52;
	s13 =	sld [smem:$0x695]  }
0x379: {  	[tilespmem:s0], [sflag:$0x3] =	stream.indirect_vreg.gather [hbm4b:s4+s2], $0x80, v50, vm0, $0xb8;
	[tilespmem:$0x10400] =	vst v63  }
0x37a: {  	v26 =	vperm.xlane v26, v18;
	v55 =	vadd.s32 v4, v54;
	s0 =	sld [smem:$0x696]  }
0x37b: {  	[tilespmem:s13], [sflag:$0x3] =	stream.indirect_vreg.gather [hbm4b:s4+s2], $0x80, v27, vm0, $0xb8;
	[tilespmem:$0x10400] =	vst v63  }
0x37c: {  	v26 =	vadd.s32 v4, v26;
	s13 =	sld [smem:$0x697]  }
0x37d: {  	[tilespmem:s0], [sflag:$0x3] =	stream.indirect_vreg.gather [hbm4b:s4+s2], $0x80, v53, vm0, $0xb8;
	[tilespmem:$0x10400] =	vst v63  }
0x37e: {  	s0 =	sld [smem:$0x698]  }
0x37f: {  	[tilespmem:s13], [sflag:$0x3] =	stream.indirect_vreg.gather [hbm4b:s4+s2], $0x80, v55, vm0, $0xb8;
	[tilespmem:$0x10400] =	vst v63  }
0x380: {  	_ = 	snop  }
0x381: {  	[tilespmem:s0], [sflag:$0x3] =	stream.indirect_vreg.gather [hbm4b:s4+s2], $0x80, v26, vm0, $0xb8;
	[tilespmem:$0x10400] =	vst v63  }
0x382: {  	v26 =	vld [tilespmem:$0x90];
	_ =	sdelay $0x4  }
0x383: {  	v27 =	vshll.u32 v26, $0x5  }
0x384: {  	v26 =	vand.u32 $0x7, v26;
	v27 =	vand.u32 $0xFFFFFF00, v27  }
0x385: {  	v26 =	vor.u32 v26, v27  }
0x386: {  	v27 =	vperm.xlane v26, v3;
	_ =	sdelay $0x1  }
0x387: {  	v56 =	vperm.xlane v26, v5;
	v27 =	vadd.s32 v4, v27;
	_ =	sdelay $0x1  }
0x388: {  	s0 =	sld [smem:$0x699];
	v57 =	vperm.xlane v26, v6;
	v28 =	vadd.s32 v4, v56;
	_ =	sdelay $0x1  }
0x389: {  	s13 =	sld [smem:$0x69A];
	v58 =	vperm.xlane v26, v7;
	v29 =	vadd.s32 v4, v57  }
0x38a: {  	[tilespmem:s0], [sflag:$0x3] =	stream.indirect_vreg.gather [hbm4b:s4+s2], $0x80, v27, vm0, $0xb8;
	[tilespmem:$0x10400] =	vst v63  }
0x38b: {  	v59 =	vperm.xlane v26, v8;
	s0 =	sld [smem:$0x69B];
	v27 =	vadd.s32 v4, v58  }
0x38c: {  	[tilespmem:s13], [sflag:$0x3] =	stream.indirect_vreg.gather [hbm4b:s4+s2], $0x80, v28, vm0, $0xb8;
	[tilespmem:$0x10400] =	vst v63  }
0x38d: {  	v61 =	vperm.xlane v26, v2;
	v60 =	vadd.s32 v4, v59;
	s13 =	sld [smem:$0x69C]  }
0x38e: {  	[tilespmem:s0], [sflag:$0x3] =	stream.indirect_vreg.gather [hbm4b:s4+s2], $0x80, v29, vm0, $0xb8;
	[tilespmem:$0x10400] =	vst v63  }
0x38f: {  	v63 =	vperm.xlane v26, v9;
	v62 =	vadd.s32 v4, v61;
	s0 =	sld [smem:$0x69D]  }
0x390: {  	[tilespmem:s13], [sflag:$0x3] =	stream.indirect_vreg.gather [hbm4b:s4+s2], $0x80, v27, vm0, $0xb8;
	[tilespmem:$0x10400] =	vst v63  }
0x391: {  	v33 =	vperm.xlane v26, v1;
	s13 =	sld [smem:$0x69E];
	v27 =	vadd.s32 v4, v63  }
0x392: {  	[tilespmem:s0], [sflag:$0x3] =	stream.indirect_vreg.gather [hbm4b:s4+s2], $0x80, v60, vm0, $0xb8;
	[tilespmem:$0x10400] =	vst v63  }
0x393: {  	v35 =	vperm.xlane v26, v10;
	v34 =	vadd.s32 v4, v33;
	s0 =	sld [smem:$0x69F]  }
0x394: {  	[tilespmem:s13], [sflag:$0x3] =	stream.indirect_vreg.gather [hbm4b:s4+s2], $0x80, v62, vm0, $0xb8;
	[tilespmem:$0x10400] =	vst v63  }
0x395: {  	v37 =	vperm.xlane v26, v11;
	v36 =	vadd.s32 v4, v35;
	s13 =	sld [smem:$0x6A0]  }
0x396: {  	[tilespmem:s0], [sflag:$0x3] =	stream.indirect_vreg.gather [hbm4b:s4+s2], $0x80, v27, vm0, $0xb8;
	[tilespmem:$0x10400] =	vst v63  }
0x397: {  	v38 =	vperm.xlane v26, v12;
	s0 =	sld [smem:$0x6A1];
	v27 =	vadd.s32 v4, v37  }
0x398: {  	[tilespmem:s13], [sflag:$0x3] =	stream.indirect_vreg.gather [hbm4b:s4+s2], $0x80, v34, vm0, $0xb8;
	[tilespmem:$0x10400] =	vst v63  }
0x399: {  	v40 =	vperm.xlane v26, v14;
	v39 =	vadd.s32 v4, v38;
	s13 =	sld [smem:$0x6A2]  }
0x39a: {  	[tilespmem:s0], [sflag:$0x3] =	stream.indirect_vreg.gather [hbm4b:s4+s2], $0x80, v36, vm0, $0xb8;
	[tilespmem:$0x10400] =	vst v63  }
0x39b: {  	v42 =	vperm.xlane v26, v15;
	v41 =	vadd.s32 v4, v40;
	s0 =	sld [smem:$0x6A3]  }
0x39c: {  	[tilespmem:s13], [sflag:$0x3] =	stream.indirect_vreg.gather [hbm4b:s4+s2], $0x80, v27, vm0, $0xb8;
	[tilespmem:$0x10400] =	vst v63  }
0x39d: {  	v43 =	vperm.xlane v26, v16;
	s13 =	sld [smem:$0x6A4];
	v27 =	vadd.s32 v4, v42  }
0x39e: {  	[tilespmem:s0], [sflag:$0x3] =	stream.indirect_vreg.gather [hbm4b:s4+s2], $0x80, v39, vm0, $0xb8;
	[tilespmem:$0x10400] =	vst v63  }
0x39f: {  	v45 =	vperm.xlane v26, v17;
	v44 =	vadd.s32 v4, v43;
	s0 =	sld [smem:$0x6A5]  }
0x3a0: {  	[tilespmem:s13], [sflag:$0x3] =	stream.indirect_vreg.gather [hbm4b:s4+s2], $0x80, v41, vm0, $0xb8;
	[tilespmem:$0x10400] =	vst v63  }
0x3a1: {  	v26 =	vperm.xlane v26, v18;
	v46 =	vadd.s32 v4, v45;
	s13 =	sld [smem:$0x6A6]  }
0x3a2: {  	[tilespmem:s0], [sflag:$0x3] =	stream.indirect_vreg.gather [hbm4b:s4+s2], $0x80, v27, vm0, $0xb8;
	[tilespmem:$0x10400] =	vst v63  }
0x3a3: {  	v26 =	vadd.s32 v4, v26;
	s0 =	sld [smem:$0x6A7]  }
0x3a4: {  	[tilespmem:s13], [sflag:$0x3] =	stream.indirect_vreg.gather [hbm4b:s4+s2], $0x80, v44, vm0, $0xb8;
	[tilespmem:$0x10400] =	vst v63  }
0x3a5: {  	s13 =	sld [smem:$0x6A8]  }
0x3a6: {  	[tilespmem:s0], [sflag:$0x3] =	stream.indirect_vreg.gather [hbm4b:s4+s2], $0x80, v46, vm0, $0xb8;
	[tilespmem:$0x10400] =	vst v63  }
0x3a7: {  	_ = 	snop  }
0x3a8: {  	[tilespmem:s13], [sflag:$0x3] =	stream.indirect_vreg.gather [hbm4b:s4+s2], $0x80, v26, vm0, $0xb8;
	[tilespmem:$0x10400] =	vst v63  }
0x3a9: {  	v26 =	vld [tilespmem:$0xA0];
	_ =	sdelay $0x4  }
0x3aa: {  	v27 =	vshll.u32 v26, $0x5  }
0x3ab: {  	v26 =	vand.u32 $0x7, v26;
	v27 =	vand.u32 $0xFFFFFF00, v27  }
0x3ac: {  	v26 =	vor.u32 v26, v27  }
0x3ad: {  	v27 =	vperm.xlane v26, v3;
	_ =	sdelay $0x1  }
0x3ae: {  	v47 =	vperm.xlane v26, v5;
	v27 =	vadd.s32 v4, v27;
	_ =	sdelay $0x1  }
0x3af: {  	s0 =	sld [smem:$0x6A9];
	v48 =	vperm.xlane v26, v6;
	v28 =	vadd.s32 v4, v47;
	_ =	sdelay $0x1  }
0x3b0: {  	s13 =	sld [smem:$0x6AA];
	v49 =	vperm.xlane v26, v7;
	v29 =	vadd.s32 v4, v48  }
0x3b1: {  	[tilespmem:s0], [sflag:$0x3] =	stream.indirect_vreg.gather [hbm4b:s4+s2], $0x80, v27, vm0, $0xb8;
	[tilespmem:$0x10400] =	vst v63  }
0x3b2: {  	v50 =	vperm.xlane v26, v8;
	s0 =	sld [smem:$0x6AB];
	v27 =	vadd.s32 v4, v49  }
0x3b3: {  	[tilespmem:s13], [sflag:$0x3] =	stream.indirect_vreg.gather [hbm4b:s4+s2], $0x80, v28, vm0, $0xb8;
	[tilespmem:$0x10400] =	vst v63  }
0x3b4: {  	v52 =	vperm.xlane v26, v2;
	v51 =	vadd.s32 v4, v50;
	s13 =	sld [smem:$0x6AC]  }
0x3b5: {  	[tilespmem:s0], [sflag:$0x3] =	stream.indirect_vreg.gather [hbm4b:s4+s2], $0x80, v29, vm0, $0xb8;
	[tilespmem:$0x10400] =	vst v63  }
0x3b6: {  	v54 =	vperm.xlane v26, v9;
	v53 =	vadd.s32 v4, v52;
	s0 =	sld [smem:$0x6AD]  }
0x3b7: {  	[tilespmem:s13], [sflag:$0x3] =	stream.indirect_vreg.gather [hbm4b:s4+s2], $0x80, v27, vm0, $0xb8;
	[tilespmem:$0x10400] =	vst v63  }
0x3b8: {  	v55 =	vperm.xlane v26, v1;
	s13 =	sld [smem:$0x6AE];
	v27 =	vadd.s32 v4, v54  }
0x3b9: {  	[tilespmem:s0], [sflag:$0x3] =	stream.indirect_vreg.gather [hbm4b:s4+s2], $0x80, v51, vm0, $0xb8;
	[tilespmem:$0x10400] =	vst v63  }
0x3ba: {  	v57 =	vperm.xlane v26, v10;
	v56 =	vadd.s32 v4, v55;
	s0 =	sld [smem:$0x6AF]  }
0x3bb: {  	[tilespmem:s13], [sflag:$0x3] =	stream.indirect_vreg.gather [hbm4b:s4+s2], $0x80, v53, vm0, $0xb8;
	[tilespmem:$0x10400] =	vst v63  }
0x3bc: {  	v59 =	vperm.xlane v26, v11;
	v58 =	vadd.s32 v4, v57;
	s13 =	sld [smem:$0x6B0]  }
0x3bd: {  	[tilespmem:s0], [sflag:$0x3] =	stream.indirect_vreg.gather [hbm4b:s4+s2], $0x80, v27, vm0, $0xb8;
	[tilespmem:$0x10400] =	vst v63  }
0x3be: {  	v60 =	vperm.xlane v26, v12;
	s0 =	sld [smem:$0x6B1];
	v27 =	vadd.s32 v4, v59  }
0x3bf: {  	[tilespmem:s13], [sflag:$0x3] =	stream.indirect_vreg.gather [hbm4b:s4+s2], $0x80, v56, vm0, $0xb8;
	[tilespmem:$0x10400] =	vst v63  }
0x3c0: {  	v62 =	vperm.xlane v26, v14;
	v61 =	vadd.s32 v4, v60;
	s13 =	sld [smem:$0x6B2]  }
0x3c1: {  	[tilespmem:s0], [sflag:$0x3] =	stream.indirect_vreg.gather [hbm4b:s4+s2], $0x80, v58, vm0, $0xb8;
	[tilespmem:$0x10400] =	vst v63  }
0x3c2: {  	v33 =	vperm.xlane v26, v15;
	v63 =	vadd.s32 v4, v62;
	s0 =	sld [smem:$0x6B3]  }
0x3c3: {  	[tilespmem:s13], [sflag:$0x3] =	stream.indirect_vreg.gather [hbm4b:s4+s2], $0x80, v27, vm0, $0xb8;
	[tilespmem:$0x10400] =	vst v63  }
0x3c4: {  	v34 =	vperm.xlane v26, v16;
	s13 =	sld [smem:$0x6B4];
	v27 =	vadd.s32 v4, v33  }
0x3c5: {  	[tilespmem:s0], [sflag:$0x3] =	stream.indirect_vreg.gather [hbm4b:s4+s2], $0x80, v61, vm0, $0xb8;
	[tilespmem:$0x10400] =	vst v63  }
0x3c6: {  	v36 =	vperm.xlane v26, v17;
	v35 =	vadd.s32 v4, v34;
	s0 =	sld [smem:$0x6B5]  }
0x3c7: {  	[tilespmem:s13], [sflag:$0x3] =	stream.indirect_vreg.gather [hbm4b:s4+s2], $0x80, v63, vm0, $0xb8;
	[tilespmem:$0x10400] =	vst v63  }
0x3c8: {  	v26 =	vperm.xlane v26, v18;
	v37 =	vadd.s32 v4, v36;
	s13 =	sld [smem:$0x6B6]  }
0x3c9: {  	[tilespmem:s0], [sflag:$0x3] =	stream.indirect_vreg.gather [hbm4b:s4+s2], $0x80, v27, vm0, $0xb8;
	[tilespmem:$0x10400] =	vst v63  }
0x3ca: {  	v26 =	vadd.s32 v4, v26;
	s0 =	sld [smem:$0x6B7]  }
0x3cb: {  	[tilespmem:s13], [sflag:$0x3] =	stream.indirect_vreg.gather [hbm4b:s4+s2], $0x80, v35, vm0, $0xb8;
	[tilespmem:$0x10400] =	vst v63  }
0x3cc: {  	s13 =	sld [smem:$0x6B8]  }
0x3cd: {  	[tilespmem:s0], [sflag:$0x3] =	stream.indirect_vreg.gather [hbm4b:s4+s2], $0x80, v37, vm0, $0xb8;
	[tilespmem:$0x10400] =	vst v63  }
0x3ce: {  	_ = 	snop  }
0x3cf: {  	[tilespmem:s13], [sflag:$0x3] =	stream.indirect_vreg.gather [hbm4b:s4+s2], $0x80, v26, vm0, $0xb8;
	[tilespmem:$0x10400] =	vst v63  }
0x3d0: {  	v26 =	vld [tilespmem:$0xB0];
	_ =	sdelay $0x4  }
0x3d1: {  	v27 =	vshll.u32 v26, $0x5  }
0x3d2: {  	v26 =	vand.u32 $0x7, v26;
	v27 =	vand.u32 $0xFFFFFF00, v27  }
0x3d3: {  	v26 =	vor.u32 v26, v27  }
0x3d4: {  	v27 =	vperm.xlane v26, v3;
	_ =	sdelay $0x1  }
0x3d5: {  	v38 =	vperm.xlane v26, v5;
	v27 =	vadd.s32 v4, v27;
	_ =	sdelay $0x1  }
0x3d6: {  	s0 =	sld [smem:$0x6B9];
	v39 =	vperm.xlane v26, v6;
	v28 =	vadd.s32 v4, v38;
	_ =	sdelay $0x1  }
0x3d7: {  	s13 =	sld [smem:$0x6BA];
	v40 =	vperm.xlane v26, v7;
	v29 =	vadd.s32 v4, v39  }
0x3d8: {  	[tilespmem:s0], [sflag:$0x3] =	stream.indirect_vreg.gather [hbm4b:s4+s2], $0x80, v27, vm0, $0xb8;
	[tilespmem:$0x10400] =	vst v63  }
0x3d9: {  	v41 =	vperm.xlane v26, v8;
	s0 =	sld [smem:$0x6BB];
	v27 =	vadd.s32 v4, v40  }
0x3da: {  	[tilespmem:s13], [sflag:$0x3] =	stream.indirect_vreg.gather [hbm4b:s4+s2], $0x80, v28, vm0, $0xb8;
	[tilespmem:$0x10400] =	vst v63  }
0x3db: {  	v43 =	vperm.xlane v26, v2;
	v42 =	vadd.s32 v4, v41;
	s13 =	sld [smem:$0x6BC]  }
0x3dc: {  	[tilespmem:s0], [sflag:$0x3] =	stream.indirect_vreg.gather [hbm4b:s4+s2], $0x80, v29, vm0, $0xb8;
	[tilespmem:$0x10400] =	vst v63  }
0x3dd: {  	v45 =	vperm.xlane v26, v9;
	v44 =	vadd.s32 v4, v43;
	s0 =	sld [smem:$0x6BD]  }
0x3de: {  	[tilespmem:s13], [sflag:$0x3] =	stream.indirect_vreg.gather [hbm4b:s4+s2], $0x80, v27, vm0, $0xb8;
	[tilespmem:$0x10400] =	vst v63  }
0x3df: {  	v46 =	vperm.xlane v26, v1;
	s13 =	sld [smem:$0x6BE];
	v27 =	vadd.s32 v4, v45  }
0x3e0: {  	[tilespmem:s0], [sflag:$0x3] =	stream.indirect_vreg.gather [hbm4b:s4+s2], $0x80, v42, vm0, $0xb8;
	[tilespmem:$0x10400] =	vst v63  }
0x3e1: {  	v48 =	vperm.xlane v26, v10;
	v47 =	vadd.s32 v4, v46;
	s0 =	sld [smem:$0x6BF]  }
0x3e2: {  	[tilespmem:s13], [sflag:$0x3] =	stream.indirect_vreg.gather [hbm4b:s4+s2], $0x80, v44, vm0, $0xb8;
	[tilespmem:$0x10400] =	vst v63  }
0x3e3: {  	v50 =	vperm.xlane v26, v11;
	v49 =	vadd.s32 v4, v48;
	s13 =	sld [smem:$0x6C0]  }
0x3e4: {  	[tilespmem:s0], [sflag:$0x3] =	stream.indirect_vreg.gather [hbm4b:s4+s2], $0x80, v27, vm0, $0xb8;
	[tilespmem:$0x10400] =	vst v63  }
0x3e5: {  	v51 =	vperm.xlane v26, v12;
	s0 =	sld [smem:$0x6C1];
	v27 =	vadd.s32 v4, v50  }
0x3e6: {  	[tilespmem:s13], [sflag:$0x3] =	stream.indirect_vreg.gather [hbm4b:s4+s2], $0x80, v47, vm0, $0xb8;
	[tilespmem:$0x10400] =	vst v63  }
0x3e7: {  	v53 =	vperm.xlane v26, v14;
	v52 =	vadd.s32 v4, v51;
	s13 =	sld [smem:$0x6C2]  }
0x3e8: {  	[tilespmem:s0], [sflag:$0x3] =	stream.indirect_vreg.gather [hbm4b:s4+s2], $0x80, v49, vm0, $0xb8;
	[tilespmem:$0x10400] =	vst v63  }
0x3e9: {  	v55 =	vperm.xlane v26, v15;
	v54 =	vadd.s32 v4, v53;
	s0 =	sld [smem:$0x6C3]  }
0x3ea: {  	[tilespmem:s13], [sflag:$0x3] =	stream.indirect_vreg.gather [hbm4b:s4+s2], $0x80, v27, vm0, $0xb8;
	[tilespmem:$0x10400] =	vst v63  }
0x3eb: {  	v56 =	vperm.xlane v26, v16;
	s13 =	sld [smem:$0x6C4];
	v27 =	vadd.s32 v4, v55  }
0x3ec: {  	[tilespmem:s0], [sflag:$0x3] =	stream.indirect_vreg.gather [hbm4b:s4+s2], $0x80, v52, vm0, $0xb8;
	[tilespmem:$0x10400] =	vst v63  }
0x3ed: {  	v58 =	vperm.xlane v26, v17;
	v57 =	vadd.s32 v4, v56;
	s0 =	sld [smem:$0x6C5]  }
0x3ee: {  	[tilespmem:s13], [sflag:$0x3] =	stream.indirect_vreg.gather [hbm4b:s4+s2], $0x80, v54, vm0, $0xb8;
	[tilespmem:$0x10400] =	vst v63  }
0x3ef: {  	v26 =	vperm.xlane v26, v18;
	v59 =	vadd.s32 v4, v58;
	s13 =	sld [smem:$0x6C6]  }
0x3f0: {  	[tilespmem:s0], [sflag:$0x3] =	stream.indirect_vreg.gather [hbm4b:s4+s2], $0x80, v27, vm0, $0xb8;
	[tilespmem:$0x10400] =	vst v63  }
0x3f1: {  	v26 =	vadd.s32 v4, v26;
	s0 =	sld [smem:$0x6C7]  }
0x3f2: {  	[tilespmem:s13], [sflag:$0x3] =	stream.indirect_vreg.gather [hbm4b:s4+s2], $0x80, v57, vm0, $0xb8;
	[tilespmem:$0x10400] =	vst v63  }
0x3f3: {  	s13 =	sld [smem:$0x6C8]  }
0x3f4: {  	[tilespmem:s0], [sflag:$0x3] =	stream.indirect_vreg.gather [hbm4b:s4+s2], $0x80, v59, vm0, $0xb8;
	[tilespmem:$0x10400] =	vst v63  }
0x3f5: {  	_ = 	snop  }
0x3f6: {  	[tilespmem:s13], [sflag:$0x3] =	stream.indirect_vreg.gather [hbm4b:s4+s2], $0x80, v26, vm0, $0xb8;
	[tilespmem:$0x10400] =	vst v63  }
0x3f7: {  	v26 =	vld [tilespmem:$0xC0];
	_ =	sdelay $0x4  }
0x3f8: {  	v27 =	vshll.u32 v26, $0x5  }
0x3f9: {  	v26 =	vand.u32 $0x7, v26;
	v27 =	vand.u32 $0xFFFFFF00, v27  }
0x3fa: {  	v26 =	vor.u32 v26, v27  }
0x3fb: {  	v27 =	vperm.xlane v26, v3;
	_ =	sdelay $0x1  }
0x3fc: {  	v60 =	vperm.xlane v26, v5;
	v27 =	vadd.s32 v4, v27;
	_ =	sdelay $0x1  }
0x3fd: {  	v61 =	vperm.xlane v26, v6;
	v28 =	vadd.s32 v4, v60;
	_ =	sdelay $0x1  }
0x3fe: {  	s0 =	sld [smem:$0x6C9];
	v62 =	vperm.xlane v26, v7;
	v29 =	vadd.s32 v4, v61  }
0x3ff: {  	[tilespmem:s11], [sflag:$0x4] =	stream.indirect_vreg.gather [hbm4b:s4+s2], $0x80, v27, vm0, $0xb8;
	[tilespmem:$0x10400] =	vst v63  }
0x400: {  	s13 =	sld [smem:$0x6CA];
	v63 =	vperm.xlane v26, v8;
	v27 =	vadd.s32 v4, v62  }
0x401: {  	[tilespmem:s0], [sflag:$0x4] =	stream.indirect_vreg.gather [hbm4b:s4+s2], $0x80, v28, vm0, $0xb8;
	[tilespmem:$0x10400] =	vst v63  }
0x402: {  	v34 =	vperm.xlane v26, v2;
	v33 =	vadd.s32 v4, v63;
	s0 =	sld [smem:$0x6CB]  }
0x403: {  	[tilespmem:s13], [sflag:$0x4] =	stream.indirect_vreg.gather [hbm4b:s4+s2], $0x80, v29, vm0, $0xb8;
	[tilespmem:$0x10400] =	vst v63  }
0x404: {  	v36 =	vperm.xlane v26, v9;
	v35 =	vadd.s32 v4, v34;
	s13 =	sld [smem:$0x6CC]  }
0x405: {  	[tilespmem:s0], [sflag:$0x4] =	stream.indirect_vreg.gather [hbm4b:s4+s2], $0x80, v27, vm0, $0xb8;
	[tilespmem:$0x10400] =	vst v63  }
0x406: {  	v37 =	vperm.xlane v26, v1;
	s0 =	sld [smem:$0x6CD];
	v27 =	vadd.s32 v4, v36  }
0x407: {  	[tilespmem:s13], [sflag:$0x4] =	stream.indirect_vreg.gather [hbm4b:s4+s2], $0x80, v33, vm0, $0xb8;
	[tilespmem:$0x10400] =	vst v63  }
0x408: {  	v39 =	vperm.xlane v26, v10;
	v38 =	vadd.s32 v4, v37;
	s13 =	sld [smem:$0x6CE]  }
0x409: {  	[tilespmem:s0], [sflag:$0x4] =	stream.indirect_vreg.gather [hbm4b:s4+s2], $0x80, v35, vm0, $0xb8;
	[tilespmem:$0x10400] =	vst v63  }
0x40a: {  	v41 =	vperm.xlane v26, v11;
	v40 =	vadd.s32 v4, v39;
	s0 =	sld [smem:$0x6CF]  }
0x40b: {  	[tilespmem:s13], [sflag:$0x4] =	stream.indirect_vreg.gather [hbm4b:s4+s2], $0x80, v27, vm0, $0xb8;
	[tilespmem:$0x10400] =	vst v63  }
0x40c: {  	v42 =	vperm.xlane v26, v12;
	s13 =	sld [smem:$0x6D0];
	v27 =	vadd.s32 v4, v41  }
0x40d: {  	[tilespmem:s0], [sflag:$0x4] =	stream.indirect_vreg.gather [hbm4b:s4+s2], $0x80, v38, vm0, $0xb8;
	[tilespmem:$0x10400] =	vst v63  }
0x40e: {  	v44 =	vperm.xlane v26, v14;
	v43 =	vadd.s32 v4, v42;
	s0 =	sld [smem:$0x6D1]  }
0x40f: {  	[tilespmem:s13], [sflag:$0x4] =	stream.indirect_vreg.gather [hbm4b:s4+s2], $0x80, v40, vm0, $0xb8;
	[tilespmem:$0x10400] =	vst v63  }
0x410: {  	v46 =	vperm.xlane v26, v15;
	v45 =	vadd.s32 v4, v44;
	s13 =	sld [smem:$0x6D2]  }
0x411: {  	[tilespmem:s0], [sflag:$0x4] =	stream.indirect_vreg.gather [hbm4b:s4+s2], $0x80, v27, vm0, $0xb8;
	[tilespmem:$0x10400] =	vst v63  }
0x412: {  	v47 =	vperm.xlane v26, v16;
	s0 =	sld [smem:$0x6D3];
	v27 =	vadd.s32 v4, v46  }
0x413: {  	[tilespmem:s13], [sflag:$0x4] =	stream.indirect_vreg.gather [hbm4b:s4+s2], $0x80, v43, vm0, $0xb8;
	[tilespmem:$0x10400] =	vst v63  }
0x414: {  	v49 =	vperm.xlane v26, v17;
	v48 =	vadd.s32 v4, v47;
	s13 =	sld [smem:$0x6D4]  }
0x415: {  	[tilespmem:s0], [sflag:$0x4] =	stream.indirect_vreg.gather [hbm4b:s4+s2], $0x80, v45, vm0, $0xb8;
	[tilespmem:$0x10400] =	vst v63  }
0x416: {  	v26 =	vperm.xlane v26, v18;
	v50 =	vadd.s32 v4, v49;
	s0 =	sld [smem:$0x6D5]  }
0x417: {  	[tilespmem:s13], [sflag:$0x4] =	stream.indirect_vreg.gather [hbm4b:s4+s2], $0x80, v27, vm0, $0xb8;
	[tilespmem:$0x10400] =	vst v63  }
0x418: {  	v26 =	vadd.s32 v4, v26;
	s13 =	sld [smem:$0x6D6]  }
0x419: {  	[tilespmem:s0], [sflag:$0x4] =	stream.indirect_vreg.gather [hbm4b:s4+s2], $0x80, v48, vm0, $0xb8;
	[tilespmem:$0x10400] =	vst v63  }
0x41a: {  	s0 =	sld [smem:$0x6D7]  }
0x41b: {  	[tilespmem:s13], [sflag:$0x4] =	stream.indirect_vreg.gather [hbm4b:s4+s2], $0x80, v50, vm0, $0xb8;
	[tilespmem:$0x10400] =	vst v63  }
0x41c: {  	_ = 	snop  }
0x41d: {  	[tilespmem:s0], [sflag:$0x4] =	stream.indirect_vreg.gather [hbm4b:s4+s2], $0x80, v26, vm0, $0xb8;
	[tilespmem:$0x10400] =	vst v63  }
0x41e: {  	v26 =	vld [tilespmem:$0xD0];
	_ =	sdelay $0x4  }
0x41f: {  	v27 =	vshll.u32 v26, $0x5  }
0x420: {  	v26 =	vand.u32 $0x7, v26;
	v27 =	vand.u32 $0xFFFFFF00, v27  }
0x421: {  	v26 =	vor.u32 v26, v27  }
0x422: {  	v27 =	vperm.xlane v26, v3;
	_ =	sdelay $0x1  }
0x423: {  	v51 =	vperm.xlane v26, v5;
	v27 =	vadd.s32 v4, v27;
	_ =	sdelay $0x1  }
0x424: {  	s0 =	sld [smem:$0x6D8];
	v52 =	vperm.xlane v26, v6;
	v28 =	vadd.s32 v4, v51;
	_ =	sdelay $0x1  }
0x425: {  	s13 =	sld [smem:$0x6D9];
	v53 =	vperm.xlane v26, v7;
	v29 =	vadd.s32 v4, v52  }
0x426: {  	[tilespmem:s0], [sflag:$0x4] =	stream.indirect_vreg.gather [hbm4b:s4+s2], $0x80, v27, vm0, $0xb8;
	[tilespmem:$0x10400] =	vst v63  }
0x427: {  	v54 =	vperm.xlane v26, v8;
	s0 =	sld [smem:$0x6DA];
	v27 =	vadd.s32 v4, v53  }
0x428: {  	[tilespmem:s13], [sflag:$0x4] =	stream.indirect_vreg.gather [hbm4b:s4+s2], $0x80, v28, vm0, $0xb8;
	[tilespmem:$0x10400] =	vst v63  }
0x429: {  	v56 =	vperm.xlane v26, v2;
	v55 =	vadd.s32 v4, v54;
	s13 =	sld [smem:$0x6DB]  }
0x42a: {  	[tilespmem:s0], [sflag:$0x4] =	stream.indirect_vreg.gather [hbm4b:s4+s2], $0x80, v29, vm0, $0xb8;
	[tilespmem:$0x10400] =	vst v63  }
0x42b: {  	v58 =	vperm.xlane v26, v9;
	v57 =	vadd.s32 v4, v56;
	s0 =	sld [smem:$0x6DC]  }
0x42c: {  	[tilespmem:s13], [sflag:$0x4] =	stream.indirect_vreg.gather [hbm4b:s4+s2], $0x80, v27, vm0, $0xb8;
	[tilespmem:$0x10400] =	vst v63  }
0x42d: {  	v59 =	vperm.xlane v26, v1;
	s13 =	sld [smem:$0x6DD];
	v27 =	vadd.s32 v4, v58  }
0x42e: {  	[tilespmem:s0], [sflag:$0x4] =	stream.indirect_vreg.gather [hbm4b:s4+s2], $0x80, v55, vm0, $0xb8;
	[tilespmem:$0x10400] =	vst v63  }
0x42f: {  	v61 =	vperm.xlane v26, v10;
	v60 =	vadd.s32 v4, v59;
	s0 =	sld [smem:$0x6DE]  }
0x430: {  	[tilespmem:s13], [sflag:$0x4] =	stream.indirect_vreg.gather [hbm4b:s4+s2], $0x80, v57, vm0, $0xb8;
	[tilespmem:$0x10400] =	vst v63  }
0x431: {  	v63 =	vperm.xlane v26, v11;
	v62 =	vadd.s32 v4, v61;
	s13 =	sld [smem:$0x6DF]  }
0x432: {  	[tilespmem:s0], [sflag:$0x4] =	stream.indirect_vreg.gather [hbm4b:s4+s2], $0x80, v27, vm0, $0xb8;
	[tilespmem:$0x10400] =	vst v63  }
0x433: {  	v33 =	vperm.xlane v26, v12;
	s0 =	sld [smem:$0x6E0];
	v27 =	vadd.s32 v4, v63  }
0x434: {  	[tilespmem:s13], [sflag:$0x4] =	stream.indirect_vreg.gather [hbm4b:s4+s2], $0x80, v60, vm0, $0xb8;
	[tilespmem:$0x10400] =	vst v63  }
0x435: {  	v35 =	vperm.xlane v26, v14;
	v34 =	vadd.s32 v4, v33;
	s13 =	sld [smem:$0x6E1]  }
0x436: {  	[tilespmem:s0], [sflag:$0x4] =	stream.indirect_vreg.gather [hbm4b:s4+s2], $0x80, v62, vm0, $0xb8;
	[tilespmem:$0x10400] =	vst v63  }
0x437: {  	v37 =	vperm.xlane v26, v15;
	v36 =	vadd.s32 v4, v35;
	s0 =	sld [smem:$0x6E2]  }
0x438: {  	[tilespmem:s13], [sflag:$0x4] =	stream.indirect_vreg.gather [hbm4b:s4+s2], $0x80, v27, vm0, $0xb8;
	[tilespmem:$0x10400] =	vst v63  }
0x439: {  	v38 =	vperm.xlane v26, v16;
	s13 =	sld [smem:$0x6E3];
	v27 =	vadd.s32 v4, v37  }
0x43a: {  	[tilespmem:s0], [sflag:$0x4] =	stream.indirect_vreg.gather [hbm4b:s4+s2], $0x80, v34, vm0, $0xb8;
	[tilespmem:$0x10400] =	vst v63  }
0x43b: {  	v40 =	vperm.xlane v26, v17;
	v39 =	vadd.s32 v4, v38;
	s0 =	sld [smem:$0x6E4]  }
0x43c: {  	[tilespmem:s13], [sflag:$0x4] =	stream.indirect_vreg.gather [hbm4b:s4+s2], $0x80, v36, vm0, $0xb8;
	[tilespmem:$0x10400] =	vst v63  }
0x43d: {  	v26 =	vperm.xlane v26, v18;
	v41 =	vadd.s32 v4, v40;
	s13 =	sld [smem:$0x6E5]  }
0x43e: {  	[tilespmem:s0], [sflag:$0x4] =	stream.indirect_vreg.gather [hbm4b:s4+s2], $0x80, v27, vm0, $0xb8;
	[tilespmem:$0x10400] =	vst v63  }
0x43f: {  	v26 =	vadd.s32 v4, v26;
	s0 =	sld [smem:$0x6E6]  }
0x440: {  	[tilespmem:s13], [sflag:$0x4] =	stream.indirect_vreg.gather [hbm4b:s4+s2], $0x80, v39, vm0, $0xb8;
	[tilespmem:$0x10400] =	vst v63  }
0x441: {  	s13 =	sld [smem:$0x6E7]  }
0x442: {  	[tilespmem:s0], [sflag:$0x4] =	stream.indirect_vreg.gather [hbm4b:s4+s2], $0x80, v41, vm0, $0xb8;
	[tilespmem:$0x10400] =	vst v63  }
0x443: {  	_ = 	snop  }
0x444: {  	[tilespmem:s13], [sflag:$0x4] =	stream.indirect_vreg.gather [hbm4b:s4+s2], $0x80, v26, vm0, $0xb8;
	[tilespmem:$0x10400] =	vst v63  }
0x445: {  	v26 =	vld [tilespmem:$0xE0];
	_ =	sdelay $0x4  }
0x446: {  	v27 =	vshll.u32 v26, $0x5  }
0x447: {  	v26 =	vand.u32 $0x7, v26;
	v27 =	vand.u32 $0xFFFFFF00, v27  }
0x448: {  	v26 =	vor.u32 v26, v27  }
0x449: {  	v27 =	vperm.xlane v26, v3;
	_ =	sdelay $0x1  }
0x44a: {  	v42 =	vperm.xlane v26, v5;
	v27 =	vadd.s32 v4, v27;
	_ =	sdelay $0x1  }
0x44b: {  	s0 =	sld [smem:$0x6E8];
	v43 =	vperm.xlane v26, v6;
	v28 =	vadd.s32 v4, v42;
	_ =	sdelay $0x1  }
0x44c: {  	s13 =	sld [smem:$0x6E9];
	v44 =	vperm.xlane v26, v7;
	v29 =	vadd.s32 v4, v43  }
0x44d: {  	[tilespmem:s0], [sflag:$0x4] =	stream.indirect_vreg.gather [hbm4b:s4+s2], $0x80, v27, vm0, $0xb8;
	[tilespmem:$0x10400] =	vst v63  }
0x44e: {  	v45 =	vperm.xlane v26, v8;
	s0 =	sld [smem:$0x6EA];
	v27 =	vadd.s32 v4, v44  }
0x44f: {  	[tilespmem:s13], [sflag:$0x4] =	stream.indirect_vreg.gather [hbm4b:s4+s2], $0x80, v28, vm0, $0xb8;
	[tilespmem:$0x10400] =	vst v63  }
0x450: {  	v47 =	vperm.xlane v26, v2;
	v46 =	vadd.s32 v4, v45;
	s13 =	sld [smem:$0x6EB]  }
0x451: {  	[tilespmem:s0], [sflag:$0x4] =	stream.indirect_vreg.gather [hbm4b:s4+s2], $0x80, v29, vm0, $0xb8;
	[tilespmem:$0x10400] =	vst v63  }
0x452: {  	v49 =	vperm.xlane v26, v9;
	v48 =	vadd.s32 v4, v47;
	s0 =	sld [smem:$0x6EC]  }
0x453: {  	[tilespmem:s13], [sflag:$0x4] =	stream.indirect_vreg.gather [hbm4b:s4+s2], $0x80, v27, vm0, $0xb8;
	[tilespmem:$0x10400] =	vst v63  }
0x454: {  	v50 =	vperm.xlane v26, v1;
	s13 =	sld [smem:$0x6ED];
	v27 =	vadd.s32 v4, v49  }
0x455: {  	[tilespmem:s0], [sflag:$0x4] =	stream.indirect_vreg.gather [hbm4b:s4+s2], $0x80, v46, vm0, $0xb8;
	[tilespmem:$0x10400] =	vst v63  }
0x456: {  	v52 =	vperm.xlane v26, v10;
	v51 =	vadd.s32 v4, v50;
	s0 =	sld [smem:$0x6EE]  }
0x457: {  	[tilespmem:s13], [sflag:$0x4] =	stream.indirect_vreg.gather [hbm4b:s4+s2], $0x80, v48, vm0, $0xb8;
	[tilespmem:$0x10400] =	vst v63  }
0x458: {  	v54 =	vperm.xlane v26, v11;
	v53 =	vadd.s32 v4, v52;
	s13 =	sld [smem:$0x6EF]  }
0x459: {  	[tilespmem:s0], [sflag:$0x4] =	stream.indirect_vreg.gather [hbm4b:s4+s2], $0x80, v27, vm0, $0xb8;
	[tilespmem:$0x10400] =	vst v63  }
0x45a: {  	v55 =	vperm.xlane v26, v12;
	s0 =	sld [smem:$0x6F0];
	v27 =	vadd.s32 v4, v54  }
0x45b: {  	[tilespmem:s13], [sflag:$0x4] =	stream.indirect_vreg.gather [hbm4b:s4+s2], $0x80, v51, vm0, $0xb8;
	[tilespmem:$0x10400] =	vst v63  }
0x45c: {  	v57 =	vperm.xlane v26, v14;
	v56 =	vadd.s32 v4, v55;
	s13 =	sld [smem:$0x6F1]  }
0x45d: {  	[tilespmem:s0], [sflag:$0x4] =	stream.indirect_vreg.gather [hbm4b:s4+s2], $0x80, v53, vm0, $0xb8;
	[tilespmem:$0x10400] =	vst v63  }
0x45e: {  	v59 =	vperm.xlane v26, v15;
	v58 =	vadd.s32 v4, v57;
	s0 =	sld [smem:$0x6F2]  }
0x45f: {  	[tilespmem:s13], [sflag:$0x4] =	stream.indirect_vreg.gather [hbm4b:s4+s2], $0x80, v27, vm0, $0xb8;
	[tilespmem:$0x10400] =	vst v63  }
0x460: {  	v60 =	vperm.xlane v26, v16;
	s13 =	sld [smem:$0x6F3];
	v27 =	vadd.s32 v4, v59  }
0x461: {  	[tilespmem:s0], [sflag:$0x4] =	stream.indirect_vreg.gather [hbm4b:s4+s2], $0x80, v56, vm0, $0xb8;
	[tilespmem:$0x10400] =	vst v63  }
0x462: {  	v62 =	vperm.xlane v26, v17;
	v61 =	vadd.s32 v4, v60;
	s0 =	sld [smem:$0x6F4]  }
0x463: {  	[tilespmem:s13], [sflag:$0x4] =	stream.indirect_vreg.gather [hbm4b:s4+s2], $0x80, v58, vm0, $0xb8;
	[tilespmem:$0x10400] =	vst v63  }
0x464: {  	v26 =	vperm.xlane v26, v18;
	v63 =	vadd.s32 v4, v62;
	s13 =	sld [smem:$0x6F5]  }
0x465: {  	[tilespmem:s0], [sflag:$0x4] =	stream.indirect_vreg.gather [hbm4b:s4+s2], $0x80, v27, vm0, $0xb8;
	[tilespmem:$0x10400] =	vst v63  }
0x466: {  	v26 =	vadd.s32 v4, v26;
	s0 =	sld [smem:$0x6F6]  }
0x467: {  	[tilespmem:s13], [sflag:$0x4] =	stream.indirect_vreg.gather [hbm4b:s4+s2], $0x80, v61, vm0, $0xb8;
	[tilespmem:$0x10400] =	vst v63  }
0x468: {  	s13 =	sld [smem:$0x6F7]  }
0x469: {  	[tilespmem:s0], [sflag:$0x4] =	stream.indirect_vreg.gather [hbm4b:s4+s2], $0x80, v63, vm0, $0xb8;
	[tilespmem:$0x10400] =	vst v63  }
0x46a: {  	_ = 	snop  }
0x46b: {  	[tilespmem:s13], [sflag:$0x4] =	stream.indirect_vreg.gather [hbm4b:s4+s2], $0x80, v26, vm0, $0xb8;
	[tilespmem:$0x10400] =	vst v63  }
0x46c: {  	v26 =	vld [tilespmem:$0xF0];
	_ =	sdelay $0x4  }
0x46d: {  	v27 =	vshll.u32 v26, $0x5  }
0x46e: {  	v26 =	vand.u32 $0x7, v26;
	v27 =	vand.u32 $0xFFFFFF00, v27  }
0x46f: {  	v26 =	vor.u32 v26, v27  }
0x470: {  	v27 =	vperm.xlane v26, v3;
	_ =	sdelay $0x1  }
0x471: {  	v32 =	vperm.xlane v26, v5;
	v27 =	vadd.s32 v4, v27;
	_ =	sdelay $0x1  }
0x472: {  	s0 =	sld [smem:$0x6F8];
	v33 =	vperm.xlane v26, v6;
	v28 =	vadd.s32 v4, v32;
	_ =	sdelay $0x1  }
0x473: {  	s13 =	sld [smem:$0x6F9];
	v34 =	vperm.xlane v26, v7;
	v29 =	vadd.s32 v4, v33  }
0x474: {  	[tilespmem:s0], [sflag:$0x4] =	stream.indirect_vreg.gather [hbm4b:s4+s2], $0x80, v27, vm0, $0xb8;
	[tilespmem:$0x10400] =	vst v63  }
0x475: {  	v35 =	vperm.xlane v26, v8;
	s0 =	sld [smem:$0x6FA];
	v27 =	vadd.s32 v4, v34  }
0x476: {  	[tilespmem:s13], [sflag:$0x4] =	stream.indirect_vreg.gather [hbm4b:s4+s2], $0x80, v28, vm0, $0xb8;
	[tilespmem:$0x10400] =	vst v63  }
0x477: {  	v37 =	vperm.xlane v26, v2;
	v36 =	vadd.s32 v4, v35;
	s13 =	sld [smem:$0x6FB]  }
0x478: {  	[tilespmem:s0], [sflag:$0x4] =	stream.indirect_vreg.gather [hbm4b:s4+s2], $0x80, v29, vm0, $0xb8;
	[tilespmem:$0x10400] =	vst v63  }
0x479: {  	v39 =	vperm.xlane v26, v9;
	v38 =	vadd.s32 v4, v37;
	s0 =	sld [smem:$0x6FC]  }
0x47a: {  	[tilespmem:s13], [sflag:$0x4] =	stream.indirect_vreg.gather [hbm4b:s4+s2], $0x80, v27, vm0, $0xb8;
	[tilespmem:$0x10400] =	vst v63  }
0x47b: {  	v40 =	vperm.xlane v26, v1;
	s13 =	sld [smem:$0x6FD];
	v27 =	vadd.s32 v4, v39  }
0x47c: {  	[tilespmem:s0], [sflag:$0x4] =	stream.indirect_vreg.gather [hbm4b:s4+s2], $0x80, v36, vm0, $0xb8;
	[tilespmem:$0x10400] =	vst v63  }
0x47d: {  	v42 =	vperm.xlane v26, v10;
	v41 =	vadd.s32 v4, v40;
	s0 =	sld [smem:$0x6FE]  }
0x47e: {  	[tilespmem:s13], [sflag:$0x4] =	stream.indirect_vreg.gather [hbm4b:s4+s2], $0x80, v38, vm0, $0xb8;
	[tilespmem:$0x10400] =	vst v63  }
0x47f: {  	v44 =	vperm.xlane v26, v11;
	v43 =	vadd.s32 v4, v42;
	s13 =	sld [smem:$0x6FF]  }
0x480: {  	[tilespmem:s0], [sflag:$0x4] =	stream.indirect_vreg.gather [hbm4b:s4+s2], $0x80, v27, vm0, $0xb8;
	[tilespmem:$0x10400] =	vst v63  }
0x481: {  	v45 =	vperm.xlane v26, v12;
	s0 =	sld [smem:$0x700];
	v27 =	vadd.s32 v4, v44  }
0x482: {  	[tilespmem:s13], [sflag:$0x4] =	stream.indirect_vreg.gather [hbm4b:s4+s2], $0x80, v41, vm0, $0xb8;
	[tilespmem:$0x10400] =	vst v63  }
0x483: {  	v47 =	vperm.xlane v26, v14;
	v46 =	vadd.s32 v4, v45;
	s13 =	sld [smem:$0x701]  }
0x484: {  	[tilespmem:s0], [sflag:$0x4] =	stream.indirect_vreg.gather [hbm4b:s4+s2], $0x80, v43, vm0, $0xb8;
	[tilespmem:$0x10400] =	vst v63  }
0x485: {  	v49 =	vperm.xlane v26, v15;
	v48 =	vadd.s32 v4, v47;
	s0 =	sld [smem:$0x702]  }
0x486: {  	[tilespmem:s13], [sflag:$0x4] =	stream.indirect_vreg.gather [hbm4b:s4+s2], $0x80, v27, vm0, $0xb8;
	[tilespmem:$0x10400] =	vst v63  }
0x487: {  	v50 =	vperm.xlane v26, v16;
	s13 =	sld [smem:$0x703];
	v27 =	vadd.s32 v4, v49  }
0x488: {  	[tilespmem:s0], [sflag:$0x4] =	stream.indirect_vreg.gather [hbm4b:s4+s2], $0x80, v46, vm0, $0xb8;
	[tilespmem:$0x10400] =	vst v63  }
0x489: {  	v52 =	vperm.xlane v26, v17;
	v51 =	vadd.s32 v4, v50;
	s0 =	sld [smem:$0x704]  }
0x48a: {  	[tilespmem:s13], [sflag:$0x4] =	stream.indirect_vreg.gather [hbm4b:s4+s2], $0x80, v48, vm0, $0xb8;
	[tilespmem:$0x10400] =	vst v63  }
0x48b: {  	v26 =	vperm.xlane v26, v18;
	v53 =	vadd.s32 v4, v52;
	s13 =	sld [smem:$0x705]  }
0x48c: {  	[tilespmem:s0], [sflag:$0x4] =	stream.indirect_vreg.gather [hbm4b:s4+s2], $0x80, v27, vm0, $0xb8;
	[tilespmem:$0x10400] =	vst v63  }
0x48d: {  	v26 =	vadd.s32 v4, v26;
	s0 =	sld [smem:$0x706]  }
0x48e: {  	[tilespmem:s13], [sflag:$0x4] =	stream.indirect_vreg.gather [hbm4b:s4+s2], $0x80, v51, vm0, $0xb8;
	[tilespmem:$0x10400] =	vst v63  }
0x48f: {  	s13 =	sld [smem:$0x707]  }
0x490: {  	[tilespmem:s0], [sflag:$0x4] =	stream.indirect_vreg.gather [hbm4b:s4+s2], $0x80, v53, vm0, $0xb8;
	[tilespmem:$0x10400] =	vst v63  }
0x491: {  	_ = 	snop  }
0x492: {  	[tilespmem:s13], [sflag:$0x4] =	stream.indirect_vreg.gather [hbm4b:s4+s2], $0x80, v26, vm0, $0xb8;
	[tilespmem:$0x10400] =	vst v63  }
0x493: {  	v26 =	vld [tilespmem:$0x100];
	_ =	sdelay $0x4  }
0x494: {  	v27 =	vshll.u32 v26, $0x5  }
0x495: {  	v26 =	vand.u32 $0x7, v26;
	v27 =	vand.u32 $0xFFFFFF00, v27  }
0x496: {  	v26 =	vor.u32 v26, v27  }
0x497: {  	v27 =	vperm.xlane v26, v3;
	_ =	sdelay $0x1  }
0x498: {  	v54 =	vperm.xlane v26, v5;
	v27 =	vadd.s32 v4, v27;
	_ =	sdelay $0x1  }
0x499: {  	v55 =	vperm.xlane v26, v6;
	v28 =	vadd.s32 v4, v54;
	_ =	sdelay $0x1  }
0x49a: {  	s0 =	sld [smem:$0x708];
	v56 =	vperm.xlane v26, v7;
	v29 =	vadd.s32 v4, v55  }
0x49b: {  	[tilespmem:s12], [sflag:$0x5] =	stream.indirect_vreg.gather [hbm4b:s5+s2], $0x80, v27, vm0, $0xb8;
	[tilespmem:$0x10400] =	vst v63  }
0x49c: {  	s13 =	sld [smem:$0x709];
	v57 =	vperm.xlane v26, v8;
	v27 =	vadd.s32 v4, v56  }
0x49d: {  	[tilespmem:s0], [sflag:$0x5] =	stream.indirect_vreg.gather [hbm4b:s5+s2], $0x80, v28, vm0, $0xb8;
	[tilespmem:$0x10400] =	vst v63  }
0x49e: {  	v59 =	vperm.xlane v26, v2;
	v58 =	vadd.s32 v4, v57;
	s0 =	sld [smem:$0x716]  }
0x49f: {  	[tilespmem:s13], [sflag:$0x5] =	stream.indirect_vreg.gather [hbm4b:s5+s2], $0x80, v29, vm0, $0xb8;
	[tilespmem:$0x10400] =	vst v63  }
0x4a0: {  	v61 =	vperm.xlane v26, v9;
	v60 =	vadd.s32 v4, v59;
	s13 =	sld [smem:$0x71B]  }
0x4a1: {  	[tilespmem:s0], [sflag:$0x5] =	stream.indirect_vreg.gather [hbm4b:s5+s2], $0x80, v27, vm0, $0xb8;
	[tilespmem:$0x10400] =	vst v63  }
0x4a2: {  	v62 =	vperm.xlane v26, v1;
	s0 =	sld [smem:$0x71C];
	v27 =	vadd.s32 v4, v61  }
0x4a3: {  	[tilespmem:s13], [sflag:$0x5] =	stream.indirect_vreg.gather [hbm4b:s5+s2], $0x80, v58, vm0, $0xb8;
	[tilespmem:$0x10400] =	vst v63  }
0x4a4: {  	v33 =	vperm.xlane v26, v10;
	v63 =	vadd.s32 v4, v62;
	s13 =	sld [smem:$0x71D]  }
0x4a5: {  	[tilespmem:s0], [sflag:$0x5] =	stream.indirect_vreg.gather [hbm4b:s5+s2], $0x80, v60, vm0, $0xb8;
	[tilespmem:$0x10400] =	vst v63  }
0x4a6: {  	v35 =	vperm.xlane v26, v11;
	v34 =	vadd.s32 v4, v33;
	s0 =	sld [smem:$0x71E]  }
0x4a7: {  	[tilespmem:s13], [sflag:$0x5] =	stream.indirect_vreg.gather [hbm4b:s5+s2], $0x80, v27, vm0, $0xb8;
	[tilespmem:$0x10400] =	vst v63  }
0x4a8: {  	v36 =	vperm.xlane v26, v12;
	s13 =	sld [smem:$0x71F];
	v27 =	vadd.s32 v4, v35  }
0x4a9: {  	[tilespmem:s0], [sflag:$0x5] =	stream.indirect_vreg.gather [hbm4b:s5+s2], $0x80, v63, vm0, $0xb8;
	[tilespmem:$0x10400] =	vst v63  }
0x4aa: {  	v38 =	vperm.xlane v26, v14;
	v37 =	vadd.s32 v4, v36;
	s0 =	sld [smem:$0x720]  }
0x4ab: {  	[tilespmem:s13], [sflag:$0x5] =	stream.indirect_vreg.gather [hbm4b:s5+s2], $0x80, v34, vm0, $0xb8;
	[tilespmem:$0x10400] =	vst v63  }
0x4ac: {  	v40 =	vperm.xlane v26, v15;
	v39 =	vadd.s32 v4, v38;
	s13 =	sld [smem:$0x721]  }
0x4ad: {  	[tilespmem:s0], [sflag:$0x5] =	stream.indirect_vreg.gather [hbm4b:s5+s2], $0x80, v27, vm0, $0xb8;
	[tilespmem:$0x10400] =	vst v63  }
0x4ae: {  	v41 =	vperm.xlane v26, v16;
	s0 =	sld [smem:$0x722];
	v27 =	vadd.s32 v4, v40  }
0x4af: {  	[tilespmem:s13], [sflag:$0x5] =	stream.indirect_vreg.gather [hbm4b:s5+s2], $0x80, v37, vm0, $0xb8;
	[tilespmem:$0x10400] =	vst v63  }
0x4b0: {  	v43 =	vperm.xlane v26, v17;
	v42 =	vadd.s32 v4, v41;
	s13 =	sld [smem:$0x723]  }
0x4b1: {  	[tilespmem:s0], [sflag:$0x5] =	stream.indirect_vreg.gather [hbm4b:s5+s2], $0x80, v39, vm0, $0xb8;
	[tilespmem:$0x10400] =	vst v63  }
0x4b2: {  	v26 =	vperm.xlane v26, v18;
	v44 =	vadd.s32 v4, v43;
	s0 =	sld [smem:$0x724]  }
0x4b3: {  	[tilespmem:s13], [sflag:$0x5] =	stream.indirect_vreg.gather [hbm4b:s5+s2], $0x80, v27, vm0, $0xb8;
	[tilespmem:$0x10400] =	vst v63  }
0x4b4: {  	v26 =	vadd.s32 v4, v26;
	s13 =	sld [smem:$0x70A]  }
0x4b5: {  	[tilespmem:s0], [sflag:$0x5] =	stream.indirect_vreg.gather [hbm4b:s5+s2], $0x80, v42, vm0, $0xb8;
	[tilespmem:$0x10400] =	vst v63  }
0x4b6: {  	s0 =	sld [smem:$0x70B]  }
0x4b7: {  	[tilespmem:s13], [sflag:$0x5] =	stream.indirect_vreg.gather [hbm4b:s5+s2], $0x80, v44, vm0, $0xb8;
	[tilespmem:$0x10400] =	vst v63  }
0x4b8: {  	_ = 	snop  }
0x4b9: {  	[tilespmem:s0], [sflag:$0x5] =	stream.indirect_vreg.gather [hbm4b:s5+s2], $0x80, v26, vm0, $0xb8;
	[tilespmem:$0x10400] =	vst v63  }
0x4ba: {  	v26 =	vld [tilespmem:$0x110];
	_ =	sdelay $0x4  }
0x4bb: {  	v27 =	vshll.u32 v26, $0x5  }
0x4bc: {  	v26 =	vand.u32 $0x7, v26;
	v27 =	vand.u32 $0xFFFFFF00, v27  }
0x4bd: {  	v26 =	vor.u32 v26, v27  }
0x4be: {  	v27 =	vperm.xlane v26, v3;
	_ =	sdelay $0x1  }
0x4bf: {  	v45 =	vperm.xlane v26, v5;
	v27 =	vadd.s32 v4, v27;
	_ =	sdelay $0x1  }
0x4c0: {  	s0 =	sld [smem:$0x725];
	v46 =	vperm.xlane v26, v6;
	v28 =	vadd.s32 v4, v45;
	_ =	sdelay $0x1  }
0x4c1: {  	s13 =	sld [smem:$0x70C];
	v47 =	vperm.xlane v26, v7;
	v29 =	vadd.s32 v4, v46  }
0x4c2: {  	[tilespmem:s0], [sflag:$0x5] =	stream.indirect_vreg.gather [hbm4b:s5+s2], $0x80, v27, vm0, $0xb8;
	[tilespmem:$0x10400] =	vst v63  }
0x4c3: {  	v48 =	vperm.xlane v26, v8;
	s0 =	sld [smem:$0x70D];
	v27 =	vadd.s32 v4, v47  }
0x4c4: {  	[tilespmem:s13], [sflag:$0x5] =	stream.indirect_vreg.gather [hbm4b:s5+s2], $0x80, v28, vm0, $0xb8;
	[tilespmem:$0x10400] =	vst v63  }
0x4c5: {  	v50 =	vperm.xlane v26, v2;
	v49 =	vadd.s32 v4, v48;
	s13 =	sld [smem:$0x70E]  }
0x4c6: {  	[tilespmem:s0], [sflag:$0x5] =	stream.indirect_vreg.gather [hbm4b:s5+s2], $0x80, v29, vm0, $0xb8;
	[tilespmem:$0x10400] =	vst v63  }
0x4c7: {  	v52 =	vperm.xlane v26, v9;
	v51 =	vadd.s32 v4, v50;
	s0 =	sld [smem:$0x70F]  }
0x4c8: {  	[tilespmem:s13], [sflag:$0x5] =	stream.indirect_vreg.gather [hbm4b:s5+s2], $0x80, v27, vm0, $0xb8;
	[tilespmem:$0x10400] =	vst v63  }
0x4c9: {  	v53 =	vperm.xlane v26, v1;
	s13 =	sld [smem:$0x710];
	v27 =	vadd.s32 v4, v52  }
0x4ca: {  	[tilespmem:s0], [sflag:$0x5] =	stream.indirect_vreg.gather [hbm4b:s5+s2], $0x80, v49, vm0, $0xb8;
	[tilespmem:$0x10400] =	vst v63  }
0x4cb: {  	v55 =	vperm.xlane v26, v10;
	v54 =	vadd.s32 v4, v53;
	s0 =	sld [smem:$0x711]  }
0x4cc: {  	[tilespmem:s13], [sflag:$0x5] =	stream.indirect_vreg.gather [hbm4b:s5+s2], $0x80, v51, vm0, $0xb8;
	[tilespmem:$0x10400] =	vst v63  }
0x4cd: {  	v57 =	vperm.xlane v26, v11;
	v56 =	vadd.s32 v4, v55;
	s13 =	sld [smem:$0x712]  }
0x4ce: {  	[tilespmem:s0], [sflag:$0x5] =	stream.indirect_vreg.gather [hbm4b:s5+s2], $0x80, v27, vm0, $0xb8;
	[tilespmem:$0x10400] =	vst v63  }
0x4cf: {  	v58 =	vperm.xlane v26, v12;
	s0 =	sld [smem:$0x713];
	v27 =	vadd.s32 v4, v57  }
0x4d0: {  	[tilespmem:s13], [sflag:$0x5] =	stream.indirect_vreg.gather [hbm4b:s5+s2], $0x80, v54, vm0, $0xb8;
	[tilespmem:$0x10400] =	vst v63  }
0x4d1: {  	v60 =	vperm.xlane v26, v14;
	v59 =	vadd.s32 v4, v58;
	s13 =	sld [smem:$0x714]  }
0x4d2: {  	[tilespmem:s0], [sflag:$0x5] =	stream.indirect_vreg.gather [hbm4b:s5+s2], $0x80, v56, vm0, $0xb8;
	[tilespmem:$0x10400] =	vst v63  }
0x4d3: {  	v62 =	vperm.xlane v26, v15;
	v61 =	vadd.s32 v4, v60;
	s0 =	sld [smem:$0x715]  }
0x4d4: {  	[tilespmem:s13], [sflag:$0x5] =	stream.indirect_vreg.gather [hbm4b:s5+s2], $0x80, v27, vm0, $0xb8;
	[tilespmem:$0x10400] =	vst v63  }
0x4d5: {  	v63 =	vperm.xlane v26, v16;
	s13 =	sld [smem:$0x726];
	v27 =	vadd.s32 v4, v62  }
0x4d6: {  	[tilespmem:s0], [sflag:$0x5] =	stream.indirect_vreg.gather [hbm4b:s5+s2], $0x80, v59, vm0, $0xb8;
	[tilespmem:$0x10400] =	vst v63  }
0x4d7: {  	v34 =	vperm.xlane v26, v17;
	v33 =	vadd.s32 v4, v63;
	s0 =	sld [smem:$0x727]  }
0x4d8: {  	[tilespmem:s13], [sflag:$0x5] =	stream.indirect_vreg.gather [hbm4b:s5+s2], $0x80, v61, vm0, $0xb8;
	[tilespmem:$0x10400] =	vst v63  }
0x4d9: {  	v26 =	vperm.xlane v26, v18;
	v35 =	vadd.s32 v4, v34;
	s13 =	sld [smem:$0x728]  }
0x4da: {  	[tilespmem:s0], [sflag:$0x5] =	stream.indirect_vreg.gather [hbm4b:s5+s2], $0x80, v27, vm0, $0xb8;
	[tilespmem:$0x10400] =	vst v63  }
0x4db: {  	v26 =	vadd.s32 v4, v26;
	s0 =	sld [smem:$0x729]  }
0x4dc: {  	[tilespmem:s13], [sflag:$0x5] =	stream.indirect_vreg.gather [hbm4b:s5+s2], $0x80, v33, vm0, $0xb8;
	[tilespmem:$0x10400] =	vst v63  }
0x4dd: {  	s13 =	sld [smem:$0x72A]  }
0x4de: {  	[tilespmem:s0], [sflag:$0x5] =	stream.indirect_vreg.gather [hbm4b:s5+s2], $0x80, v35, vm0, $0xb8;
	[tilespmem:$0x10400] =	vst v63  }
0x4df: {  	_ = 	snop  }
0x4e0: {  	[tilespmem:s13], [sflag:$0x5] =	stream.indirect_vreg.gather [hbm4b:s5+s2], $0x80, v26, vm0, $0xb8;
	[tilespmem:$0x10400] =	vst v63  }
0x4e1: {  	v26 =	vld [tilespmem:$0x120];
	_ =	sdelay $0x4  }
0x4e2: {  	v27 =	vshll.u32 v26, $0x5  }
0x4e3: {  	v26 =	vand.u32 $0x7, v26;
	v27 =	vand.u32 $0xFFFFFF00, v27  }
0x4e4: {  	v26 =	vor.u32 v26, v27  }
0x4e5: {  	v27 =	vperm.xlane v26, v3;
	_ =	sdelay $0x1  }
0x4e6: {  	v36 =	vperm.xlane v26, v5;
	v27 =	vadd.s32 v4, v27;
	_ =	sdelay $0x1  }
0x4e7: {  	s0 =	sld [smem:$0x72B];
	v37 =	vperm.xlane v26, v6;
	v28 =	vadd.s32 v4, v36;
	_ =	sdelay $0x1  }
0x4e8: {  	s13 =	sld [smem:$0x72C];
	v38 =	vperm.xlane v26, v7;
	v29 =	vadd.s32 v4, v37  }
0x4e9: {  	[tilespmem:s0], [sflag:$0x5] =	stream.indirect_vreg.gather [hbm4b:s5+s2], $0x80, v27, vm0, $0xb8;
	[tilespmem:$0x10400] =	vst v63  }
0x4ea: {  	v39 =	vperm.xlane v26, v8;
	s0 =	sld [smem:$0x72D];
	v27 =	vadd.s32 v4, v38  }
0x4eb: {  	[tilespmem:s13], [sflag:$0x5] =	stream.indirect_vreg.gather [hbm4b:s5+s2], $0x80, v28, vm0, $0xb8;
	[tilespmem:$0x10400] =	vst v63  }
0x4ec: {  	v41 =	vperm.xlane v26, v2;
	v40 =	vadd.s32 v4, v39;
	s13 =	sld [smem:$0x72E]  }
0x4ed: {  	[tilespmem:s0], [sflag:$0x5] =	stream.indirect_vreg.gather [hbm4b:s5+s2], $0x80, v29, vm0, $0xb8;
	[tilespmem:$0x10400] =	vst v63  }
0x4ee: {  	v43 =	vperm.xlane v26, v9;
	v42 =	vadd.s32 v4, v41;
	s0 =	sld [smem:$0x72F]  }
0x4ef: {  	[tilespmem:s13], [sflag:$0x5] =	stream.indirect_vreg.gather [hbm4b:s5+s2], $0x80, v27, vm0, $0xb8;
	[tilespmem:$0x10400] =	vst v63  }
0x4f0: {  	v44 =	vperm.xlane v26, v1;
	s13 =	sld [smem:$0x730];
	v27 =	vadd.s32 v4, v43  }
0x4f1: {  	[tilespmem:s0], [sflag:$0x5] =	stream.indirect_vreg.gather [hbm4b:s5+s2], $0x80, v40, vm0, $0xb8;
	[tilespmem:$0x10400] =	vst v63  }
0x4f2: {  	v46 =	vperm.xlane v26, v10;
	v45 =	vadd.s32 v4, v44;
	s0 =	sld [smem:$0x731]  }
0x4f3: {  	[tilespmem:s13], [sflag:$0x5] =	stream.indirect_vreg.gather [hbm4b:s5+s2], $0x80, v42, vm0, $0xb8;
	[tilespmem:$0x10400] =	vst v63  }
0x4f4: {  	v48 =	vperm.xlane v26, v11;
	v47 =	vadd.s32 v4, v46;
	s13 =	sld [smem:$0x732]  }
0x4f5: {  	[tilespmem:s0], [sflag:$0x5] =	stream.indirect_vreg.gather [hbm4b:s5+s2], $0x80, v27, vm0, $0xb8;
	[tilespmem:$0x10400] =	vst v63  }
0x4f6: {  	v49 =	vperm.xlane v26, v12;
	s0 =	sld [smem:$0x733];
	v27 =	vadd.s32 v4, v48  }
0x4f7: {  	[tilespmem:s13], [sflag:$0x5] =	stream.indirect_vreg.gather [hbm4b:s5+s2], $0x80, v45, vm0, $0xb8;
	[tilespmem:$0x10400] =	vst v63  }
0x4f8: {  	v51 =	vperm.xlane v26, v14;
	v50 =	vadd.s32 v4, v49;
	s13 =	sld [smem:$0x734]  }
0x4f9: {  	[tilespmem:s0], [sflag:$0x5] =	stream.indirect_vreg.gather [hbm4b:s5+s2], $0x80, v47, vm0, $0xb8;
	[tilespmem:$0x10400] =	vst v63  }
0x4fa: {  	v53 =	vperm.xlane v26, v15;
	v52 =	vadd.s32 v4, v51;
	s0 =	sld [smem:$0x735]  }
0x4fb: {  	[tilespmem:s13], [sflag:$0x5] =	stream.indirect_vreg.gather [hbm4b:s5+s2], $0x80, v27, vm0, $0xb8;
	[tilespmem:$0x10400] =	vst v63  }
0x4fc: {  	v54 =	vperm.xlane v26, v16;
	s13 =	sld [smem:$0x736];
	v27 =	vadd.s32 v4, v53  }
0x4fd: {  	[tilespmem:s0], [sflag:$0x5] =	stream.indirect_vreg.gather [hbm4b:s5+s2], $0x80, v50, vm0, $0xb8;
	[tilespmem:$0x10400] =	vst v63  }
0x4fe: {  	v56 =	vperm.xlane v26, v17;
	v55 =	vadd.s32 v4, v54;
	s0 =	sld [smem:$0x737]  }
0x4ff: {  	[tilespmem:s13], [sflag:$0x5] =	stream.indirect_vreg.gather [hbm4b:s5+s2], $0x80, v52, vm0, $0xb8;
	[tilespmem:$0x10400] =	vst v63  }
0x500: {  	v26 =	vperm.xlane v26, v18;
	v57 =	vadd.s32 v4, v56;
	s13 =	sld [smem:$0x738]  }
0x501: {  	[tilespmem:s0], [sflag:$0x5] =	stream.indirect_vreg.gather [hbm4b:s5+s2], $0x80, v27, vm0, $0xb8;
	[tilespmem:$0x10400] =	vst v63  }
0x502: {  	v26 =	vadd.s32 v4, v26;
	s0 =	sld [smem:$0x739]  }
0x503: {  	[tilespmem:s13], [sflag:$0x5] =	stream.indirect_vreg.gather [hbm4b:s5+s2], $0x80, v55, vm0, $0xb8;
	[tilespmem:$0x10400] =	vst v63  }
0x504: {  	s13 =	sld [smem:$0x73A]  }
0x505: {  	[tilespmem:s0], [sflag:$0x5] =	stream.indirect_vreg.gather [hbm4b:s5+s2], $0x80, v57, vm0, $0xb8;
	[tilespmem:$0x10400] =	vst v63  }
0x506: {  	_ = 	snop  }
0x507: {  	[tilespmem:s13], [sflag:$0x5] =	stream.indirect_vreg.gather [hbm4b:s5+s2], $0x80, v26, vm0, $0xb8;
	[tilespmem:$0x10400] =	vst v63  }
0x508: {  	v26 =	vld [tilespmem:$0x130];
	_ =	sdelay $0x4  }
0x509: {  	v27 =	vshll.u32 v26, $0x5  }
0x50a: {  	v26 =	vand.u32 $0x7, v26;
	v27 =	vand.u32 $0xFFFFFF00, v27  }
0x50b: {  	v26 =	vor.u32 v26, v27  }
0x50c: {  	v27 =	vperm.xlane v26, v3;
	_ =	sdelay $0x1  }
0x50d: {  	v58 =	vperm.xlane v26, v5;
	v27 =	vadd.s32 v4, v27;
	_ =	sdelay $0x1  }
0x50e: {  	s0 =	sld [smem:$0x73B];
	v28 =	vadd.s32 v4, v58;
	_ =	sdelay $0x1  }
0x50f: {  	s13 =	sld [smem:$0x73C];
	v59 =	vperm.xlane v26, v6  }
0x510: {  	[tilespmem:s0], [sflag:$0x5] =	stream.indirect_vreg.gather [hbm4b:s5+s2], $0x80, v27, vm0, $0xb8;
	[tilespmem:$0x10400] =	vst v63  }
0x511: {  	v60 =	vperm.xlane v26, v7;
	v27 =	vadd.s32 v4, v59  }
0x512: {  	[tilespmem:s13], [sflag:$0x5] =	stream.indirect_vreg.gather [hbm4b:s5+s2], $0x80, v28, vm0, $0xb8;
	[tilespmem:$0x10400] =	vst v63  }
0x513: {  	v62 =	vperm.xlane v26, v8;
	v61 =	vadd.s32 v4, v60;
	s0 =	sld [smem:$0x73D];
	_ =	sdelay $0x1  }
0x514: {  	v63 =	vperm.xlane v26, v2;
	v29 =	vadd.s32 v4, v62;
	s13 =	sld [smem:$0x73E]  }
0x515: {  	[tilespmem:s0], [sflag:$0x5] =	stream.indirect_vreg.gather [hbm4b:s5+s2], $0x80, v27, vm0, $0xb8;
	[tilespmem:$0x10400] =	vst v63  }
0x516: {  	v33 =	vperm.xlane v26, v9;
	s0 =	sld [smem:$0x73F];
	v27 =	vadd.s32 v4, v63  }
0x517: {  	[tilespmem:s13], [sflag:$0x5] =	stream.indirect_vreg.gather [hbm4b:s5+s2], $0x80, v61, vm0, $0xb8;
	[tilespmem:$0x10400] =	vst v63  }
0x518: {  	v35 =	vperm.xlane v26, v1;
	v34 =	vadd.s32 v4, v33;
	s13 =	sld [smem:$0x740]  }
0x519: {  	[tilespmem:s0], [sflag:$0x5] =	stream.indirect_vreg.gather [hbm4b:s5+s2], $0x80, v29, vm0, $0xb8;
	[tilespmem:$0x10400] =	vst v63  }
0x51a: {  	v37 =	vperm.xlane v26, v10;
	v36 =	vadd.s32 v4, v35;
	s0 =	sld [smem:$0x741]  }
0x51b: {  	[tilespmem:s13], [sflag:$0x5] =	stream.indirect_vreg.gather [hbm4b:s5+s2], $0x80, v27, vm0, $0xb8;
	[tilespmem:$0x10400] =	vst v63  }
0x51c: {  	v38 =	vperm.xlane v26, v11;
	s13 =	sld [smem:$0x742];
	v27 =	vadd.s32 v4, v37  }
0x51d: {  	[tilespmem:s0], [sflag:$0x5] =	stream.indirect_vreg.gather [hbm4b:s5+s2], $0x80, v34, vm0, $0xb8;
	[tilespmem:$0x10400] =	vst v63  }
0x51e: {  	v40 =	vperm.xlane v26, v12;
	v39 =	vadd.s32 v4, v38;
	s0 =	sld [smem:$0x743]  }
0x51f: {  	[tilespmem:s13], [sflag:$0x5] =	stream.indirect_vreg.gather [hbm4b:s5+s2], $0x80, v36, vm0, $0xb8;
	[tilespmem:$0x10400] =	vst v63  }
0x520: {  	v42 =	vperm.xlane v26, v14;
	v41 =	vadd.s32 v4, v40;
	s13 =	sld [smem:$0x744]  }
0x521: {  	[tilespmem:s0], [sflag:$0x5] =	stream.indirect_vreg.gather [hbm4b:s5+s2], $0x80, v27, vm0, $0xb8;
	[tilespmem:$0x10400] =	vst v63  }
0x522: {  	v43 =	vperm.xlane v26, v15;
	s0 =	sld [smem:$0x745];
	v27 =	vadd.s32 v4, v42  }
0x523: {  	[tilespmem:s13], [sflag:$0x5] =	stream.indirect_vreg.gather [hbm4b:s5+s2], $0x80, v39, vm0, $0xb8;
	[tilespmem:$0x10400] =	vst v63  }
0x524: {  	v45 =	vperm.xlane v26, v16;
	v44 =	vadd.s32 v4, v43;
	s13 =	sld [smem:$0x746]  }
0x525: {  	[tilespmem:s0], [sflag:$0x5] =	stream.indirect_vreg.gather [hbm4b:s5+s2], $0x80, v41, vm0, $0xb8;
	[tilespmem:$0x10400] =	vst v63  }
0x526: {  	v47 =	vperm.xlane v26, v17;
	v46 =	vadd.s32 v4, v45;
	s0 =	sld [smem:$0x747]  }
0x527: {  	[tilespmem:s13], [sflag:$0x5] =	stream.indirect_vreg.gather [hbm4b:s5+s2], $0x80, v27, vm0, $0xb8;
	[tilespmem:$0x10400] =	vst v63  }
0x528: {  	v26 =	vperm.xlane v26, v18;
	s13 =	sld [smem:$0x748];
	v27 =	vadd.s32 v4, v47  }
0x529: {  	[tilespmem:s0], [sflag:$0x5] =	stream.indirect_vreg.gather [hbm4b:s5+s2], $0x80, v44, vm0, $0xb8;
	[tilespmem:$0x10400] =	vst v63  }
0x52a: {  	v26 =	vadd.s32 v4, v26;
	s0 =	sld [smem:$0x749]  }
0x52b: {  	[tilespmem:s13], [sflag:$0x5] =	stream.indirect_vreg.gather [hbm4b:s5+s2], $0x80, v46, vm0, $0xb8;
	[tilespmem:$0x10400] =	vst v63  }
0x52c: {  	s13 =	sld [smem:$0x74A]  }
0x52d: {  	[tilespmem:s0], [sflag:$0x5] =	stream.indirect_vreg.gather [hbm4b:s5+s2], $0x80, v27, vm0, $0xb8;
	[tilespmem:$0x10400] =	vst v63  }
0x52e: {  	_ = 	snop  }
0x52f: {  	[tilespmem:s13], [sflag:$0x5] =	stream.indirect_vreg.gather [hbm4b:s5+s2], $0x80, v26, vm0, $0xb8;
	[tilespmem:$0x10400] =	vst v63  }
0x530: {  	v26 =	vld [tilespmem:$0x140];
	_ =	sdelay $0x4  }
0x531: {  	v27 =	vshll.u32 v26, $0x5  }
0x532: {  	v26 =	vand.u32 $0x7, v26;
	v27 =	vand.u32 $0xFFFFFF00, v27  }
0x533: {  	v26 =	vor.u32 v26, v27  }
0x534: {  	v27 =	vperm.xlane v26, v3;
	_ =	sdelay $0x1  }
0x535: {  	v48 =	vperm.xlane v26, v5;
	v27 =	vadd.s32 v4, v27;
	_ =	sdelay $0x1  }
0x536: {  	v49 =	vperm.xlane v26, v6;
	v28 =	vadd.s32 v4, v48;
	_ =	sdelay $0x1  }
0x537: {  	s0 =	sld [smem:$0x74B];
	v50 =	vperm.xlane v26, v7;
	v29 =	vadd.s32 v4, v49  }
0x538: {  	[tilespmem:s26], [sflag:$0x6] =	stream.indirect_vreg.gather [hbm4b:s5+s2], $0x80, v27, vm0, $0xb8;
	[tilespmem:$0x10400] =	vst v63  }
0x539: {  	s13 =	sld [smem:$0x74C];
	v51 =	vperm.xlane v26, v8;
	v27 =	vadd.s32 v4, v50  }
0x53a: {  	[tilespmem:s0], [sflag:$0x6] =	stream.indirect_vreg.gather [hbm4b:s5+s2], $0x80, v28, vm0, $0xb8;
	[tilespmem:$0x10400] =	vst v63  }
0x53b: {  	v53 =	vperm.xlane v26, v2;
	v52 =	vadd.s32 v4, v51;
	s0 =	sld [smem:$0x74D]  }
0x53c: {  	[tilespmem:s13], [sflag:$0x6] =	stream.indirect_vreg.gather [hbm4b:s5+s2], $0x80, v29, vm0, $0xb8;
	[tilespmem:$0x10400] =	vst v63  }
0x53d: {  	v55 =	vperm.xlane v26, v9;
	v54 =	vadd.s32 v4, v53;
	s13 =	sld [smem:$0x74E]  }
0x53e: {  	[tilespmem:s0], [sflag:$0x6] =	stream.indirect_vreg.gather [hbm4b:s5+s2], $0x80, v27, vm0, $0xb8;
	[tilespmem:$0x10400] =	vst v63  }
0x53f: {  	v56 =	vperm.xlane v26, v1;
	s0 =	sld [smem:$0x74F];
	v27 =	vadd.s32 v4, v55  }
0x540: {  	[tilespmem:s13], [sflag:$0x6] =	stream.indirect_vreg.gather [hbm4b:s5+s2], $0x80, v52, vm0, $0xb8;
	[tilespmem:$0x10400] =	vst v63  }
0x541: {  	v58 =	vperm.xlane v26, v10;
	v57 =	vadd.s32 v4, v56;
	s13 =	sld [smem:$0x750]  }
0x542: {  	[tilespmem:s0], [sflag:$0x6] =	stream.indirect_vreg.gather [hbm4b:s5+s2], $0x80, v54, vm0, $0xb8;
	[tilespmem:$0x10400] =	vst v63  }
0x543: {  	v60 =	vperm.xlane v26, v11;
	v59 =	vadd.s32 v4, v58;
	s0 =	sld [smem:$0x751]  }
0x544: {  	[tilespmem:s13], [sflag:$0x6] =	stream.indirect_vreg.gather [hbm4b:s5+s2], $0x80, v27, vm0, $0xb8;
	[tilespmem:$0x10400] =	vst v63  }
0x545: {  	v61 =	vperm.xlane v26, v12;
	s13 =	sld [smem:$0x752];
	v27 =	vadd.s32 v4, v60  }
0x546: {  	[tilespmem:s0], [sflag:$0x6] =	stream.indirect_vreg.gather [hbm4b:s5+s2], $0x80, v57, vm0, $0xb8;
	[tilespmem:$0x10400] =	vst v63  }
0x547: {  	v63 =	vperm.xlane v26, v14;
	v62 =	vadd.s32 v4, v61;
	s0 =	sld [smem:$0x753]  }
0x548: {  	[tilespmem:s13], [sflag:$0x6] =	stream.indirect_vreg.gather [hbm4b:s5+s2], $0x80, v59, vm0, $0xb8;
	[tilespmem:$0x10400] =	vst v63  }
0x549: {  	v34 =	vperm.xlane v26, v15;
	v33 =	vadd.s32 v4, v63;
	s13 =	sld [smem:$0x754]  }
0x54a: {  	[tilespmem:s0], [sflag:$0x6] =	stream.indirect_vreg.gather [hbm4b:s5+s2], $0x80, v27, vm0, $0xb8;
	[tilespmem:$0x10400] =	vst v63  }
0x54b: {  	v35 =	vperm.xlane v26, v16;
	s0 =	sld [smem:$0x755];
	v27 =	vadd.s32 v4, v34  }
0x54c: {  	[tilespmem:s13], [sflag:$0x6] =	stream.indirect_vreg.gather [hbm4b:s5+s2], $0x80, v62, vm0, $0xb8;
	[tilespmem:$0x10400] =	vst v63  }
0x54d: {  	v37 =	vperm.xlane v26, v17;
	v36 =	vadd.s32 v4, v35;
	s13 =	sld [smem:$0x756]  }
0x54e: {  	[tilespmem:s0], [sflag:$0x6] =	stream.indirect_vreg.gather [hbm4b:s5+s2], $0x80, v33, vm0, $0xb8;
	[tilespmem:$0x10400] =	vst v63  }
0x54f: {  	v26 =	vperm.xlane v26, v18;
	v38 =	vadd.s32 v4, v37;
	s0 =	sld [smem:$0x758]  }
0x550: {  	[tilespmem:s13], [sflag:$0x6] =	stream.indirect_vreg.gather [hbm4b:s5+s2], $0x80, v27, vm0, $0xb8;
	[tilespmem:$0x10400] =	vst v63  }
0x551: {  	v26 =	vadd.s32 v4, v26;
	s13 =	sld [smem:$0x759]  }
0x552: {  	[tilespmem:s0], [sflag:$0x6] =	stream.indirect_vreg.gather [hbm4b:s5+s2], $0x80, v36, vm0, $0xb8;
	[tilespmem:$0x10400] =	vst v63  }
0x553: {  	s0 =	sld [smem:$0x75A]  }
0x554: {  	[tilespmem:s13], [sflag:$0x6] =	stream.indirect_vreg.gather [hbm4b:s5+s2], $0x80, v38, vm0, $0xb8;
	[tilespmem:$0x10400] =	vst v63  }
0x555: {  	_ = 	snop  }
0x556: {  	[tilespmem:s0], [sflag:$0x6] =	stream.indirect_vreg.gather [hbm4b:s5+s2], $0x80, v26, vm0, $0xb8;
	[tilespmem:$0x10400] =	vst v63  }
0x557: {  	v26 =	vld [tilespmem:$0x150];
	_ =	sdelay $0x4  }
0x558: {  	v27 =	vshll.u32 v26, $0x5  }
0x559: {  	v26 =	vand.u32 $0x7, v26;
	v27 =	vand.u32 $0xFFFFFF00, v27  }
0x55a: {  	v26 =	vor.u32 v26, v27  }
0x55b: {  	v27 =	vperm.xlane v26, v3;
	_ =	sdelay $0x1  }
0x55c: {  	v39 =	vperm.xlane v26, v5;
	v27 =	vadd.s32 v4, v27;
	_ =	sdelay $0x1  }
0x55d: {  	s0 =	sld [smem:$0x75B];
	v40 =	vperm.xlane v26, v6;
	v28 =	vadd.s32 v4, v39;
	_ =	sdelay $0x1  }
0x55e: {  	s13 =	sld [smem:$0x75C];
	v41 =	vperm.xlane v26, v7;
	v29 =	vadd.s32 v4, v40  }
0x55f: {  	[tilespmem:s0], [sflag:$0x6] =	stream.indirect_vreg.gather [hbm4b:s5+s2], $0x80, v27, vm0, $0xb8;
	[tilespmem:$0x10400] =	vst v63  }
0x560: {  	v42 =	vperm.xlane v26, v8;
	s0 =	sld [smem:$0x75D];
	v27 =	vadd.s32 v4, v41  }
0x561: {  	[tilespmem:s13], [sflag:$0x6] =	stream.indirect_vreg.gather [hbm4b:s5+s2], $0x80, v28, vm0, $0xb8;
	[tilespmem:$0x10400] =	vst v63  }
0x562: {  	v44 =	vperm.xlane v26, v2;
	v43 =	vadd.s32 v4, v42;
	s13 =	sld [smem:$0x75E]  }
0x563: {  	[tilespmem:s0], [sflag:$0x6] =	stream.indirect_vreg.gather [hbm4b:s5+s2], $0x80, v29, vm0, $0xb8;
	[tilespmem:$0x10400] =	vst v63  }
0x564: {  	v46 =	vperm.xlane v26, v9;
	v45 =	vadd.s32 v4, v44;
	s0 =	sld [smem:$0x75F]  }
0x565: {  	[tilespmem:s13], [sflag:$0x6] =	stream.indirect_vreg.gather [hbm4b:s5+s2], $0x80, v27, vm0, $0xb8;
	[tilespmem:$0x10400] =	vst v63  }
0x566: {  	v47 =	vperm.xlane v26, v1;
	s13 =	sld [smem:$0x760];
	v27 =	vadd.s32 v4, v46  }
0x567: {  	[tilespmem:s0], [sflag:$0x6] =	stream.indirect_vreg.gather [hbm4b:s5+s2], $0x80, v43, vm0, $0xb8;
	[tilespmem:$0x10400] =	vst v63  }
0x568: {  	v49 =	vperm.xlane v26, v10;
	v48 =	vadd.s32 v4, v47;
	s0 =	sld [smem:$0x761]  }
0x569: {  	[tilespmem:s13], [sflag:$0x6] =	stream.indirect_vreg.gather [hbm4b:s5+s2], $0x80, v45, vm0, $0xb8;
	[tilespmem:$0x10400] =	vst v63  }
0x56a: {  	v51 =	vperm.xlane v26, v11;
	v50 =	vadd.s32 v4, v49;
	s13 =	sld [smem:$0x762]  }
0x56b: {  	[tilespmem:s0], [sflag:$0x6] =	stream.indirect_vreg.gather [hbm4b:s5+s2], $0x80, v27, vm0, $0xb8;
	[tilespmem:$0x10400] =	vst v63  }
0x56c: {  	v52 =	vperm.xlane v26, v12;
	s0 =	sld [smem:$0x763];
	v27 =	vadd.s32 v4, v51  }
0x56d: {  	[tilespmem:s13], [sflag:$0x6] =	stream.indirect_vreg.gather [hbm4b:s5+s2], $0x80, v48, vm0, $0xb8;
	[tilespmem:$0x10400] =	vst v63  }
0x56e: {  	v54 =	vperm.xlane v26, v14;
	v53 =	vadd.s32 v4, v52;
	s13 =	sld [smem:$0x764]  }
0x56f: {  	[tilespmem:s0], [sflag:$0x6] =	stream.indirect_vreg.gather [hbm4b:s5+s2], $0x80, v50, vm0, $0xb8;
	[tilespmem:$0x10400] =	vst v63  }
0x570: {  	v56 =	vperm.xlane v26, v15;
	v55 =	vadd.s32 v4, v54;
	s0 =	sld [smem:$0x765]  }
0x571: {  	[tilespmem:s13], [sflag:$0x6] =	stream.indirect_vreg.gather [hbm4b:s5+s2], $0x80, v27, vm0, $0xb8;
	[tilespmem:$0x10400] =	vst v63  }
0x572: {  	v57 =	vperm.xlane v26, v16;
	s13 =	sld [smem:$0x766];
	v27 =	vadd.s32 v4, v56  }
0x573: {  	[tilespmem:s0], [sflag:$0x6] =	stream.indirect_vreg.gather [hbm4b:s5+s2], $0x80, v53, vm0, $0xb8;
	[tilespmem:$0x10400] =	vst v63  }
0x574: {  	v59 =	vperm.xlane v26, v17;
	v58 =	vadd.s32 v4, v57;
	s0 =	sld [smem:$0x767]  }
0x575: {  	[tilespmem:s13], [sflag:$0x6] =	stream.indirect_vreg.gather [hbm4b:s5+s2], $0x80, v55, vm0, $0xb8;
	[tilespmem:$0x10400] =	vst v63  }
0x576: {  	v26 =	vperm.xlane v26, v18;
	v60 =	vadd.s32 v4, v59;
	s13 =	sld [smem:$0x768]  }
0x577: {  	[tilespmem:s0], [sflag:$0x6] =	stream.indirect_vreg.gather [hbm4b:s5+s2], $0x80, v27, vm0, $0xb8;
	[tilespmem:$0x10400] =	vst v63  }
0x578: {  	v26 =	vadd.s32 v4, v26;
	s0 =	sld [smem:$0x769]  }
0x579: {  	[tilespmem:s13], [sflag:$0x6] =	stream.indirect_vreg.gather [hbm4b:s5+s2], $0x80, v58, vm0, $0xb8;
	[tilespmem:$0x10400] =	vst v63  }
0x57a: {  	s13 =	sld [smem:$0x76A]  }
0x57b: {  	[tilespmem:s0], [sflag:$0x6] =	stream.indirect_vreg.gather [hbm4b:s5+s2], $0x80, v60, vm0, $0xb8;
	[tilespmem:$0x10400] =	vst v63  }
0x57c: {  	_ = 	snop  }
0x57d: {  	[tilespmem:s13], [sflag:$0x6] =	stream.indirect_vreg.gather [hbm4b:s5+s2], $0x80, v26, vm0, $0xb8;
	[tilespmem:$0x10400] =	vst v63  }
0x57e: {  	v26 =	vld [tilespmem:$0x160];
	_ =	sdelay $0x4  }
0x57f: {  	v27 =	vshll.u32 v26, $0x5  }
0x580: {  	v26 =	vand.u32 $0x7, v26;
	v27 =	vand.u32 $0xFFFFFF00, v27  }
0x581: {  	v26 =	vor.u32 v26, v27  }
0x582: {  	v27 =	vperm.xlane v26, v3;
	_ =	sdelay $0x1  }
0x583: {  	v61 =	vperm.xlane v26, v5;
	v27 =	vadd.s32 v4, v27;
	_ =	sdelay $0x1  }
0x584: {  	s0 =	sld [smem:$0x76B];
	v62 =	vperm.xlane v26, v6;
	v28 =	vadd.s32 v4, v61;
	_ =	sdelay $0x1  }
0x585: {  	s13 =	sld [smem:$0x76C];
	v63 =	vperm.xlane v26, v7;
	v29 =	vadd.s32 v4, v62  }
0x586: {  	[tilespmem:s0], [sflag:$0x6] =	stream.indirect_vreg.gather [hbm4b:s5+s2], $0x80, v27, vm0, $0xb8;
	[tilespmem:$0x10400] =	vst v63  }
0x587: {  	v33 =	vperm.xlane v26, v8;
	s0 =	sld [smem:$0x76D];
	v27 =	vadd.s32 v4, v63  }
0x588: {  	[tilespmem:s13], [sflag:$0x6] =	stream.indirect_vreg.gather [hbm4b:s5+s2], $0x80, v28, vm0, $0xb8;
	[tilespmem:$0x10400] =	vst v63  }
0x589: {  	v35 =	vperm.xlane v26, v2;
	v34 =	vadd.s32 v4, v33;
	s13 =	sld [smem:$0x76E]  }
0x58a: {  	[tilespmem:s0], [sflag:$0x6] =	stream.indirect_vreg.gather [hbm4b:s5+s2], $0x80, v29, vm0, $0xb8;
	[tilespmem:$0x10400] =	vst v63  }
0x58b: {  	v37 =	vperm.xlane v26, v9;
	v36 =	vadd.s32 v4, v35;
	s0 =	sld [smem:$0x76F]  }
0x58c: {  	[tilespmem:s13], [sflag:$0x6] =	stream.indirect_vreg.gather [hbm4b:s5+s2], $0x80, v27, vm0, $0xb8;
	[tilespmem:$0x10400] =	vst v63  }
0x58d: {  	v38 =	vperm.xlane v26, v1;
	s13 =	sld [smem:$0x770];
	v27 =	vadd.s32 v4, v37  }
0x58e: {  	[tilespmem:s0], [sflag:$0x6] =	stream.indirect_vreg.gather [hbm4b:s5+s2], $0x80, v34, vm0, $0xb8;
	[tilespmem:$0x10400] =	vst v63  }
0x58f: {  	v40 =	vperm.xlane v26, v10;
	v39 =	vadd.s32 v4, v38;
	s0 =	sld [smem:$0x771]  }
0x590: {  	[tilespmem:s13], [sflag:$0x6] =	stream.indirect_vreg.gather [hbm4b:s5+s2], $0x80, v36, vm0, $0xb8;
	[tilespmem:$0x10400] =	vst v63  }
0x591: {  	v42 =	vperm.xlane v26, v11;
	v41 =	vadd.s32 v4, v40;
	s13 =	sld [smem:$0x772]  }
0x592: {  	[tilespmem:s0], [sflag:$0x6] =	stream.indirect_vreg.gather [hbm4b:s5+s2], $0x80, v27, vm0, $0xb8;
	[tilespmem:$0x10400] =	vst v63  }
0x593: {  	v43 =	vperm.xlane v26, v12;
	s0 =	sld [smem:$0x773];
	v27 =	vadd.s32 v4, v42  }
0x594: {  	[tilespmem:s13], [sflag:$0x6] =	stream.indirect_vreg.gather [hbm4b:s5+s2], $0x80, v39, vm0, $0xb8;
	[tilespmem:$0x10400] =	vst v63  }
0x595: {  	v45 =	vperm.xlane v26, v14;
	v44 =	vadd.s32 v4, v43;
	s13 =	sld [smem:$0x774]  }
0x596: {  	[tilespmem:s0], [sflag:$0x6] =	stream.indirect_vreg.gather [hbm4b:s5+s2], $0x80, v41, vm0, $0xb8;
	[tilespmem:$0x10400] =	vst v63  }
0x597: {  	v47 =	vperm.xlane v26, v15;
	v46 =	vadd.s32 v4, v45;
	s0 =	sld [smem:$0x775]  }
0x598: {  	[tilespmem:s13], [sflag:$0x6] =	stream.indirect_vreg.gather [hbm4b:s5+s2], $0x80, v27, vm0, $0xb8;
	[tilespmem:$0x10400] =	vst v63  }
0x599: {  	v48 =	vperm.xlane v26, v16;
	s13 =	sld [smem:$0x776];
	v27 =	vadd.s32 v4, v47  }
0x59a: {  	[tilespmem:s0], [sflag:$0x6] =	stream.indirect_vreg.gather [hbm4b:s5+s2], $0x80, v44, vm0, $0xb8;
	[tilespmem:$0x10400] =	vst v63  }
0x59b: {  	v50 =	vperm.xlane v26, v17;
	v49 =	vadd.s32 v4, v48;
	s0 =	sld [smem:$0x777]  }
0x59c: {  	[tilespmem:s13], [sflag:$0x6] =	stream.indirect_vreg.gather [hbm4b:s5+s2], $0x80, v46, vm0, $0xb8;
	[tilespmem:$0x10400] =	vst v63  }
0x59d: {  	v26 =	vperm.xlane v26, v18;
	v51 =	vadd.s32 v4, v50;
	s13 =	sld [smem:$0x778]  }
0x59e: {  	[tilespmem:s0], [sflag:$0x6] =	stream.indirect_vreg.gather [hbm4b:s5+s2], $0x80, v27, vm0, $0xb8;
	[tilespmem:$0x10400] =	vst v63  }
0x59f: {  	v26 =	vadd.s32 v4, v26;
	s0 =	sld [smem:$0x779]  }
0x5a0: {  	[tilespmem:s13], [sflag:$0x6] =	stream.indirect_vreg.gather [hbm4b:s5+s2], $0x80, v49, vm0, $0xb8;
	[tilespmem:$0x10400] =	vst v63  }
0x5a1: {  	s13 =	sld [smem:$0x77A]  }
0x5a2: {  	[tilespmem:s0], [sflag:$0x6] =	stream.indirect_vreg.gather [hbm4b:s5+s2], $0x80, v51, vm0, $0xb8;
	[tilespmem:$0x10400] =	vst v63  }
0x5a3: {  	_ = 	snop  }
0x5a4: {  	[tilespmem:s13], [sflag:$0x6] =	stream.indirect_vreg.gather [hbm4b:s5+s2], $0x80, v26, vm0, $0xb8;
	[tilespmem:$0x10400] =	vst v63  }
0x5a5: {  	v26 =	vld [tilespmem:$0x170];
	_ =	sdelay $0x4  }
0x5a6: {  	v27 =	vshll.u32 v26, $0x5  }
0x5a7: {  	v26 =	vand.u32 $0x7, v26;
	v27 =	vand.u32 $0xFFFFFF00, v27  }
0x5a8: {  	v26 =	vor.u32 v26, v27  }
0x5a9: {  	v27 =	vperm.xlane v26, v3;
	_ =	sdelay $0x1  }
0x5aa: {  	v52 =	vperm.xlane v26, v5;
	v27 =	vadd.s32 v4, v27;
	_ =	sdelay $0x1  }
0x5ab: {  	s0 =	sld [smem:$0x77B];
	v53 =	vperm.xlane v26, v6;
	v28 =	vadd.s32 v4, v52;
	_ =	sdelay $0x1  }
0x5ac: {  	s13 =	sld [smem:$0x77C];
	v54 =	vperm.xlane v26, v7;
	v29 =	vadd.s32 v4, v53  }
0x5ad: {  	[tilespmem:s0], [sflag:$0x6] =	stream.indirect_vreg.gather [hbm4b:s5+s2], $0x80, v27, vm0, $0xb8;
	[tilespmem:$0x10400] =	vst v63  }
0x5ae: {  	v55 =	vperm.xlane v26, v8;
	s0 =	sld [smem:$0x77D];
	v27 =	vadd.s32 v4, v54  }
0x5af: {  	[tilespmem:s13], [sflag:$0x6] =	stream.indirect_vreg.gather [hbm4b:s5+s2], $0x80, v28, vm0, $0xb8;
	[tilespmem:$0x10400] =	vst v63  }
0x5b0: {  	v57 =	vperm.xlane v26, v2;
	v56 =	vadd.s32 v4, v55;
	s13 =	sld [smem:$0x77E]  }
0x5b1: {  	[tilespmem:s0], [sflag:$0x6] =	stream.indirect_vreg.gather [hbm4b:s5+s2], $0x80, v29, vm0, $0xb8;
	[tilespmem:$0x10400] =	vst v63  }
0x5b2: {  	v59 =	vperm.xlane v26, v9;
	v58 =	vadd.s32 v4, v57;
	s0 =	sld [smem:$0x77F]  }
0x5b3: {  	[tilespmem:s13], [sflag:$0x6] =	stream.indirect_vreg.gather [hbm4b:s5+s2], $0x80, v27, vm0, $0xb8;
	[tilespmem:$0x10400] =	vst v63  }
0x5b4: {  	v60 =	vperm.xlane v26, v1;
	s13 =	sld [smem:$0x780];
	v27 =	vadd.s32 v4, v59  }
0x5b5: {  	[tilespmem:s0], [sflag:$0x6] =	stream.indirect_vreg.gather [hbm4b:s5+s2], $0x80, v56, vm0, $0xb8;
	[tilespmem:$0x10400] =	vst v63  }
0x5b6: {  	v62 =	vperm.xlane v26, v10;
	v61 =	vadd.s32 v4, v60;
	s0 =	sld [smem:$0x781]  }
0x5b7: {  	[tilespmem:s13], [sflag:$0x6] =	stream.indirect_vreg.gather [hbm4b:s5+s2], $0x80, v58, vm0, $0xb8;
	[tilespmem:$0x10400] =	vst v63  }
0x5b8: {  	v33 =	vperm.xlane v26, v11;
	v63 =	vadd.s32 v4, v62;
	s13 =	sld [smem:$0x782]  }
0x5b9: {  	[tilespmem:s0], [sflag:$0x6] =	stream.indirect_vreg.gather [hbm4b:s5+s2], $0x80, v27, vm0, $0xb8;
	[tilespmem:$0x10400] =	vst v63  }
0x5ba: {  	v34 =	vperm.xlane v26, v12;
	s0 =	sld [smem:$0x783];
	v27 =	vadd.s32 v4, v33  }
0x5bb: {  	[tilespmem:s13], [sflag:$0x6] =	stream.indirect_vreg.gather [hbm4b:s5+s2], $0x80, v61, vm0, $0xb8;
	[tilespmem:$0x10400] =	vst v63  }
0x5bc: {  	v36 =	vperm.xlane v26, v14;
	v35 =	vadd.s32 v4, v34;
	s13 =	sld [smem:$0x784]  }
0x5bd: {  	[tilespmem:s0], [sflag:$0x6] =	stream.indirect_vreg.gather [hbm4b:s5+s2], $0x80, v63, vm0, $0xb8;
	[tilespmem:$0x10400] =	vst v63  }
0x5be: {  	v38 =	vperm.xlane v26, v15;
	v37 =	vadd.s32 v4, v36;
	s0 =	sld [smem:$0x785]  }
0x5bf: {  	[tilespmem:s13], [sflag:$0x6] =	stream.indirect_vreg.gather [hbm4b:s5+s2], $0x80, v27, vm0, $0xb8;
	[tilespmem:$0x10400] =	vst v63  }
0x5c0: {  	v39 =	vperm.xlane v26, v16;
	s13 =	sld [smem:$0x786];
	v27 =	vadd.s32 v4, v38  }
0x5c1: {  	[tilespmem:s0], [sflag:$0x6] =	stream.indirect_vreg.gather [hbm4b:s5+s2], $0x80, v35, vm0, $0xb8;
	[tilespmem:$0x10400] =	vst v63  }
0x5c2: {  	v41 =	vperm.xlane v26, v17;
	v40 =	vadd.s32 v4, v39;
	s0 =	sld [smem:$0x787]  }
0x5c3: {  	[tilespmem:s13], [sflag:$0x6] =	stream.indirect_vreg.gather [hbm4b:s5+s2], $0x80, v37, vm0, $0xb8;
	[tilespmem:$0x10400] =	vst v63  }
0x5c4: {  	v26 =	vperm.xlane v26, v18;
	v42 =	vadd.s32 v4, v41;
	s13 =	sld [smem:$0x788]  }
0x5c5: {  	[tilespmem:s0], [sflag:$0x6] =	stream.indirect_vreg.gather [hbm4b:s5+s2], $0x80, v27, vm0, $0xb8;
	[tilespmem:$0x10400] =	vst v63  }
0x5c6: {  	v26 =	vadd.s32 v4, v26;
	s0 =	sld [smem:$0x789]  }
0x5c7: {  	[tilespmem:s13], [sflag:$0x6] =	stream.indirect_vreg.gather [hbm4b:s5+s2], $0x80, v40, vm0, $0xb8;
	[tilespmem:$0x10400] =	vst v63  }
0x5c8: {  	s13 =	sld [smem:$0x78A]  }
0x5c9: {  	[tilespmem:s0], [sflag:$0x6] =	stream.indirect_vreg.gather [hbm4b:s5+s2], $0x80, v42, vm0, $0xb8;
	[tilespmem:$0x10400] =	vst v63  }
0x5ca: {  	_ = 	snop  }
0x5cb: {  	[tilespmem:s13], [sflag:$0x6] =	stream.indirect_vreg.gather [hbm4b:s5+s2], $0x80, v26, vm0, $0xb8;
	[tilespmem:$0x10400] =	vst v63  }
0x5cc: {  	v26 =	vld [tilespmem:$0x180];
	_ =	sdelay $0x4  }
0x5cd: {  	v27 =	vshll.u32 v26, $0x5  }
0x5ce: {  	v26 =	vand.u32 $0x7, v26;
	v27 =	vand.u32 $0xFFFFFF00, v27  }
0x5cf: {  	v26 =	vor.u32 v26, v27  }
0x5d0: {  	v27 =	vperm.xlane v26, v3;
	_ =	sdelay $0x1  }
0x5d1: {  	v43 =	vperm.xlane v26, v5;
	v27 =	vadd.s32 v4, v27;
	_ =	sdelay $0x1  }
0x5d2: {  	v44 =	vperm.xlane v26, v6;
	v28 =	vadd.s32 v4, v43;
	_ =	sdelay $0x1  }
0x5d3: {  	s0 =	sld [smem:$0x78B];
	v45 =	vperm.xlane v26, v7;
	v29 =	vadd.s32 v4, v44  }
0x5d4: {  	[tilespmem:s28], [sflag:$0x7] =	stream.indirect_vreg.gather [hbm4b:s6+s2], $0x80, v27, vm0, $0xb8;
	[tilespmem:$0x10400] =	vst v63  }
0x5d5: {  	s13 =	sld [smem:$0x78C];
	v46 =	vperm.xlane v26, v8;
	v27 =	vadd.s32 v4, v45  }
0x5d6: {  	[tilespmem:s0], [sflag:$0x7] =	stream.indirect_vreg.gather [hbm4b:s6+s2], $0x80, v28, vm0, $0xb8;
	[tilespmem:$0x10400] =	vst v63  }
0x5d7: {  	v48 =	vperm.xlane v26, v2;
	v47 =	vadd.s32 v4, v46;
	s0 =	sld [smem:$0x78D]  }
0x5d8: {  	[tilespmem:s13], [sflag:$0x7] =	stream.indirect_vreg.gather [hbm4b:s6+s2], $0x80, v29, vm0, $0xb8;
	[tilespmem:$0x10400] =	vst v63  }
0x5d9: {  	v50 =	vperm.xlane v26, v9;
	v49 =	vadd.s32 v4, v48;
	s13 =	sld [smem:$0x78E]  }
0x5da: {  	[tilespmem:s0], [sflag:$0x7] =	stream.indirect_vreg.gather [hbm4b:s6+s2], $0x80, v27, vm0, $0xb8;
	[tilespmem:$0x10400] =	vst v63  }
0x5db: {  	v51 =	vperm.xlane v26, v1;
	s0 =	sld [smem:$0x78F];
	v27 =	vadd.s32 v4, v50  }
0x5dc: {  	[tilespmem:s13], [sflag:$0x7] =	stream.indirect_vreg.gather [hbm4b:s6+s2], $0x80, v47, vm0, $0xb8;
	[tilespmem:$0x10400] =	vst v63  }
0x5dd: {  	v53 =	vperm.xlane v26, v10;
	v52 =	vadd.s32 v4, v51;
	s13 =	sld [smem:$0x790]  }
0x5de: {  	[tilespmem:s0], [sflag:$0x7] =	stream.indirect_vreg.gather [hbm4b:s6+s2], $0x80, v49, vm0, $0xb8;
	[tilespmem:$0x10400] =	vst v63  }
0x5df: {  	v55 =	vperm.xlane v26, v11;
	v54 =	vadd.s32 v4, v53;
	s0 =	sld [smem:$0x791]  }
0x5e0: {  	[tilespmem:s13], [sflag:$0x7] =	stream.indirect_vreg.gather [hbm4b:s6+s2], $0x80, v27, vm0, $0xb8;
	[tilespmem:$0x10400] =	vst v63  }
0x5e1: {  	v56 =	vperm.xlane v26, v12;
	s13 =	sld [smem:$0x792];
	v27 =	vadd.s32 v4, v55  }
0x5e2: {  	[tilespmem:s0], [sflag:$0x7] =	stream.indirect_vreg.gather [hbm4b:s6+s2], $0x80, v52, vm0, $0xb8;
	[tilespmem:$0x10400] =	vst v63  }
0x5e3: {  	v58 =	vperm.xlane v26, v14;
	v57 =	vadd.s32 v4, v56;
	s0 =	sld [smem:$0x793]  }
0x5e4: {  	[tilespmem:s13], [sflag:$0x7] =	stream.indirect_vreg.gather [hbm4b:s6+s2], $0x80, v54, vm0, $0xb8;
	[tilespmem:$0x10400] =	vst v63  }
0x5e5: {  	v60 =	vperm.xlane v26, v15;
	v59 =	vadd.s32 v4, v58;
	s13 =	sld [smem:$0x794]  }
0x5e6: {  	[tilespmem:s0], [sflag:$0x7] =	stream.indirect_vreg.gather [hbm4b:s6+s2], $0x80, v27, vm0, $0xb8;
	[tilespmem:$0x10400] =	vst v63  }
0x5e7: {  	v61 =	vperm.xlane v26, v16;
	s0 =	sld [smem:$0x795];
	v27 =	vadd.s32 v4, v60  }
0x5e8: {  	[tilespmem:s13], [sflag:$0x7] =	stream.indirect_vreg.gather [hbm4b:s6+s2], $0x80, v57, vm0, $0xb8;
	[tilespmem:$0x10400] =	vst v63  }
0x5e9: {  	v63 =	vperm.xlane v26, v17;
	v62 =	vadd.s32 v4, v61;
	s13 =	sld [smem:$0x796]  }
0x5ea: {  	[tilespmem:s0], [sflag:$0x7] =	stream.indirect_vreg.gather [hbm4b:s6+s2], $0x80, v59, vm0, $0xb8;
	[tilespmem:$0x10400] =	vst v63  }
0x5eb: {  	v26 =	vperm.xlane v26, v18;
	v33 =	vadd.s32 v4, v63;
	s0 =	sld [smem:$0x798]  }
0x5ec: {  	[tilespmem:s13], [sflag:$0x7] =	stream.indirect_vreg.gather [hbm4b:s6+s2], $0x80, v27, vm0, $0xb8;
	[tilespmem:$0x10400] =	vst v63  }
0x5ed: {  	v26 =	vadd.s32 v4, v26;
	s13 =	sld [smem:$0x799]  }
0x5ee: {  	[tilespmem:s0], [sflag:$0x7] =	stream.indirect_vreg.gather [hbm4b:s6+s2], $0x80, v62, vm0, $0xb8;
	[tilespmem:$0x10400] =	vst v63  }
0x5ef: {  	s0 =	sld [smem:$0x79A]  }
0x5f0: {  	[tilespmem:s13], [sflag:$0x7] =	stream.indirect_vreg.gather [hbm4b:s6+s2], $0x80, v33, vm0, $0xb8;
	[tilespmem:$0x10400] =	vst v63  }
0x5f1: {  	_ = 	snop  }
0x5f2: {  	[tilespmem:s0], [sflag:$0x7] =	stream.indirect_vreg.gather [hbm4b:s6+s2], $0x80, v26, vm0, $0xb8;
	[tilespmem:$0x10400] =	vst v63  }
0x5f3: {  	v26 =	vld [tilespmem:$0x190];
	_ =	sdelay $0x4  }
0x5f4: {  	v27 =	vshll.u32 v26, $0x5  }
0x5f5: {  	v26 =	vand.u32 $0x7, v26;
	v27 =	vand.u32 $0xFFFFFF00, v27  }
0x5f6: {  	v26 =	vor.u32 v26, v27  }
0x5f7: {  	v27 =	vperm.xlane v26, v3;
	_ =	sdelay $0x1  }
0x5f8: {  	v34 =	vperm.xlane v26, v5;
	v27 =	vadd.s32 v4, v27;
	_ =	sdelay $0x1  }
0x5f9: {  	s0 =	sld [smem:$0x79B];
	v35 =	vperm.xlane v26, v6;
	v28 =	vadd.s32 v4, v34;
	_ =	sdelay $0x1  }
0x5fa: {  	s13 =	sld [smem:$0x79C];
	v36 =	vperm.xlane v26, v7;
	v29 =	vadd.s32 v4, v35  }
0x5fb: {  	[tilespmem:s0], [sflag:$0x7] =	stream.indirect_vreg.gather [hbm4b:s6+s2], $0x80, v27, vm0, $0xb8;
	[tilespmem:$0x10400] =	vst v63  }
0x5fc: {  	v37 =	vperm.xlane v26, v8;
	s0 =	sld [smem:$0x79D];
	v27 =	vadd.s32 v4, v36  }
0x5fd: {  	[tilespmem:s13], [sflag:$0x7] =	stream.indirect_vreg.gather [hbm4b:s6+s2], $0x80, v28, vm0, $0xb8;
	[tilespmem:$0x10400] =	vst v63  }
0x5fe: {  	v39 =	vperm.xlane v26, v2;
	v38 =	vadd.s32 v4, v37;
	s13 =	sld [smem:$0x79E]  }
0x5ff: {  	[tilespmem:s0], [sflag:$0x7] =	stream.indirect_vreg.gather [hbm4b:s6+s2], $0x80, v29, vm0, $0xb8;
	[tilespmem:$0x10400] =	vst v63  }
0x600: {  	v41 =	vperm.xlane v26, v9;
	v40 =	vadd.s32 v4, v39;
	s0 =	sld [smem:$0x79F]  }
0x601: {  	[tilespmem:s13], [sflag:$0x7] =	stream.indirect_vreg.gather [hbm4b:s6+s2], $0x80, v27, vm0, $0xb8;
	[tilespmem:$0x10400] =	vst v63  }
0x602: {  	v42 =	vperm.xlane v26, v1;
	s13 =	sld [smem:$0x7A0];
	v27 =	vadd.s32 v4, v41  }
0x603: {  	[tilespmem:s0], [sflag:$0x7] =	stream.indirect_vreg.gather [hbm4b:s6+s2], $0x80, v38, vm0, $0xb8;
	[tilespmem:$0x10400] =	vst v63  }
0x604: {  	v44 =	vperm.xlane v26, v10;
	v43 =	vadd.s32 v4, v42;
	s0 =	sld [smem:$0x7A1]  }
0x605: {  	[tilespmem:s13], [sflag:$0x7] =	stream.indirect_vreg.gather [hbm4b:s6+s2], $0x80, v40, vm0, $0xb8;
	[tilespmem:$0x10400] =	vst v63  }
0x606: {  	v46 =	vperm.xlane v26, v11;
	v45 =	vadd.s32 v4, v44;
	s13 =	sld [smem:$0x7A2]  }
0x607: {  	[tilespmem:s0], [sflag:$0x7] =	stream.indirect_vreg.gather [hbm4b:s6+s2], $0x80, v27, vm0, $0xb8;
	[tilespmem:$0x10400] =	vst v63  }
0x608: {  	v47 =	vperm.xlane v26, v12;
	s0 =	sld [smem:$0x7A3];
	v27 =	vadd.s32 v4, v46  }
0x609: {  	[tilespmem:s13], [sflag:$0x7] =	stream.indirect_vreg.gather [hbm4b:s6+s2], $0x80, v43, vm0, $0xb8;
	[tilespmem:$0x10400] =	vst v63  }
0x60a: {  	v49 =	vperm.xlane v26, v14;
	v48 =	vadd.s32 v4, v47;
	s13 =	sld [smem:$0x7A4]  }
0x60b: {  	[tilespmem:s0], [sflag:$0x7] =	stream.indirect_vreg.gather [hbm4b:s6+s2], $0x80, v45, vm0, $0xb8;
	[tilespmem:$0x10400] =	vst v63  }
0x60c: {  	v51 =	vperm.xlane v26, v15;
	v50 =	vadd.s32 v4, v49;
	s0 =	sld [smem:$0x7A5]  }
0x60d: {  	[tilespmem:s13], [sflag:$0x7] =	stream.indirect_vreg.gather [hbm4b:s6+s2], $0x80, v27, vm0, $0xb8;
	[tilespmem:$0x10400] =	vst v63  }
0x60e: {  	v52 =	vperm.xlane v26, v16;
	s13 =	sld [smem:$0x7A6];
	v27 =	vadd.s32 v4, v51  }
0x60f: {  	[tilespmem:s0], [sflag:$0x7] =	stream.indirect_vreg.gather [hbm4b:s6+s2], $0x80, v48, vm0, $0xb8;
	[tilespmem:$0x10400] =	vst v63  }
0x610: {  	v54 =	vperm.xlane v26, v17;
	v53 =	vadd.s32 v4, v52;
	s0 =	sld [smem:$0x7A7]  }
0x611: {  	[tilespmem:s13], [sflag:$0x7] =	stream.indirect_vreg.gather [hbm4b:s6+s2], $0x80, v50, vm0, $0xb8;
	[tilespmem:$0x10400] =	vst v63  }
0x612: {  	v26 =	vperm.xlane v26, v18;
	v55 =	vadd.s32 v4, v54;
	s13 =	sld [smem:$0x7A8]  }
0x613: {  	[tilespmem:s0], [sflag:$0x7] =	stream.indirect_vreg.gather [hbm4b:s6+s2], $0x80, v27, vm0, $0xb8;
	[tilespmem:$0x10400] =	vst v63  }
0x614: {  	v26 =	vadd.s32 v4, v26;
	s0 =	sld [smem:$0x7A9]  }
0x615: {  	[tilespmem:s13], [sflag:$0x7] =	stream.indirect_vreg.gather [hbm4b:s6+s2], $0x80, v53, vm0, $0xb8;
	[tilespmem:$0x10400] =	vst v63  }
0x616: {  	s13 =	sld [smem:$0x7AA]  }
0x617: {  	[tilespmem:s0], [sflag:$0x7] =	stream.indirect_vreg.gather [hbm4b:s6+s2], $0x80, v55, vm0, $0xb8;
	[tilespmem:$0x10400] =	vst v63  }
0x618: {  	_ = 	snop  }
0x619: {  	[tilespmem:s13], [sflag:$0x7] =	stream.indirect_vreg.gather [hbm4b:s6+s2], $0x80, v26, vm0, $0xb8;
	[tilespmem:$0x10400] =	vst v63  }
0x61a: {  	v26 =	vld [tilespmem:$0x1A0];
	_ =	sdelay $0x4  }
0x61b: {  	v27 =	vshll.u32 v26, $0x5  }
0x61c: {  	v26 =	vand.u32 $0x7, v26;
	v27 =	vand.u32 $0xFFFFFF00, v27  }
0x61d: {  	v26 =	vor.u32 v26, v27  }
0x61e: {  	v27 =	vperm.xlane v26, v3;
	_ =	sdelay $0x1  }
0x61f: {  	v56 =	vperm.xlane v26, v5;
	v27 =	vadd.s32 v4, v27;
	_ =	sdelay $0x1  }
0x620: {  	s0 =	sld [smem:$0x7AB];
	v57 =	vperm.xlane v26, v6;
	v28 =	vadd.s32 v4, v56;
	_ =	sdelay $0x1  }
0x621: {  	s13 =	sld [smem:$0x7AC];
	v58 =	vperm.xlane v26, v7;
	v29 =	vadd.s32 v4, v57  }
0x622: {  	[tilespmem:s0], [sflag:$0x7] =	stream.indirect_vreg.gather [hbm4b:s6+s2], $0x80, v27, vm0, $0xb8;
	[tilespmem:$0x10400] =	vst v63  }
0x623: {  	v59 =	vperm.xlane v26, v8;
	s0 =	sld [smem:$0x7AD];
	v27 =	vadd.s32 v4, v58  }
0x624: {  	[tilespmem:s13], [sflag:$0x7] =	stream.indirect_vreg.gather [hbm4b:s6+s2], $0x80, v28, vm0, $0xb8;
	[tilespmem:$0x10400] =	vst v63  }
0x625: {  	v61 =	vperm.xlane v26, v2;
	v60 =	vadd.s32 v4, v59;
	s13 =	sld [smem:$0x7AE]  }
0x626: {  	[tilespmem:s0], [sflag:$0x7] =	stream.indirect_vreg.gather [hbm4b:s6+s2], $0x80, v29, vm0, $0xb8;
	[tilespmem:$0x10400] =	vst v63  }
0x627: {  	v63 =	vperm.xlane v26, v9;
	v62 =	vadd.s32 v4, v61;
	s0 =	sld [smem:$0x7AF]  }
0x628: {  	[tilespmem:s13], [sflag:$0x7] =	stream.indirect_vreg.gather [hbm4b:s6+s2], $0x80, v27, vm0, $0xb8;
	[tilespmem:$0x10400] =	vst v63  }
0x629: {  	v33 =	vperm.xlane v26, v1;
	s13 =	sld [smem:$0x7B0];
	v27 =	vadd.s32 v4, v63  }
0x62a: {  	[tilespmem:s0], [sflag:$0x7] =	stream.indirect_vreg.gather [hbm4b:s6+s2], $0x80, v60, vm0, $0xb8;
	[tilespmem:$0x10400] =	vst v63  }
0x62b: {  	v35 =	vperm.xlane v26, v10;
	v34 =	vadd.s32 v4, v33;
	s0 =	sld [smem:$0x7B1]  }
0x62c: {  	[tilespmem:s13], [sflag:$0x7] =	stream.indirect_vreg.gather [hbm4b:s6+s2], $0x80, v62, vm0, $0xb8;
	[tilespmem:$0x10400] =	vst v63  }
0x62d: {  	v37 =	vperm.xlane v26, v11;
	v36 =	vadd.s32 v4, v35;
	s13 =	sld [smem:$0x7B2]  }
0x62e: {  	[tilespmem:s0], [sflag:$0x7] =	stream.indirect_vreg.gather [hbm4b:s6+s2], $0x80, v27, vm0, $0xb8;
	[tilespmem:$0x10400] =	vst v63  }
0x62f: {  	v38 =	vperm.xlane v26, v12;
	s0 =	sld [smem:$0x7B3];
	v27 =	vadd.s32 v4, v37  }
0x630: {  	[tilespmem:s13], [sflag:$0x7] =	stream.indirect_vreg.gather [hbm4b:s6+s2], $0x80, v34, vm0, $0xb8;
	[tilespmem:$0x10400] =	vst v63  }
0x631: {  	v40 =	vperm.xlane v26, v14;
	v39 =	vadd.s32 v4, v38;
	s13 =	sld [smem:$0x7B4]  }
0x632: {  	[tilespmem:s0], [sflag:$0x7] =	stream.indirect_vreg.gather [hbm4b:s6+s2], $0x80, v36, vm0, $0xb8;
	[tilespmem:$0x10400] =	vst v63  }
0x633: {  	v42 =	vperm.xlane v26, v15;
	v41 =	vadd.s32 v4, v40;
	s0 =	sld [smem:$0x7B5]  }
0x634: {  	[tilespmem:s13], [sflag:$0x7] =	stream.indirect_vreg.gather [hbm4b:s6+s2], $0x80, v27, vm0, $0xb8;
	[tilespmem:$0x10400] =	vst v63  }
0x635: {  	v43 =	vperm.xlane v26, v16;
	s13 =	sld [smem:$0x7B6];
	v27 =	vadd.s32 v4, v42  }
0x636: {  	[tilespmem:s0], [sflag:$0x7] =	stream.indirect_vreg.gather [hbm4b:s6+s2], $0x80, v39, vm0, $0xb8;
	[tilespmem:$0x10400] =	vst v63  }
0x637: {  	v45 =	vperm.xlane v26, v17;
	v44 =	vadd.s32 v4, v43;
	s0 =	sld [smem:$0x7B7]  }
0x638: {  	[tilespmem:s13], [sflag:$0x7] =	stream.indirect_vreg.gather [hbm4b:s6+s2], $0x80, v41, vm0, $0xb8;
	[tilespmem:$0x10400] =	vst v63  }
0x639: {  	v26 =	vperm.xlane v26, v18;
	v46 =	vadd.s32 v4, v45;
	s13 =	sld [smem:$0x7B8]  }
0x63a: {  	[tilespmem:s0], [sflag:$0x7] =	stream.indirect_vreg.gather [hbm4b:s6+s2], $0x80, v27, vm0, $0xb8;
	[tilespmem:$0x10400] =	vst v63  }
0x63b: {  	v26 =	vadd.s32 v4, v26;
	s0 =	sld [smem:$0x7B9]  }
0x63c: {  	[tilespmem:s13], [sflag:$0x7] =	stream.indirect_vreg.gather [hbm4b:s6+s2], $0x80, v44, vm0, $0xb8;
	[tilespmem:$0x10400] =	vst v63  }
0x63d: {  	s13 =	sld [smem:$0x7BA]  }
0x63e: {  	[tilespmem:s0], [sflag:$0x7] =	stream.indirect_vreg.gather [hbm4b:s6+s2], $0x80, v46, vm0, $0xb8;
	[tilespmem:$0x10400] =	vst v63  }
0x63f: {  	_ = 	snop  }
0x640: {  	[tilespmem:s13], [sflag:$0x7] =	stream.indirect_vreg.gather [hbm4b:s6+s2], $0x80, v26, vm0, $0xb8;
	[tilespmem:$0x10400] =	vst v63  }
0x641: {  	v26 =	vld [tilespmem:$0x1B0];
	_ =	sdelay $0x4  }
0x642: {  	v27 =	vshll.u32 v26, $0x5  }
0x643: {  	v26 =	vand.u32 $0x7, v26;
	v27 =	vand.u32 $0xFFFFFF00, v27  }
0x644: {  	v26 =	vor.u32 v26, v27  }
0x645: {  	v27 =	vperm.xlane v26, v3;
	_ =	sdelay $0x1  }
0x646: {  	v47 =	vperm.xlane v26, v5;
	v27 =	vadd.s32 v4, v27;
	_ =	sdelay $0x1  }
0x647: {  	s0 =	sld [smem:$0x7BB];
	v48 =	vperm.xlane v26, v6;
	v28 =	vadd.s32 v4, v47;
	_ =	sdelay $0x1  }
0x648: {  	s13 =	sld [smem:$0x7BC];
	v49 =	vperm.xlane v26, v7;
	v29 =	vadd.s32 v4, v48  }
0x649: {  	[tilespmem:s0], [sflag:$0x7] =	stream.indirect_vreg.gather [hbm4b:s6+s2], $0x80, v27, vm0, $0xb8;
	[tilespmem:$0x10400] =	vst v63  }
0x64a: {  	v50 =	vperm.xlane v26, v8;
	s0 =	sld [smem:$0x7BD];
	v27 =	vadd.s32 v4, v49  }
0x64b: {  	[tilespmem:s13], [sflag:$0x7] =	stream.indirect_vreg.gather [hbm4b:s6+s2], $0x80, v28, vm0, $0xb8;
	[tilespmem:$0x10400] =	vst v63  }
0x64c: {  	v52 =	vperm.xlane v26, v2;
	v51 =	vadd.s32 v4, v50;
	s13 =	sld [smem:$0x7BE]  }
0x64d: {  	[tilespmem:s0], [sflag:$0x7] =	stream.indirect_vreg.gather [hbm4b:s6+s2], $0x80, v29, vm0, $0xb8;
	[tilespmem:$0x10400] =	vst v63  }
0x64e: {  	v54 =	vperm.xlane v26, v9;
	v53 =	vadd.s32 v4, v52;
	s0 =	sld [smem:$0x7BF]  }
0x64f: {  	[tilespmem:s13], [sflag:$0x7] =	stream.indirect_vreg.gather [hbm4b:s6+s2], $0x80, v27, vm0, $0xb8;
	[tilespmem:$0x10400] =	vst v63  }
0x650: {  	v55 =	vperm.xlane v26, v1;
	s13 =	sld [smem:$0x7C0];
	v27 =	vadd.s32 v4, v54  }
0x651: {  	[tilespmem:s0], [sflag:$0x7] =	stream.indirect_vreg.gather [hbm4b:s6+s2], $0x80, v51, vm0, $0xb8;
	[tilespmem:$0x10400] =	vst v63  }
0x652: {  	v57 =	vperm.xlane v26, v10;
	v56 =	vadd.s32 v4, v55;
	s0 =	sld [smem:$0x7C1]  }
0x653: {  	[tilespmem:s13], [sflag:$0x7] =	stream.indirect_vreg.gather [hbm4b:s6+s2], $0x80, v53, vm0, $0xb8;
	[tilespmem:$0x10400] =	vst v63  }
0x654: {  	v59 =	vperm.xlane v26, v11;
	v58 =	vadd.s32 v4, v57;
	s13 =	sld [smem:$0x7C2]  }
0x655: {  	[tilespmem:s0], [sflag:$0x7] =	stream.indirect_vreg.gather [hbm4b:s6+s2], $0x80, v27, vm0, $0xb8;
	[tilespmem:$0x10400] =	vst v63  }
0x656: {  	v60 =	vperm.xlane v26, v12;
	s0 =	sld [smem:$0x7C3];
	v27 =	vadd.s32 v4, v59  }
0x657: {  	[tilespmem:s13], [sflag:$0x7] =	stream.indirect_vreg.gather [hbm4b:s6+s2], $0x80, v56, vm0, $0xb8;
	[tilespmem:$0x10400] =	vst v63  }
0x658: {  	v62 =	vperm.xlane v26, v14;
	v61 =	vadd.s32 v4, v60;
	s13 =	sld [smem:$0x7C4]  }
0x659: {  	[tilespmem:s0], [sflag:$0x7] =	stream.indirect_vreg.gather [hbm4b:s6+s2], $0x80, v58, vm0, $0xb8;
	[tilespmem:$0x10400] =	vst v63  }
0x65a: {  	v33 =	vperm.xlane v26, v15;
	v63 =	vadd.s32 v4, v62;
	s0 =	sld [smem:$0x7C5]  }
0x65b: {  	[tilespmem:s13], [sflag:$0x7] =	stream.indirect_vreg.gather [hbm4b:s6+s2], $0x80, v27, vm0, $0xb8;
	[tilespmem:$0x10400] =	vst v63  }
0x65c: {  	v34 =	vperm.xlane v26, v16;
	s13 =	sld [smem:$0x7C6];
	v27 =	vadd.s32 v4, v33  }
0x65d: {  	[tilespmem:s0], [sflag:$0x7] =	stream.indirect_vreg.gather [hbm4b:s6+s2], $0x80, v61, vm0, $0xb8;
	[tilespmem:$0x10400] =	vst v63  }
0x65e: {  	v36 =	vperm.xlane v26, v17;
	v35 =	vadd.s32 v4, v34;
	s0 =	sld [smem:$0x7C7]  }
0x65f: {  	[tilespmem:s13], [sflag:$0x7] =	stream.indirect_vreg.gather [hbm4b:s6+s2], $0x80, v63, vm0, $0xb8;
	[tilespmem:$0x10400] =	vst v63  }
0x660: {  	v26 =	vperm.xlane v26, v18;
	v37 =	vadd.s32 v4, v36;
	s13 =	sld [smem:$0x7C8]  }
0x661: {  	[tilespmem:s0], [sflag:$0x7] =	stream.indirect_vreg.gather [hbm4b:s6+s2], $0x80, v27, vm0, $0xb8;
	[tilespmem:$0x10400] =	vst v63  }
0x662: {  	v26 =	vadd.s32 v4, v26;
	s0 =	sld [smem:$0x7C9]  }
0x663: {  	[tilespmem:s13], [sflag:$0x7] =	stream.indirect_vreg.gather [hbm4b:s6+s2], $0x80, v35, vm0, $0xb8;
	[tilespmem:$0x10400] =	vst v63  }
0x664: {  	s13 =	sld [smem:$0x7CA]  }
0x665: {  	[tilespmem:s0], [sflag:$0x7] =	stream.indirect_vreg.gather [hbm4b:s6+s2], $0x80, v37, vm0, $0xb8;
	[tilespmem:$0x10400] =	vst v63  }
0x666: {  	_ = 	snop  }
0x667: {  	[tilespmem:s13], [sflag:$0x7] =	stream.indirect_vreg.gather [hbm4b:s6+s2], $0x80, v26, vm0, $0xb8;
	[tilespmem:$0x10400] =	vst v63  }
0x668: {  	v26 =	vld [tilespmem:$0x1C0];
	_ =	sdelay $0x4  }
0x669: {  	v27 =	vshll.u32 v26, $0x5  }
0x66a: {  	v26 =	vand.u32 $0x7, v26;
	v27 =	vand.u32 $0xFFFFFF00, v27  }
0x66b: {  	v26 =	vor.u32 v26, v27  }
0x66c: {  	v27 =	vperm.xlane v26, v3;
	_ =	sdelay $0x1  }
0x66d: {  	v38 =	vperm.xlane v26, v5;
	v27 =	vadd.s32 v4, v27;
	_ =	sdelay $0x1  }
0x66e: {  	v39 =	vperm.xlane v26, v6;
	v28 =	vadd.s32 v4, v38;
	_ =	sdelay $0x1  }
0x66f: {  	s0 =	sld [smem:$0x7CB];
	v40 =	vperm.xlane v26, v7;
	v29 =	vadd.s32 v4, v39  }
0x670: {  	[tilespmem:s29], [sflag:$0x8] =	stream.indirect_vreg.gather [hbm4b:s6+s2], $0x80, v27, vm0, $0xb8;
	[tilespmem:$0x10400] =	vst v63  }
0x671: {  	s13 =	sld [smem:$0x7CC];
	v41 =	vperm.xlane v26, v8;
	v27 =	vadd.s32 v4, v40  }
0x672: {  	[tilespmem:s0], [sflag:$0x8] =	stream.indirect_vreg.gather [hbm4b:s6+s2], $0x80, v28, vm0, $0xb8;
	[tilespmem:$0x10400] =	vst v63  }
0x673: {  	v43 =	vperm.xlane v26, v2;
	v42 =	vadd.s32 v4, v41;
	s0 =	sld [smem:$0x7CD]  }
0x674: {  	[tilespmem:s13], [sflag:$0x8] =	stream.indirect_vreg.gather [hbm4b:s6+s2], $0x80, v29, vm0, $0xb8;
	[tilespmem:$0x10400] =	vst v63  }
0x675: {  	v45 =	vperm.xlane v26, v9;
	v44 =	vadd.s32 v4, v43;
	s13 =	sld [smem:$0x7CE]  }
0x676: {  	[tilespmem:s0], [sflag:$0x8] =	stream.indirect_vreg.gather [hbm4b:s6+s2], $0x80, v27, vm0, $0xb8;
	[tilespmem:$0x10400] =	vst v63  }
0x677: {  	v46 =	vperm.xlane v26, v1;
	s0 =	sld [smem:$0x7CF];
	v27 =	vadd.s32 v4, v45  }
0x678: {  	[tilespmem:s13], [sflag:$0x8] =	stream.indirect_vreg.gather [hbm4b:s6+s2], $0x80, v42, vm0, $0xb8;
	[tilespmem:$0x10400] =	vst v63  }
0x679: {  	v48 =	vperm.xlane v26, v10;
	v47 =	vadd.s32 v4, v46;
	s13 =	sld [smem:$0x7D0]  }
0x67a: {  	[tilespmem:s0], [sflag:$0x8] =	stream.indirect_vreg.gather [hbm4b:s6+s2], $0x80, v44, vm0, $0xb8;
	[tilespmem:$0x10400] =	vst v63  }
0x67b: {  	v50 =	vperm.xlane v26, v11;
	v49 =	vadd.s32 v4, v48;
	s0 =	sld [smem:$0x7D1]  }
0x67c: {  	[tilespmem:s13], [sflag:$0x8] =	stream.indirect_vreg.gather [hbm4b:s6+s2], $0x80, v27, vm0, $0xb8;
	[tilespmem:$0x10400] =	vst v63  }
0x67d: {  	v51 =	vperm.xlane v26, v12;
	s13 =	sld [smem:$0x7D2];
	v27 =	vadd.s32 v4, v50  }
0x67e: {  	[tilespmem:s0], [sflag:$0x8] =	stream.indirect_vreg.gather [hbm4b:s6+s2], $0x80, v47, vm0, $0xb8;
	[tilespmem:$0x10400] =	vst v63  }
0x67f: {  	v53 =	vperm.xlane v26, v14;
	v52 =	vadd.s32 v4, v51;
	s0 =	sld [smem:$0x7D3]  }
0x680: {  	[tilespmem:s13], [sflag:$0x8] =	stream.indirect_vreg.gather [hbm4b:s6+s2], $0x80, v49, vm0, $0xb8;
	[tilespmem:$0x10400] =	vst v63  }
0x681: {  	v55 =	vperm.xlane v26, v15;
	v54 =	vadd.s32 v4, v53;
	s13 =	sld [smem:$0x7D4]  }
0x682: {  	[tilespmem:s0], [sflag:$0x8] =	stream.indirect_vreg.gather [hbm4b:s6+s2], $0x80, v27, vm0, $0xb8;
	[tilespmem:$0x10400] =	vst v63  }
0x683: {  	v56 =	vperm.xlane v26, v16;
	s0 =	sld [smem:$0x7D5];
	v27 =	vadd.s32 v4, v55  }
0x684: {  	[tilespmem:s13], [sflag:$0x8] =	stream.indirect_vreg.gather [hbm4b:s6+s2], $0x80, v52, vm0, $0xb8;
	[tilespmem:$0x10400] =	vst v63  }
0x685: {  	v58 =	vperm.xlane v26, v17;
	v57 =	vadd.s32 v4, v56;
	s13 =	sld [smem:$0x7D6]  }
0x686: {  	[tilespmem:s0], [sflag:$0x8] =	stream.indirect_vreg.gather [hbm4b:s6+s2], $0x80, v54, vm0, $0xb8;
	[tilespmem:$0x10400] =	vst v63  }
0x687: {  	v26 =	vperm.xlane v26, v18;
	v59 =	vadd.s32 v4, v58;
	s0 =	sld [smem:$0x7D8]  }
0x688: {  	[tilespmem:s13], [sflag:$0x8] =	stream.indirect_vreg.gather [hbm4b:s6+s2], $0x80, v27, vm0, $0xb8;
	[tilespmem:$0x10400] =	vst v63  }
0x689: {  	v26 =	vadd.s32 v4, v26;
	s13 =	sld [smem:$0x7D9]  }
0x68a: {  	[tilespmem:s0], [sflag:$0x8] =	stream.indirect_vreg.gather [hbm4b:s6+s2], $0x80, v57, vm0, $0xb8;
	[tilespmem:$0x10400] =	vst v63  }
0x68b: {  	s0 =	sld [smem:$0x7DA]  }
0x68c: {  	[tilespmem:s13], [sflag:$0x8] =	stream.indirect_vreg.gather [hbm4b:s6+s2], $0x80, v59, vm0, $0xb8;
	[tilespmem:$0x10400] =	vst v63  }
0x68d: {  	_ = 	snop  }
0x68e: {  	[tilespmem:s0], [sflag:$0x8] =	stream.indirect_vreg.gather [hbm4b:s6+s2], $0x80, v26, vm0, $0xb8;
	[tilespmem:$0x10400] =	vst v63  }
0x68f: {  	v26 =	vld [tilespmem:$0x1D0];
	_ =	sdelay $0x4  }
0x690: {  	v27 =	vshll.u32 v26, $0x5  }
0x691: {  	v26 =	vand.u32 $0x7, v26;
	v27 =	vand.u32 $0xFFFFFF00, v27  }
0x692: {  	v26 =	vor.u32 v26, v27  }
0x693: {  	v27 =	vperm.xlane v26, v3;
	_ =	sdelay $0x1  }
0x694: {  	v60 =	vperm.xlane v26, v5;
	v27 =	vadd.s32 v4, v27;
	_ =	sdelay $0x1  }
0x695: {  	s0 =	sld [smem:$0x7DB];
	v61 =	vperm.xlane v26, v6;
	v28 =	vadd.s32 v4, v60;
	_ =	sdelay $0x1  }
0x696: {  	s13 =	sld [smem:$0x7DC];
	v62 =	vperm.xlane v26, v7;
	v29 =	vadd.s32 v4, v61  }
0x697: {  	[tilespmem:s0], [sflag:$0x8] =	stream.indirect_vreg.gather [hbm4b:s6+s2], $0x80, v27, vm0, $0xb8;
	[tilespmem:$0x10400] =	vst v63  }
0x698: {  	v63 =	vperm.xlane v26, v8;
	s0 =	sld [smem:$0x7DD];
	v27 =	vadd.s32 v4, v62  }
0x699: {  	[tilespmem:s13], [sflag:$0x8] =	stream.indirect_vreg.gather [hbm4b:s6+s2], $0x80, v28, vm0, $0xb8;
	[tilespmem:$0x10400] =	vst v63  }
0x69a: {  	v34 =	vperm.xlane v26, v2;
	v33 =	vadd.s32 v4, v63;
	s13 =	sld [smem:$0x7DE]  }
0x69b: {  	[tilespmem:s0], [sflag:$0x8] =	stream.indirect_vreg.gather [hbm4b:s6+s2], $0x80, v29, vm0, $0xb8;
	[tilespmem:$0x10400] =	vst v63  }
0x69c: {  	v36 =	vperm.xlane v26, v9;
	v35 =	vadd.s32 v4, v34;
	s0 =	sld [smem:$0x7DF]  }
0x69d: {  	[tilespmem:s13], [sflag:$0x8] =	stream.indirect_vreg.gather [hbm4b:s6+s2], $0x80, v27, vm0, $0xb8;
	[tilespmem:$0x10400] =	vst v63  }
0x69e: {  	v37 =	vperm.xlane v26, v1;
	s13 =	sld [smem:$0x7E0];
	v27 =	vadd.s32 v4, v36  }
0x69f: {  	[tilespmem:s0], [sflag:$0x8] =	stream.indirect_vreg.gather [hbm4b:s6+s2], $0x80, v33, vm0, $0xb8;
	[tilespmem:$0x10400] =	vst v63  }
0x6a0: {  	v39 =	vperm.xlane v26, v10;
	v38 =	vadd.s32 v4, v37;
	s0 =	sld [smem:$0x7E1]  }
0x6a1: {  	[tilespmem:s13], [sflag:$0x8] =	stream.indirect_vreg.gather [hbm4b:s6+s2], $0x80, v35, vm0, $0xb8;
	[tilespmem:$0x10400] =	vst v63  }
0x6a2: {  	v41 =	vperm.xlane v26, v11;
	v40 =	vadd.s32 v4, v39;
	s13 =	sld [smem:$0x7E2]  }
0x6a3: {  	[tilespmem:s0], [sflag:$0x8] =	stream.indirect_vreg.gather [hbm4b:s6+s2], $0x80, v27, vm0, $0xb8;
	[tilespmem:$0x10400] =	vst v63  }
0x6a4: {  	v42 =	vperm.xlane v26, v12;
	s0 =	sld [smem:$0x7E3];
	v27 =	vadd.s32 v4, v41  }
0x6a5: {  	[tilespmem:s13], [sflag:$0x8] =	stream.indirect_vreg.gather [hbm4b:s6+s2], $0x80, v38, vm0, $0xb8;
	[tilespmem:$0x10400] =	vst v63  }
0x6a6: {  	v44 =	vperm.xlane v26, v14;
	v43 =	vadd.s32 v4, v42;
	s13 =	sld [smem:$0x7E4]  }
0x6a7: {  	[tilespmem:s0], [sflag:$0x8] =	stream.indirect_vreg.gather [hbm4b:s6+s2], $0x80, v40, vm0, $0xb8;
	[tilespmem:$0x10400] =	vst v63  }
0x6a8: {  	v46 =	vperm.xlane v26, v15;
	v45 =	vadd.s32 v4, v44;
	s0 =	sld [smem:$0x7E5]  }
0x6a9: {  	[tilespmem:s13], [sflag:$0x8] =	stream.indirect_vreg.gather [hbm4b:s6+s2], $0x80, v27, vm0, $0xb8;
	[tilespmem:$0x10400] =	vst v63  }
0x6aa: {  	v47 =	vperm.xlane v26, v16;
	s13 =	sld [smem:$0x7E6];
	v27 =	vadd.s32 v4, v46  }
0x6ab: {  	[tilespmem:s0], [sflag:$0x8] =	stream.indirect_vreg.gather [hbm4b:s6+s2], $0x80, v43, vm0, $0xb8;
	[tilespmem:$0x10400] =	vst v63  }
0x6ac: {  	v49 =	vperm.xlane v26, v17;
	v48 =	vadd.s32 v4, v47;
	s0 =	sld [smem:$0x7E7]  }
0x6ad: {  	[tilespmem:s13], [sflag:$0x8] =	stream.indirect_vreg.gather [hbm4b:s6+s2], $0x80, v45, vm0, $0xb8;
	[tilespmem:$0x10400] =	vst v63  }
0x6ae: {  	v26 =	vperm.xlane v26, v18;
	v50 =	vadd.s32 v4, v49;
	s13 =	sld [smem:$0x7E8]  }
0x6af: {  	[tilespmem:s0], [sflag:$0x8] =	stream.indirect_vreg.gather [hbm4b:s6+s2], $0x80, v27, vm0, $0xb8;
	[tilespmem:$0x10400] =	vst v63  }
0x6b0: {  	v26 =	vadd.s32 v4, v26;
	s0 =	sld [smem:$0x7E9]  }
0x6b1: {  	[tilespmem:s13], [sflag:$0x8] =	stream.indirect_vreg.gather [hbm4b:s6+s2], $0x80, v48, vm0, $0xb8;
	[tilespmem:$0x10400] =	vst v63  }
0x6b2: {  	s13 =	sld [smem:$0x7EA]  }
0x6b3: {  	[tilespmem:s0], [sflag:$0x8] =	stream.indirect_vreg.gather [hbm4b:s6+s2], $0x80, v50, vm0, $0xb8;
	[tilespmem:$0x10400] =	vst v63  }
0x6b4: {  	_ = 	snop  }
0x6b5: {  	[tilespmem:s13], [sflag:$0x8] =	stream.indirect_vreg.gather [hbm4b:s6+s2], $0x80, v26, vm0, $0xb8;
	[tilespmem:$0x10400] =	vst v63  }
0x6b6: {  	v26 =	vld [tilespmem:$0x1E0];
	_ =	sdelay $0x4  }
0x6b7: {  	v27 =	vshll.u32 v26, $0x5  }
0x6b8: {  	v26 =	vand.u32 $0x7, v26;
	v27 =	vand.u32 $0xFFFFFF00, v27  }
0x6b9: {  	v26 =	vor.u32 v26, v27  }
0x6ba: {  	v27 =	vperm.xlane v26, v3;
	_ =	sdelay $0x1  }
0x6bb: {  	v51 =	vperm.xlane v26, v5;
	v27 =	vadd.s32 v4, v27;
	_ =	sdelay $0x1  }
0x6bc: {  	s0 =	sld [smem:$0x7EB];
	v52 =	vperm.xlane v26, v6;
	v28 =	vadd.s32 v4, v51;
	_ =	sdelay $0x1  }
0x6bd: {  	s13 =	sld [smem:$0x7EC];
	v53 =	vperm.xlane v26, v7;
	v29 =	vadd.s32 v4, v52  }
0x6be: {  	[tilespmem:s0], [sflag:$0x8] =	stream.indirect_vreg.gather [hbm4b:s6+s2], $0x80, v27, vm0, $0xb8;
	[tilespmem:$0x10400] =	vst v63  }
0x6bf: {  	v54 =	vperm.xlane v26, v8;
	s0 =	sld [smem:$0x7ED];
	v27 =	vadd.s32 v4, v53  }
0x6c0: {  	[tilespmem:s13], [sflag:$0x8] =	stream.indirect_vreg.gather [hbm4b:s6+s2], $0x80, v28, vm0, $0xb8;
	[tilespmem:$0x10400] =	vst v63  }
0x6c1: {  	v56 =	vperm.xlane v26, v2;
	v55 =	vadd.s32 v4, v54;
	s13 =	sld [smem:$0x7EE]  }
0x6c2: {  	[tilespmem:s0], [sflag:$0x8] =	stream.indirect_vreg.gather [hbm4b:s6+s2], $0x80, v29, vm0, $0xb8;
	[tilespmem:$0x10400] =	vst v63  }
0x6c3: {  	v58 =	vperm.xlane v26, v9;
	v57 =	vadd.s32 v4, v56;
	s0 =	sld [smem:$0x7EF]  }
0x6c4: {  	[tilespmem:s13], [sflag:$0x8] =	stream.indirect_vreg.gather [hbm4b:s6+s2], $0x80, v27, vm0, $0xb8;
	[tilespmem:$0x10400] =	vst v63  }
0x6c5: {  	v59 =	vperm.xlane v26, v1;
	s13 =	sld [smem:$0x7F0];
	v27 =	vadd.s32 v4, v58  }
0x6c6: {  	[tilespmem:s0], [sflag:$0x8] =	stream.indirect_vreg.gather [hbm4b:s6+s2], $0x80, v55, vm0, $0xb8;
	[tilespmem:$0x10400] =	vst v63  }
0x6c7: {  	v61 =	vperm.xlane v26, v10;
	v60 =	vadd.s32 v4, v59;
	s0 =	sld [smem:$0x7F1]  }
0x6c8: {  	[tilespmem:s13], [sflag:$0x8] =	stream.indirect_vreg.gather [hbm4b:s6+s2], $0x80, v57, vm0, $0xb8;
	[tilespmem:$0x10400] =	vst v63  }
0x6c9: {  	v63 =	vperm.xlane v26, v11;
	v62 =	vadd.s32 v4, v61;
	s13 =	sld [smem:$0x7F2]  }
0x6ca: {  	[tilespmem:s0], [sflag:$0x8] =	stream.indirect_vreg.gather [hbm4b:s6+s2], $0x80, v27, vm0, $0xb8;
	[tilespmem:$0x10400] =	vst v63  }
0x6cb: {  	v33 =	vperm.xlane v26, v12;
	s0 =	sld [smem:$0x7F3];
	v27 =	vadd.s32 v4, v63  }
0x6cc: {  	[tilespmem:s13], [sflag:$0x8] =	stream.indirect_vreg.gather [hbm4b:s6+s2], $0x80, v60, vm0, $0xb8;
	[tilespmem:$0x10400] =	vst v63  }
0x6cd: {  	v35 =	vperm.xlane v26, v14;
	v34 =	vadd.s32 v4, v33;
	s13 =	sld [smem:$0x7F4]  }
0x6ce: {  	[tilespmem:s0], [sflag:$0x8] =	stream.indirect_vreg.gather [hbm4b:s6+s2], $0x80, v62, vm0, $0xb8;
	[tilespmem:$0x10400] =	vst v63  }
0x6cf: {  	v37 =	vperm.xlane v26, v15;
	v36 =	vadd.s32 v4, v35;
	s0 =	sld [smem:$0x7F5]  }
0x6d0: {  	[tilespmem:s13], [sflag:$0x8] =	stream.indirect_vreg.gather [hbm4b:s6+s2], $0x80, v27, vm0, $0xb8;
	[tilespmem:$0x10400] =	vst v63  }
0x6d1: {  	v38 =	vperm.xlane v26, v16;
	s13 =	sld [smem:$0x7F6];
	v27 =	vadd.s32 v4, v37  }
0x6d2: {  	[tilespmem:s0], [sflag:$0x8] =	stream.indirect_vreg.gather [hbm4b:s6+s2], $0x80, v34, vm0, $0xb8;
	[tilespmem:$0x10400] =	vst v63  }
0x6d3: {  	v40 =	vperm.xlane v26, v17;
	v39 =	vadd.s32 v4, v38;
	s0 =	sld [smem:$0x7F7]  }
0x6d4: {  	[tilespmem:s13], [sflag:$0x8] =	stream.indirect_vreg.gather [hbm4b:s6+s2], $0x80, v36, vm0, $0xb8;
	[tilespmem:$0x10400] =	vst v63  }
0x6d5: {  	v26 =	vperm.xlane v26, v18;
	v41 =	vadd.s32 v4, v40;
	s13 =	sld [smem:$0x7F8]  }
0x6d6: {  	[tilespmem:s0], [sflag:$0x8] =	stream.indirect_vreg.gather [hbm4b:s6+s2], $0x80, v27, vm0, $0xb8;
	[tilespmem:$0x10400] =	vst v63  }
0x6d7: {  	v26 =	vadd.s32 v4, v26;
	s0 =	sld [smem:$0x7D7]  }
0x6d8: {  	[tilespmem:s13], [sflag:$0x8] =	stream.indirect_vreg.gather [hbm4b:s6+s2], $0x80, v39, vm0, $0xb8;
	[tilespmem:$0x10400] =	vst v63  }
0x6d9: {  	s13 =	sld [smem:$0x797]  }
0x6da: {  	[tilespmem:s0], [sflag:$0x8] =	stream.indirect_vreg.gather [hbm4b:s6+s2], $0x80, v41, vm0, $0xb8;
	[tilespmem:$0x10400] =	vst v63  }
0x6db: {  	_ = 	snop  }
0x6dc: {  	[tilespmem:s13], [sflag:$0x8] =	stream.indirect_vreg.gather [hbm4b:s6+s2], $0x80, v26, vm0, $0xb8;
	[tilespmem:$0x10400] =	vst v63  }
0x6dd: {  	v26 =	vld [tilespmem:$0x1F0];
	_ =	sdelay $0x4  }
0x6de: {  	v27 =	vshll.u32 v26, $0x5  }
0x6df: {  	v26 =	vand.u32 $0x7, v26;
	v27 =	vand.u32 $0xFFFFFF00, v27  }
0x6e0: {  	v26 =	vor.u32 v26, v27  }
0x6e1: {  	v27 =	vperm.xlane v26, v3;
	_ =	sdelay $0x1  }
0x6e2: {  	v42 =	vperm.xlane v26, v5;
	v27 =	vadd.s32 v4, v27;
	_ =	sdelay $0x1  }
0x6e3: {  	s0 =	sld [smem:$0x757];
	v43 =	vperm.xlane v26, v6;
	v28 =	vadd.s32 v4, v42;
	_ =	sdelay $0x1  }
0x6e4: {  	s13 =	sld [smem:$0x71A];
	v44 =	vperm.xlane v26, v7;
	v29 =	vadd.s32 v4, v43  }
0x6e5: {  	[tilespmem:s0], [sflag:$0x8] =	stream.indirect_vreg.gather [hbm4b:s6+s2], $0x80, v27, vm0, $0xb8;
	[tilespmem:$0x10400] =	vst v63  }
0x6e6: {  	v45 =	vperm.xlane v26, v8;
	s0 =	sld [smem:$0x719];
	v27 =	vadd.s32 v4, v44  }
0x6e7: {  	[tilespmem:s13], [sflag:$0x8] =	stream.indirect_vreg.gather [hbm4b:s6+s2], $0x80, v28, vm0, $0xb8;
	[tilespmem:$0x10400] =	vst v63  }
0x6e8: {  	v47 =	vperm.xlane v26, v2;
	v46 =	vadd.s32 v4, v45;
	s13 =	sld [smem:$0x718]  }
0x6e9: {  	[tilespmem:s0], [sflag:$0x8] =	stream.indirect_vreg.gather [hbm4b:s6+s2], $0x80, v29, vm0, $0xb8;
	[tilespmem:$0x10400] =	vst v63  }
0x6ea: {  	v49 =	vperm.xlane v26, v9;
	v48 =	vadd.s32 v4, v47;
	s0 =	sld [smem:$0x717]  }
0x6eb: {  	[tilespmem:s13], [sflag:$0x8] =	stream.indirect_vreg.gather [hbm4b:s6+s2], $0x80, v27, vm0, $0xb8;
	[tilespmem:$0x10400] =	vst v63  }
0x6ec: {  	v50 =	vperm.xlane v26, v1;
	s13 =	sld [smem:$0x7F9];
	v27 =	vadd.s32 v4, v49  }
0x6ed: {  	[tilespmem:s0], [sflag:$0x8] =	stream.indirect_vreg.gather [hbm4b:s6+s2], $0x80, v46, vm0, $0xb8;
	[tilespmem:$0x10400] =	vst v63  }
0x6ee: {  	v52 =	vperm.xlane v26, v10;
	v51 =	vadd.s32 v4, v50;
	s0 =	sld [smem:$0x7FA]  }
0x6ef: {  	[tilespmem:s13], [sflag:$0x8] =	stream.indirect_vreg.gather [hbm4b:s6+s2], $0x80, v48, vm0, $0xb8;
	[tilespmem:$0x10400] =	vst v63  }
0x6f0: {  	v54 =	vperm.xlane v26, v11;
	v53 =	vadd.s32 v4, v52;
	s13 =	sld [smem:$0x7FB]  }
0x6f1: {  	[tilespmem:s0], [sflag:$0x8] =	stream.indirect_vreg.gather [hbm4b:s6+s2], $0x80, v27, vm0, $0xb8;
	[tilespmem:$0x10400] =	vst v63  }
0x6f2: {  	v55 =	vperm.xlane v26, v12;
	s0 =	sld [smem:$0x7FC];
	v27 =	vadd.s32 v4, v54  }
0x6f3: {  	[tilespmem:s13], [sflag:$0x8] =	stream.indirect_vreg.gather [hbm4b:s6+s2], $0x80, v51, vm0, $0xb8;
	[tilespmem:$0x10400] =	vst v63  }
0x6f4: {  	v57 =	vperm.xlane v26, v14;
	v56 =	vadd.s32 v4, v55;
	s13 =	sld [smem:$0x7FD]  }
0x6f5: {  	[tilespmem:s0], [sflag:$0x8] =	stream.indirect_vreg.gather [hbm4b:s6+s2], $0x80, v53, vm0, $0xb8;
	[tilespmem:$0x10400] =	vst v63  }
0x6f6: {  	v59 =	vperm.xlane v26, v15;
	v58 =	vadd.s32 v4, v57  }
0x6f7: {  	[tilespmem:s13], [sflag:$0x8] =	stream.indirect_vreg.gather [hbm4b:s6+s2], $0x80, v27, vm0, $0xb8;
	[tilespmem:$0x10400] =	vst v63  }
0x6f8: {  	v60 =	vperm.xlane v26, v16;
	v27 =	vadd.s32 v4, v59  }
0x6f9: {  	[tilespmem:s24], [sflag:$0x8] =	stream.indirect_vreg.gather [hbm4b:s6+s2], $0x80, v56, vm0, $0xb8;
	[tilespmem:$0x10400] =	vst v63  }
0x6fa: {  	v62 =	vperm.xlane v26, v17;
	v61 =	vadd.s32 v4, v60;
	s13 =	simm.s32 $0xFF80  }
0x6fb: {  	[tilespmem:s13], [sflag:$0x8] =	stream.indirect_vreg.gather [hbm4b:s6+s2], $0x80, v58, vm0, $0xb8;
	[tilespmem:$0x10400] =	vst v63  }
0x6fc: {  	v26 =	vperm.xlane v26, v18;
	v63 =	vadd.s32 v4, v62  }
0x6fd: {  	[tilespmem:s14], [sflag:$0x8] =	stream.indirect_vreg.gather [hbm4b:s6+s2], $0x80, v27, vm0, $0xb8;
	[tilespmem:$0x10400] =	vst v63  }
0x6fe: {  	v26 =	vadd.s32 v4, v26  }
0x6ff: {  	[tilespmem:s15], [sflag:$0x8] =	stream.indirect_vreg.gather [hbm4b:s6+s2], $0x80, v61, vm0, $0xb8;
	[tilespmem:$0x10400] =	vst v63  }
0x700: {  	_ = 	snop  }
0x701: {  	[tilespmem:s16], [sflag:$0x8] =	stream.indirect_vreg.gather [hbm4b:s6+s2], $0x80, v63, vm0, $0xb8;
	[tilespmem:$0x10400] =	vst v63  }
0x702: {  	_ = 	snop  }
0x703: {  	[tilespmem:s17], [sflag:$0x8] =	stream.indirect_vreg.gather [hbm4b:s6+s2], $0x80, v26, vm0, $0xb8;
	[tilespmem:$0x10400] =	vst v63  }
0x704: {  	_ =	swait.ge [sflag:s18], $0x2000  }
0x705: {  	[sflag:s18] =	ssyncset.done $0x0  }
0x706: {  	[sflag:s18] =	ssyncadd.s32 $0xFFFFE000  }
0x707: {  	v26 =	vld.idx.msk [tilespmem:v13+s25+$0x0], $0xffff;
	_ =	sdelay $0x4  }
0x708: {  	[tilespmem:$0x10200] =	vst v26  }
0x709: {  	v26 =	vld.idx.msk [tilespmem:v19+s25+$0x0], $0xffff;
	_ =	sdelay $0x4  }
0x70a: {  	[tilespmem:$0x10210] =	vst v26  }
0x70b: {  	v26 =	vld.idx.msk [tilespmem:v20+s25+$0x0], $0xffff;
	_ =	sdelay $0x4  }
0x70c: {  	[tilespmem:$0x10220] =	vst v26  }
0x70d: {  	v26 =	vld.idx.msk [tilespmem:v21+s25+$0x0], $0xffff;
	_ =	sdelay $0x4  }
0x70e: {  	[tilespmem:$0x10230] =	vst v26  }
0x70f: {  	_ =	swait.ge [sflag:s19], $0x2000  }
0x710: {  	[sflag:s19] =	ssyncset.done $0x0  }
0x711: {  	[sflag:s19] =	ssyncadd.s32 $0xFFFFE000  }
0x712: {  	v26 =	vld.idx.msk [tilespmem:v22+s9+$0x0], $0xffff;
	_ =	sdelay $0x4  }
0x713: {  	[tilespmem:$0x10240] =	vst v26  }
0x714: {  	v26 =	vld.idx.msk [tilespmem:v23+s9+$0x0], $0xffff;
	_ =	sdelay $0x4  }
0x715: {  	[tilespmem:$0x10250] =	vst v26  }
0x716: {  	v26 =	vld.idx.msk [tilespmem:v24+s9+$0x0], $0xffff;
	_ =	sdelay $0x4  }
0x717: {  	[tilespmem:$0x10260] =	vst v26  }
0x718: {  	v26 =	vld.idx.msk [tilespmem:v25+s9+$0x0], $0xffff;
	_ =	sdelay $0x4  }
0x719: {  	[tilespmem:$0x10270] =	vst v26  }
0x71a: {  	_ =	swait.ge [sflag:s20], $0x2000  }
0x71b: {  	[sflag:s20] =	ssyncset.done $0x0  }
0x71c: {  	[sflag:s20] =	ssyncadd.s32 $0xFFFFE000  }
0x71d: {  	v26 =	vld.idx.msk [tilespmem:v13+s10+$0x0], $0xffff;
	_ =	sdelay $0x4  }
0x71e: {  	[tilespmem:$0x10280] =	vst v26  }
0x71f: {  	v26 =	vld.idx.msk [tilespmem:v19+s10+$0x0], $0xffff;
	_ =	sdelay $0x4  }
0x720: {  	[tilespmem:$0x10290] =	vst v26  }
0x721: {  	v26 =	vld.idx.msk [tilespmem:v20+s10+$0x0], $0xffff;
	_ =	sdelay $0x4  }
0x722: {  	[tilespmem:$0x102A0] =	vst v26  }
0x723: {  	v26 =	vld.idx.msk [tilespmem:v21+s10+$0x0], $0xffff;
	_ =	sdelay $0x4  }
0x724: {  	[tilespmem:$0x102B0] =	vst v26  }
0x725: {  	_ =	swait.ge [sflag:s21], $0x2000  }
0x726: {  	[sflag:s21] =	ssyncset.done $0x0  }
0x727: {  	[sflag:s21] =	ssyncadd.s32 $0xFFFFE000  }
0x728: {  	v26 =	vld.idx.msk [tilespmem:v22+s11+$0x0], $0xffff;
	_ =	sdelay $0x4  }
0x729: {  	[tilespmem:$0x102C0] =	vst v26  }
0x72a: {  	v26 =	vld.idx.msk [tilespmem:v23+s11+$0x0], $0xffff;
	_ =	sdelay $0x4  }
0x72b: {  	[tilespmem:$0x102D0] =	vst v26  }
0x72c: {  	v26 =	vld.idx.msk [tilespmem:v24+s11+$0x0], $0xffff;
	_ =	sdelay $0x4  }
0x72d: {  	[tilespmem:$0x102E0] =	vst v26  }
0x72e: {  	v26 =	vld.idx.msk [tilespmem:v25+s11+$0x0], $0xffff;
	_ =	sdelay $0x4  }
0x72f: {  	[tilespmem:$0x102F0] =	vst v26  }
0x730: {  	_ =	swait.ge [sflag:s22], $0x2000  }
0x731: {  	[sflag:s22] =	ssyncset.done $0x0  }
0x732: {  	[sflag:s22] =	ssyncadd.s32 $0xFFFFE000  }
0x733: {  	v26 =	vld.idx.msk [tilespmem:v13+s12+$0x0], $0xffff;
	_ =	sdelay $0x4  }
0x734: {  	[tilespmem:$0x10300] =	vst v26  }
0x735: {  	v26 =	vld.idx.msk [tilespmem:v19+s12+$0x0], $0xffff;
	_ =	sdelay $0x4  }
0x736: {  	[tilespmem:$0x10310] =	vst v26  }
0x737: {  	v26 =	vld.idx.msk [tilespmem:v20+s12+$0x0], $0xffff;
	_ =	sdelay $0x4  }
0x738: {  	[tilespmem:$0x10320] =	vst v26  }
0x739: {  	v26 =	vld.idx.msk [tilespmem:v21+s12+$0x0], $0xffff;
	_ =	sdelay $0x4  }
0x73a: {  	[tilespmem:$0x10330] =	vst v26  }
0x73b: {  	_ =	swait.ge [sflag:s23], $0x2000  }
0x73c: {  	[sflag:s23] =	ssyncset.done $0x0  }
0x73d: {  	[sflag:s23] =	ssyncadd.s32 $0xFFFFE000  }
0x73e: {  	v26 =	vld.idx.msk [tilespmem:v22+s26+$0x0], $0xffff;
	_ =	sdelay $0x4  }
0x73f: {  	[tilespmem:$0x10340] =	vst v26  }
0x740: {  	v26 =	vld.idx.msk [tilespmem:v23+s26+$0x0], $0xffff;
	_ =	sdelay $0x4  }
0x741: {  	[tilespmem:$0x10350] =	vst v26  }
0x742: {  	v26 =	vld.idx.msk [tilespmem:v24+s26+$0x0], $0xffff;
	_ =	sdelay $0x4  }
0x743: {  	[tilespmem:$0x10360] =	vst v26  }
0x744: {  	v26 =	vld.idx.msk [tilespmem:v25+s26+$0x0], $0xffff;
	_ =	sdelay $0x4  }
0x745: {  	[tilespmem:$0x10370] =	vst v26  }
0x746: {  	_ =	swait.ge [sflag:s30], $0x2000  }
0x747: {  	[sflag:s30] =	ssyncset.done $0x0  }
0x748: {  	[sflag:s30] =	ssyncadd.s32 $0xFFFFE000  }
0x749: {  	v26 =	vld.idx.msk [tilespmem:v13+s28+$0x0], $0xffff;
	_ =	sdelay $0x4  }
0x74a: {  	[tilespmem:$0x10380] =	vst v26  }
0x74b: {  	v26 =	vld.idx.msk [tilespmem:v19+s28+$0x0], $0xffff;
	_ =	sdelay $0x4  }
0x74c: {  	[tilespmem:$0x10390] =	vst v26  }
0x74d: {  	v26 =	vld.idx.msk [tilespmem:v20+s28+$0x0], $0xffff;
	_ =	sdelay $0x4  }
0x74e: {  	[tilespmem:$0x103A0] =	vst v26  }
0x74f: {  	v26 =	vld.idx.msk [tilespmem:v21+s28+$0x0], $0xffff;
	_ =	sdelay $0x4  }
0x750: {  	[tilespmem:$0x103B0] =	vst v26  }
0x751: {  	_ =	swait.ge [sflag:s31], $0x2000  }
0x752: {  	[sflag:s31] =	ssyncset.done $0x0  }
0x753: {  	[sflag:s31] =	ssyncadd.s32 $0xFFFFE000  }
0x754: {  	v26 =	vld.idx.msk [tilespmem:v22+s29+$0x0], $0xffff;
	_ =	sdelay $0x4  }
0x755: {  	[tilespmem:$0x103C0] =	vst v26  }
0x756: {  	v26 =	vld.idx.msk [tilespmem:v23+s29+$0x0], $0xffff;
	_ =	sdelay $0x4  }
0x757: {  	[tilespmem:$0x103D0] =	vst v26  }
0x758: {  	v26 =	vld.idx.msk [tilespmem:v24+s29+$0x0], $0xffff;
	_ =	sdelay $0x4  }
0x759: {  	[tilespmem:$0x103E0] =	vst v26  }
0x75a: {  	v26 =	vld.idx.msk [tilespmem:v25+s29+$0x0], $0xffff;
	_ =	sdelay $0x3  }
0x75b: {  	p0 =	sne.s32 s7, $0x1  }
.Ltmp0:
0x75c: {  	s13 =	rddreg [dreg:$0x5];
	[tilespmem:$0x103F0] =	vst v26;
	(pc) =	sbr.rel @p0 .LBB2_1-.Ltmp0, $4  }
0x75d: {  	[hbm4b:s13+s2] =	stream.linear.scatter [tilespmem:s1], [sflag:$0x9], $0x200, $0x38;
	[tilespmem:$0x10400] =	vst v63  }
0x75e: {  	_ =	swait.ge [sflag:s8], $0x200  }
0x75f: {  	[sflag:s8] =	ssyncset.done $0x0  }
0x760: {  	s7 =	sadd.s32 $0xFFFFFFFF, s7;
	[sflag:s8] =	ssyncadd.s32 $0xFFFFFE00  }
0x761: {  	_ =	sfence.sel $0x180000  }
0x762: {  	[bflag:$0x0] =	sbarrier.arrive $0xFFFF  }
0x763: {  	_ =	strace $0x90000047  }
0x764: {  	s0 =	stileid.u32;
	[bflag:$0x2] =	sbarrier.arrive $0xFFFF  }
0x765: {  	p0 =	sne.s32 s0, $0x0;
	s0 =	rddreg [dreg:$0x3]  }
0x766: {  	s0 =	sadd.s32 @!p0 $0x100000, s0  }
0x767: {  	[sflag:s0] =	ssyncadd.tile.s32 @!p0 $0x1;
	_ =	shalt  }
.Lfunc_end2:
_tile_overlayer_lowered:
.L_overlay_start_2:
0x768: {  	(tag) =	ssettag $0x2  }
0x769: {  	s0 =	rddreg [dreg:$0x0];
	s2 =	stileid.u32  }
0x76a: {  	s1 =	rddreg [dreg:$0x1];
	p0 =	sne.s32 s2, $0x0  }
0x76b: {  	s3 =	rddreg [dreg:$0x2];
	[bflag:$0x3] =	sbarrier.arrive $0xFFFF;
	s2 =	simm.s32 @!p0 $0x1C09  }
0x76c: {  	[timem:s3], [sflag:s2] =	dma.local @!p0 [hbm:s0], s1  }
0x76d: {  	s0 =	simm.s32 @!p0 $0x9  }
0x76e: {  	_ =	swait.ge @!p0 [sflag:s0], s1  }
0x76f: {  	s1 =	ssub.s32 @!p0 $0x0, s1;
	[sflag:s0] =	ssyncset.done @!p0 $0x0  }
0x770: {  	[sflag:s0] =	ssyncadd.s32 @!p0 s1  }
0x771: {  	[bflag:$0x3] =	sbarrier.arrive $0xFFFF  }
0x772: {  	_ =	shalt  }

</sc_bundles>
